<compile_context>
chip_gen: v7x
topology: tpu7x:2x2x1
jax: 0.10.2.dev20260603
libtpu: 0.0.44.dev20260713+nightly
codegen_flags: <defaults>
</compile_context>

<pallas_src>
import jax
import jax.numpy as jnp
from jax import lax
from jax.experimental import pallas as pl
from jax.experimental.pallas import tpu as pltpu
from jax.experimental.pallas import tpu_sc as plsc

N_NODES = 10000
N_EDGES = 320000
N_GRAPHS = 256
BLKN = 2000
BLKE = 6400
GW = 128

f32 = jnp.float32
bf16 = jnp.bfloat16

_SC_PARAMS = pltpu.CompilerParams(use_tc_tiling_on_sc=False)


def _relu(x):
    return jnp.maximum(x, 0.0)


def _mm(x, w):
    return jnp.dot(x.astype(bf16), w.astype(bf16), preferred_element_type=f32)


def _tca_body(sites_ref, states_ref, sfc1w, sfc1b, sfc2w, sfc2b,
              gfc1w, gfc1b, gfc2w, gfc2b, bu1w, bu1b, su1w, su1b,
              sfeat_ref, T_ref, gfeat_ref, p4g_ref, psu_ref):
    i = pl.program_id(0)
    x = sites_ref[...]
    h = _relu(_mm(x, sfc1w[...]) + sfc1b[...])
    sf = _relu(_mm(h, sfc2w[...]) + sfc2b[...])
    sfeat_ref[...] = sf
    w = bu1w[...]
    T_ref[...] = jnp.concatenate([_mm(sf, w[0:64]), _mm(sf, w[64:128])],
                                 axis=1)

    @pl.when(i == 0)
    def _():
        xs = states_ref[...]
        hg = _relu(_mm(xs, gfc1w[...]) + gfc1b[...])
        gf = _relu(_mm(hg, gfc2w[...]) + gfc2b[...])
        gfeat_ref[...] = gf
        p4g_ref[...] = _mm(gf, w[192:256]) + bu1b[...]
        psu_ref[...] = _mm(gf, su1w[...][128:192]) + su1b[...]


def _tcb_body(bonds_ref, bfc1w, bfc1b, bfc2w, bfc2b, bf_ref):
    x = bonds_ref[...]
    h = _relu(_mm(x, bfc1w[...]) + bfc1b[...])
    bfeat = _relu(_mm(h, bfc2w[...]) + bfc2b[...])
    bf_ref[...] = jnp.concatenate([bfeat[:BLKE // 2], bfeat[BLKE // 2:]],
                                  axis=1)


def _tcc_body(ab_ref, bfp_ref, g2b_ref, p4g_ref,
              bu1w, bu2w, bu2b, bu3w, bu3b,
              bout_ref, bnew_ref, bpool_ref, bcnt_ref):
    i = pl.program_id(0)
    bfp = bfp_ref[...]
    bfeat = jnp.concatenate([bfp[:, 0:64], bfp[:, 64:128]], axis=0)
    g2b = g2b_ref[0, 0, :]
    oh = (lax.broadcasted_iota(jnp.int32, (BLKE, N_GRAPHS), 1)
          == g2b[:, None]).astype(bf16)
    oht = (lax.broadcasted_iota(jnp.int32, (N_GRAPHS, BLKE), 0)
           == g2b[None, :])
    gterm = jnp.dot(oh, p4g_ref[...].astype(bf16), preferred_element_type=f32)
    w3 = bu1w[...][128:192]
    ab = ab_ref[...]
    h1 = _relu(ab[:, 0:64] + ab[:, 64:128] + _mm(bfeat, w3) + gterm)
    h2 = _relu(_mm(h1, bu2w[...]) + bu2b[...])
    bn = _relu(_mm(h2, bu3w[...]) + bu3b[...])
    bout_ref[...] = (bn + bfeat).T
    bnew_ref[...] = jnp.concatenate([bn[:BLKE // 2], bn[BLKE // 2:]], axis=1)

    @pl.when(i == 0)
    def _():
        bpool_ref[...] = jnp.zeros_like(bpool_ref)
        bcnt_ref[...] = jnp.zeros_like(bcnt_ref)

    bpool_ref[...] += jnp.dot(oht.astype(bf16), bn.astype(bf16),
                              preferred_element_type=f32)
    bcnt_ref[...] += jnp.sum(oht.astype(f32), axis=1, keepdims=True)


def _tce_body(nsum_ref, ncnt_ref, sfeat_ref, g2s_ref, psu_ref,
              su1w, su2w, su2b, su3w, su3b,
              bpool_ref, bcnt_ref, gfeat_ref,
              xu1w, xu1b, xu2w, xu2b, xu3w, xu3b,
              sout_ref, spool_ref, scnt_ref, gout_ref):
    i = pl.program_id(0)
    nsum = nsum_ref[0] + nsum_ref[1]
    cnt = ncnt_ref[0, :, 0:1] + ncnt_ref[1, :, 0:1]
    bp = nsum / jnp.maximum(cnt, 1.0)
    sf = sfeat_ref[...]
    g2s = g2s_ref[0, 0, :]
    oh = (lax.broadcasted_iota(jnp.int32, (BLKN, N_GRAPHS), 1)
          == g2s[:, None]).astype(bf16)
    oht = (lax.broadcasted_iota(jnp.int32, (N_GRAPHS, BLKN), 0)
           == g2s[None, :])
    w = su1w[...]
    gterm = jnp.dot(oh, psu_ref[...].astype(bf16), preferred_element_type=f32)
    h = _relu(_mm(bp, w[0:64]) + _mm(sf, w[64:128]) + gterm)
    h = _relu(_mm(h, su2w[...]) + su2b[...])
    sn = _relu(_mm(h, su3w[...]) + su3b[...])
    sout_ref[...] = sn + sf

    @pl.when(i == 0)
    def _():
        spool_ref[...] = jnp.zeros_like(spool_ref)
        scnt_ref[...] = jnp.zeros_like(scnt_ref)

    spool_ref[...] += jnp.dot(oht.astype(bf16), sn.astype(bf16),
                              preferred_element_type=f32)
    scnt_ref[...] += jnp.sum(oht.astype(f32), axis=1, keepdims=True)

    @pl.when(i == pl.num_programs(0) - 1)
    def _():
        bp2 = bpool_ref[...] / jnp.maximum(bcnt_ref[...], 1.0)
        sp2 = spool_ref[...] / jnp.maximum(scnt_ref[...], 1.0)
        gf = gfeat_ref[...]
        wx = xu1w[...]
        hx = _relu(_mm(bp2, wx[0:64]) + _mm(sp2, wx[64:128])
                   + _mm(gf, wx[128:192]) + xu1b[...])
        hx = _relu(_mm(hx, xu2w[...]) + xu2b[...])
        gn = _relu(_mm(hx, xu3w[...]) + xu3b[...])
        gout_ref[...] = gn + gf


def _sc_gather(table, idx):
    n_idx = idx.shape[1]
    n_rows = table.shape[0]
    srows = n_rows // 16
    mesh = plsc.VectorSubcoreMesh(core_axis_name="c", subcore_axis_name="s")

    def body(table_hbm, idx_hbm, out_hbm, table_sh):
        sid = lax.axis_index("s")
        pltpu.sync_copy(table_hbm.at[pl.ds(sid * srows, srows)],
                        table_sh.at[pl.ds(sid * srows, srows)])
        plsc.subcore_barrier()

        def inner(i_vmem, o_vmem):
            pltpu.sync_copy(table_sh.at[i_vmem.at[0]], o_vmem)

        pltpu.emit_pipeline(
            inner,
            grid=(n_idx // GW,),
            in_specs=[pl.BlockSpec((1, GW), lambda i: (0, i))],
            out_specs=[pl.BlockSpec((GW, 64), lambda i: (i, 0))],
            core_axis_name=("c", "s"),
            dimension_semantics=(pltpu.PARALLEL,),
        )(idx_hbm, out_hbm)

    fn = pl.kernel(body, out_type=jax.ShapeDtypeStruct((n_idx, 64), f32),
                   mesh=mesh, compiler_params=_SC_PARAMS,
                   scratch_types=[pltpu.VMEM_SHARED((n_rows, 64), f32)])
    return fn(table, idx)


def _sc_scatter(bnew, idx):
    mesh = plsc.VectorSubcoreMesh(core_axis_name="c", subcore_axis_name="s")
    NSUB = 16
    ROWS = N_NODES // NSUB

    def body(bnew_hbm, idx_hbm, nsum_hbm, ncnt_hbm,
             acc_sh, cnt_sh, ones_v, zrow_v, zrow16_v, sem1, sem2):
        cid = lax.axis_index("c")
        sid = lax.axis_index("s")

        @pl.loop(0, GW)
        def _(r):
            ones_v[pl.ds(r, 1), pl.ds(0, 16)] = jnp.ones((1, 16), f32)

        @pl.loop(0, 125)
        def _(r):
            @pl.loop(0, 64, step=16)
            def _(c2):
                zrow_v[pl.ds(r, 1), pl.ds(c2, 16)] = jnp.zeros((1, 16), f32)

            zrow16_v[pl.ds(r, 1), pl.ds(0, 16)] = jnp.zeros((1, 16), f32)

        @pl.loop(0, 5)
        def _(k):
            base = sid * ROWS + k * 125
            pltpu.sync_copy(zrow_v, acc_sh.at[pl.ds(base, 125)])
            pltpu.sync_copy(zrow16_v, cnt_sh.at[pl.ds(base, 125)])

        plsc.subcore_barrier()

        def inner(v_vmem, i_vmem):
            h1 = pltpu.async_copy(v_vmem, acc_sh.at[i_vmem.at[0]], sem1,
                                  add=True)
            h2 = pltpu.async_copy(ones_v, cnt_sh.at[i_vmem.at[0]], sem2,
                                  add=True)
            h1.wait()
            h2.wait()

        pltpu.emit_pipeline(
            inner,
            grid=(N_EDGES // GW,),
            in_specs=[pl.BlockSpec((GW, 64), lambda i: (i, 0)),
                      pl.BlockSpec((1, GW), lambda i: (0, i))],
            out_specs=[],
            core_axis_name=("c", "s"),
            dimension_semantics=(pltpu.PARALLEL,),
        )(bnew_hbm, idx_hbm)

        plsc.subcore_barrier()

        pltpu.sync_copy(acc_sh.at[pl.ds(sid * ROWS, ROWS)],
                        nsum_hbm.at[cid].at[pl.ds(sid * ROWS, ROWS)])
        pltpu.sync_copy(cnt_sh.at[pl.ds(sid * ROWS, ROWS)],
                        ncnt_hbm.at[cid].at[pl.ds(sid * ROWS, ROWS)])

    fn = pl.kernel(
        body,
        out_type=[jax.ShapeDtypeStruct((2, N_NODES, 64), f32),
                  jax.ShapeDtypeStruct((2, N_NODES, 16), f32)],
        mesh=mesh,
        compiler_params=_SC_PARAMS,
        scratch_types=[
            pltpu.VMEM_SHARED((N_NODES, 64), f32),
            pltpu.VMEM_SHARED((N_NODES, 16), f32),
            pltpu.VMEM((GW, 16), f32),
            pltpu.VMEM((125, 64), f32),
            pltpu.VMEM((125, 16), f32),
            pltpu.SemaphoreType.DMA,
            pltpu.SemaphoreType.DMA,
        ],
    )
    return fn(bnew, idx)


def kernel(sites, bonds, states, indices1, indices2, graph_to_sites,
           graph_to_bonds, bfc1_W, bfc1_b, bfc2_W, bfc2_b, sfc1_W, sfc1_b,
           sfc2_W, sfc2_b, gfc1_W, gfc1_b, gfc2_W, gfc2_b, bu1_W, bu1_b,
           bu2_W, bu2_b, bu3_W, bu3_b, su1_W, su1_b, su2_W, su2_b, su3_W,
           su3_b, xu1_W, xu1_b, xu2_W, xu2_b, xu3_W, xu3_b):
    r2 = lambda b: b.reshape(1, -1)
    i32 = jnp.int32
    idx1 = indices1.astype(i32)
    idx2 = indices2.astype(i32)
    g2b = graph_to_bonds.astype(i32)
    g2s = graph_to_sites.astype(i32)

    n_nblk = N_NODES // BLKN
    n_eblk = N_EDGES // BLKE
    const = lambda shp: pl.BlockSpec(shp, lambda i: tuple(0 for _ in shp))

    sfeat, T, gfeat, p4g, psu = pl.pallas_call(
        _tca_body,
        grid=(n_nblk,),
        in_specs=[
            pl.BlockSpec((BLKN, 128), lambda i: (i, 0)),
            const((N_GRAPHS, 128)),
            const((128, 64)), const((1, 64)), const((64, 64)), const((1, 64)),
            const((128, 64)), const((1, 64)), const((64, 64)), const((1, 64)),
            const((256, 64)), const((1, 64)), const((192, 64)), const((1, 64)),
        ],
        out_specs=[
            pl.BlockSpec((BLKN, 64), lambda i: (i, 0)),
            pl.BlockSpec((BLKN, 128), lambda i: (i, 0)),
            const((N_GRAPHS, 64)),
            const((N_GRAPHS, 64)),
            const((N_GRAPHS, 64)),
        ],
        out_shape=[
            jax.ShapeDtypeStruct((N_NODES, 64), f32),
            jax.ShapeDtypeStruct((N_NODES, 128), f32),
            jax.ShapeDtypeStruct((N_GRAPHS, 64), f32),
            jax.ShapeDtypeStruct((N_GRAPHS, 64), f32),
            jax.ShapeDtypeStruct((N_GRAPHS, 64), f32),
        ],
    )(sites, states, sfc1_W, r2(sfc1_b), sfc2_W, r2(sfc2_b),
      gfc1_W, r2(gfc1_b), gfc2_W, r2(gfc2_b), bu1_W, r2(bu1_b),
      su1_W, r2(su1_b))

    table = T.reshape(2 * N_NODES, 64)
    idx_all = jnp.stack([2 * idx1, 2 * idx2 + 1], axis=1).reshape(1, -1)
    ab = _sc_gather(table, idx_all).reshape(N_EDGES, 128)

    bfp = pl.pallas_call(
        _tcb_body,
        grid=(n_eblk,),
        in_specs=[
            pl.BlockSpec((BLKE, 128), lambda i: (i, 0)),
            const((128, 64)), const((1, 64)), const((64, 64)), const((1, 64)),
        ],
        out_specs=pl.BlockSpec((BLKE // 2, 128), lambda i: (i, 0)),
        out_shape=jax.ShapeDtypeStruct((N_EDGES // 2, 128), f32),
    )(bonds, bfc1_W, r2(bfc1_b), bfc2_W, r2(bfc2_b))

    g2b3 = g2b.reshape(n_eblk, 1, BLKE)
    bout, bnew, bpool_s, bcnt = pl.pallas_call(
        _tcc_body,
        grid=(n_eblk,),
        in_specs=[
            pl.BlockSpec((BLKE, 128), lambda i: (i, 0)),
            pl.BlockSpec((BLKE // 2, 128), lambda i: (i, 0)),
            pl.BlockSpec((1, 1, BLKE), lambda i: (i, 0, 0)),
            const((N_GRAPHS, 64)),
            const((256, 64)), const((64, 64)), const((1, 64)),
            const((64, 64)), const((1, 64)),
        ],
        out_specs=[
            pl.BlockSpec((64, BLKE), lambda i: (0, i)),
            pl.BlockSpec((BLKE // 2, 128), lambda i: (i, 0)),
            const((N_GRAPHS, 64)),
            const((N_GRAPHS, 1)),
        ],
        out_shape=[
            jax.ShapeDtypeStruct((64, N_EDGES), f32),
            jax.ShapeDtypeStruct((N_EDGES // 2, 128), f32),
            jax.ShapeDtypeStruct((N_GRAPHS, 64), f32),
            jax.ShapeDtypeStruct((N_GRAPHS, 1), f32),
        ],
    )(ab, bfp, g2b3, p4g, bu1_W, bu2_W, r2(bu2_b), bu3_W, r2(bu3_b))
    bout = bout.T

    idx_sc = (idx1.reshape(n_eblk, 2, BLKE // 2)
              .transpose(0, 2, 1).reshape(1, -1))
    nsum, ncnt = _sc_scatter(bnew.reshape(N_EDGES, 64), idx_sc)

    g2s3 = g2s.reshape(n_nblk, 1, BLKN)
    sout, spool_s, scnt, gout = pl.pallas_call(
        _tce_body,
        grid=(n_nblk,),
        in_specs=[
            pl.BlockSpec((2, BLKN, 64), lambda i: (0, i, 0)),
            pl.BlockSpec((2, BLKN, 16), lambda i: (0, i, 0)),
            pl.BlockSpec((BLKN, 64), lambda i: (i, 0)),
            pl.BlockSpec((1, 1, BLKN), lambda i: (i, 0, 0)),
            const((N_GRAPHS, 64)),
            const((192, 64)), const((64, 64)), const((1, 64)),
            const((64, 64)), const((1, 64)),
            const((N_GRAPHS, 64)), const((N_GRAPHS, 1)),
            const((N_GRAPHS, 64)),
            const((192, 64)), const((1, 64)), const((64, 64)), const((1, 64)),
            const((64, 64)), const((1, 64)),
        ],
        out_specs=[
            pl.BlockSpec((BLKN, 64), lambda i: (i, 0)),
            const((N_GRAPHS, 64)),
            const((N_GRAPHS, 1)),
            const((N_GRAPHS, 64)),
        ],
        out_shape=[
            jax.ShapeDtypeStruct((N_NODES, 64), f32),
            jax.ShapeDtypeStruct((N_GRAPHS, 64), f32),
            jax.ShapeDtypeStruct((N_GRAPHS, 1), f32),
            jax.ShapeDtypeStruct((N_GRAPHS, 64), f32),
        ],
    )(nsum, ncnt, sfeat, g2s3, psu, su1_W, su2_W, r2(su2_b),
      su3_W, r2(su3_b), bpool_s, bcnt, gfeat, xu1_W, r2(xu1_b),
      xu2_W, r2(xu2_b), xu3_W, r2(xu3_b))

    return sout, bout, gout

# --- scband reference (transcript-rebuilt; emitter-appended) ---
"""Pipeline reference for scband-megnet-block-53549652246920 (READ-ONLY COPY).

The authoritative reference and input builder live on the scoring server;
editing this copy changes nothing except your own understanding.
"""

import jax, jax.numpy as jnp
import numpy as np

N_NODES = 10000
N_EDGES = 320000
N_GRAPHS = 256
_DIMS = {"bfc1": (128, 64), "bfc2": (64, 64), "sfc1": (128, 64), "sfc2": (64, 64), "gfc1": (128, 64), "gfc2": (64, 64), "bu1": (256, 64), "bu2": (64, 64), "bu3": (64, 64), "su1": (192, 64), "su2": (64, 64), "su3": (64, 64), "xu1": (192, 64), "xu2": (64, 64), "xu3": (64, 64)}
_NAMES = list(_DIMS.keys())

def _lin_init(key, fin, fout):
    k1, k2 = jax.random.split(key)
    lim = 1.0 / np.sqrt(fin)
    W = jax.random.uniform(k1, (fin, fout), minval=-lim, maxval=lim, dtype=jnp.float32)
    b = jax.random.uniform(k2, (fout,), minval=-lim, maxval=lim, dtype=jnp.float32)
    return W, b

def _scatter_mean(data, idx, num_segments):
    s = jax.ops.segment_sum(data, idx, num_segments=num_segments)
    c = jax.ops.segment_sum(jnp.ones((data.shape[0],), dtype=data.dtype), idx, num_segments=num_segments)
    return s / jnp.clip(c, 1.0, None)[:, None]

def _forward(sites, bonds, states, indices1, indices2, graph_to_sites, graph_to_bonds, pr):
    relu = jax.nn.relu
    def lin(x, n):
        return x @ pr[n + "_W"] + pr[n + "_b"]
    b = relu(lin(relu(lin(bonds, "bfc1")), "bfc2"))
    s = relu(lin(relu(lin(sites, "sfc1")), "sfc2"))
    g = relu(lin(relu(lin(states, "gfc1")), "gfc2"))
    init_s, init_b, init_g = s, b, g
    v = jnp.concatenate([s[indices1], s[indices2], b, g[graph_to_bonds]], axis=1)
    b = relu(lin(relu(lin(relu(lin(v, "bu1")), "bu2")), "bu3"))
    bp = _scatter_mean(b, indices1, N_NODES)
    v = jnp.concatenate([bp, s, g[graph_to_sites]], axis=1)
    s = relu(lin(relu(lin(relu(lin(v, "su1")), "su2")), "su3"))
    bpool = _scatter_mean(b, graph_to_bonds, N_GRAPHS)
    spool = _scatter_mean(s, graph_to_sites, N_GRAPHS)
    v = jnp.concatenate([bpool, spool, g], axis=1)
    g = relu(lin(relu(lin(relu(lin(v, "xu1")), "xu2")), "xu3"))
    return (s + init_s, b + init_b, g + init_g)

def setup_inputs(seed: int = 0):
    key = jax.random.key(seed)
    ks = jax.random.split(key, 8 + len(_NAMES))
    inp = {}
    inp["sites"] = jax.random.normal(ks[0], (N_NODES, 128), dtype=jnp.float32)
    inp["bonds"] = jax.random.normal(ks[1], (N_EDGES, 128), dtype=jnp.float32)
    inp["states"] = jax.random.normal(ks[2], (N_GRAPHS, 128), dtype=jnp.float32)
    inp["indices1"] = jax.random.randint(ks[3], (N_EDGES,), 0, N_NODES)
    inp["indices2"] = jax.random.randint(ks[4], (N_EDGES,), 0, N_NODES)
    inp["graph_to_sites"] = jnp.sort(jax.random.randint(ks[5], (N_NODES,), 0, N_GRAPHS))
    inp["graph_to_bonds"] = jnp.sort(jax.random.randint(ks[6], (N_EDGES,), 0, N_GRAPHS))
    for i, n in enumerate(_NAMES):
        W, b = _lin_init(ks[8 + i], *_DIMS[n])
        inp[n + "_W"] = W
        inp[n + "_b"] = b
    return inp

def reference(sites, bonds, states, indices1, indices2, graph_to_sites, graph_to_bonds,
              bfc1_W, bfc1_b, bfc2_W, bfc2_b, sfc1_W, sfc1_b, sfc2_W, sfc2_b,
              gfc1_W, gfc1_b, gfc2_W, gfc2_b, bu1_W, bu1_b, bu2_W, bu2_b, bu3_W, bu3_b,
              su1_W, su1_b, su2_W, su2_b, su3_W, su3_b, xu1_W, xu1_b, xu2_W, xu2_b, xu3_W, xu3_b):
    _vals = [bfc1_W, bfc1_b, bfc2_W, bfc2_b, sfc1_W, sfc1_b, sfc2_W, sfc2_b,
             gfc1_W, gfc1_b, gfc2_W, gfc2_b, bu1_W, bu1_b, bu2_W, bu2_b, bu3_W, bu3_b,
             su1_W, su1_b, su2_W, su2_b, su3_W, su3_b, xu1_W, xu1_b, xu2_W, xu2_b, xu3_W, xu3_b]
    _keys = [n + s for n in ["bfc1", "bfc2", "sfc1", "sfc2", "gfc1", "gfc2", "bu1", "bu2", "bu3",
                             "su1", "su2", "su3", "xu1", "xu2", "xu3"] for s in ("_W", "_b")]
    p = dict(zip(_keys, _vals))
    return _forward(sites, bonds, states, indices1, indices2, graph_to_sites, graph_to_bonds, p)

if __name__ == "__main__":
    import jax
    _d = setup_inputs()
    print(jax.jit(kernel)(*tuple(_d.values())))

</pallas_src>

<mosaic_0001>
#map = affine_map<(d0, d1) -> (0, 0)>
#map1 = affine_map<(d0, d1) -> (0, 0, 0)>
module attributes {stable_mosaic.version = 14 : i64} {
  func.func @body(%arg0: i32, %arg1: i32, %arg2: memref<320000x64xf32, #tpu.memory_space<hbm>>, %arg3: memref<1x320000xi32, #tpu.memory_space<hbm>>, %arg4: memref<2x10000x64xf32, #tpu.memory_space<hbm>>, %arg5: memref<2x10000x16xf32, #tpu.memory_space<hbm>>, %arg6: memref<10000x64xf32, #tpu.memory_space<vmem_shared>>, %arg7: memref<10000x16xf32, #tpu.memory_space<vmem_shared>>, %arg8: memref<128x16xf32, #tpu.memory_space<vmem>>, %arg9: memref<125x64xf32, #tpu.memory_space<vmem>>, %arg10: memref<125x16xf32, #tpu.memory_space<vmem>>, %arg11: memref<!tpu.dma_semaphore, #tpu.memory_space<semaphore_mem>>, %arg12: memref<!tpu.dma_semaphore, #tpu.memory_space<semaphore_mem>>) attributes {dimension_semantics = [#tpu.dimension_semantics<core_parallel>, #tpu.dimension_semantics<subcore_parallel>], iteration_bounds = array<i64: 2, 16>, scalar_prefetch = 0 : i64, scratch_operands = 7 : i64, tpu.core_type = #tpu.core_type<sc_vector_subcore>, window_params = [{transform_indices = #map}, {transform_indices = #map}, {transform_indices = #map1}, {transform_indices = #map1}]} {
    %scan3A = arith.constant 0 : i32
    %scan3A_0 = arith.constant 128 : i32
    %scan3A_1 = arith.addi %scan3A, %scan3A_0 : i32
    %scan3A_2 = arith.constant 1 : i32
    scf.for %scan3A_40 = %scan3A to %scan3A_1 step %scan3A_2  : i32 {
      %mul3A_41 = arith.constant 1 : i32
      %mul3A_42 = arith.muli %scan3A_40, %mul3A_41 : i32
      %add3A_43 = arith.constant 0 : i32
      %add3A_44 = arith.addi %add3A_43, %mul3A_42 : i32
      %broadcast_in_dim3A = arith.constant 1.000000e+00 : f32
      %broadcast_in_dim3A_45 = vector.broadcast %broadcast_in_dim3A : f32 to vector<1x16xf32>
      %swap3A = arith.index_cast %add3A_44 : i32 to index
      %swap3A_46 = arith.constant 0 : index
      %swap3A_47 = tpu.vector_load %arg8[%swap3A, %swap3A_46] {strides = array<i32>} : memref<128x16xf32, #tpu.memory_space<vmem>>, vector<1x16xf32>,
      %swap3A_48 = vector.shape_cast %swap3A_47 : vector<1x16xf32> to vector<1x16xf32>
      %swap3A_49 = vector.shape_cast %broadcast_in_dim3A_45 : vector<1x16xf32> to vector<1x16xf32>
      tpu.vector_store %arg8[%swap3A, %swap3A_46], %swap3A_49 {strides = array<i32>} : memref<128x16xf32, #tpu.memory_space<vmem>>, vector<1x16xf32>,
    }
    %scan3A_3 = arith.constant 128 : i32
    %scan3A_4 = arith.constant 0 : i32
    %scan3A_5 = arith.constant 125 : i32
    %scan3A_6 = arith.addi %scan3A_4, %scan3A_5 : i32
    %scan3A_7 = arith.constant 1 : i32
    scf.for %scan3A_40 = %scan3A_4 to %scan3A_6 step %scan3A_7  : i32 {
      %mul3A_41 = arith.constant 1 : i32
      %mul3A_42 = arith.muli %scan3A_40, %mul3A_41 : i32
      %add3A_43 = arith.constant 0 : i32
      %add3A_44 = arith.addi %add3A_43, %mul3A_42 : i32
      %scan3A_45 = arith.constant 0 : i32
      %scan3A_46 = arith.constant 4 : i32
      %scan3A_47 = arith.addi %scan3A_45, %scan3A_46 : i32
      %scan3A_48 = arith.constant 1 : i32
      scf.for %scan3A_55 = %scan3A_45 to %scan3A_47 step %scan3A_48  : i32 {
        %mul3A_56 = arith.constant 16 : i32
        %mul3A_57 = arith.muli %scan3A_55, %mul3A_56 : i32
        %add3A_58 = arith.constant 0 : i32
        %add3A_59 = arith.addi %add3A_58, %mul3A_57 : i32
        %broadcast_in_dim3A_60 = arith.constant 0.000000e+00 : f32
        %broadcast_in_dim3A_61 = vector.broadcast %broadcast_in_dim3A_60 : f32 to vector<1x16xf32>
        %swap3A_62 = arith.index_cast %add3A_44 : i32 to index
        %swap3A_63 = arith.index_cast %add3A_59 : i32 to index
        %swap3A_64 = tpu.vector_load %arg9[%swap3A_62, %swap3A_63] {strides = array<i32>} : memref<125x64xf32, #tpu.memory_space<vmem>>, vector<1x16xf32>,
        %swap3A_65 = vector.shape_cast %swap3A_64 : vector<1x16xf32> to vector<1x16xf32>
        %swap3A_66 = vector.shape_cast %broadcast_in_dim3A_61 : vector<1x16xf32> to vector<1x16xf32>
        tpu.vector_store %arg9[%swap3A_62, %swap3A_63], %swap3A_66 {strides = array<i32>} : memref<125x64xf32, #tpu.memory_space<vmem>>, vector<1x16xf32>,
      }
      %scan3A_49 = arith.constant 4 : i32
      %broadcast_in_dim3A = arith.constant 0.000000e+00 : f32
      %broadcast_in_dim3A_50 = vector.broadcast %broadcast_in_dim3A : f32 to vector<1x16xf32>
      %swap3A = arith.index_cast %add3A_44 : i32 to index
      %swap3A_51 = arith.constant 0 : index
      %swap3A_52 = tpu.vector_load %arg10[%swap3A, %swap3A_51] {strides = array<i32>} : memref<125x16xf32, #tpu.memory_space<vmem>>, vector<1x16xf32>,
      %swap3A_53 = vector.shape_cast %swap3A_52 : vector<1x16xf32> to vector<1x16xf32>
      %swap3A_54 = vector.shape_cast %broadcast_in_dim3A_50 : vector<1x16xf32> to vector<1x16xf32>
      tpu.vector_store %arg10[%swap3A, %swap3A_51], %swap3A_54 {strides = array<i32>} : memref<125x16xf32, #tpu.memory_space<vmem>>, vector<1x16xf32>,
    }
    %scan3A_8 = arith.constant 125 : i32
    %scan3A_9 = arith.constant 0 : i32
    %scan3A_10 = arith.constant 5 : i32
    %scan3A_11 = arith.addi %scan3A_9, %scan3A_10 : i32
    %scan3A_12 = arith.constant 1 : i32
    scf.for %scan3A_40 = %scan3A_9 to %scan3A_11 step %scan3A_12  : i32 {
      %mul3A_41 = arith.constant 1 : i32
      %mul3A_42 = arith.muli %scan3A_40, %mul3A_41 : i32
      %add3A_43 = arith.constant 0 : i32
      %add3A_44 = arith.addi %add3A_43, %mul3A_42 : i32
      %mul3A_45 = arith.constant 625 : i32
      %mul3A_46 = arith.muli %arg1, %mul3A_45 : i32
      %mul3A_47 = arith.constant 125 : i32
      %mul3A_48 = arith.muli %add3A_44, %mul3A_47 : i32
      %add3A_49 = arith.addi %mul3A_46, %mul3A_48 : i32
      "tpu.region"() ({
        %run_scoped3A = tpu.sem_alloc : memref<!tpu.dma_semaphore, #tpu.memory_space<semaphore_mem>>
        %dma_start3A = arith.constant 0 : i32
        %dma_start3A_50 = tpu.memref_slice %arg6[%add3A_49, %dma_start3A] : memref<10000x64xf32, #tpu.memory_space<vmem_shared>> -> memref<125x64xf32, #tpu.memory_space<vmem_shared>>
        %dma_start3A_51 = arith.constant 0 : i32
        %dma_start3A_52 = tpu.memref_slice %arg6[%add3A_49, %dma_start3A_51] : memref<10000x64xf32, #tpu.memory_space<vmem_shared>> -> memref<125x64xf32, #tpu.memory_space<vmem_shared>>
        tpu.enqueue_dma source(%arg9 : memref<125x64xf32, #tpu.memory_space<vmem>>) target(%dma_start3A_52 : memref<125x64xf32, #tpu.memory_space<vmem_shared>>) target_semaphore(%run_scoped3A : memref<!tpu.dma_semaphore, #tpu.memory_space<semaphore_mem>>)
        %dma_wait3A = arith.constant 0 : i32
        %dma_wait3A_53 = tpu.memref_slice %arg6[%add3A_49, %dma_wait3A] : memref<10000x64xf32, #tpu.memory_space<vmem_shared>> -> memref<125x64xf32, #tpu.memory_space<vmem_shared>>
        %dma_wait3A_54 = arith.constant 0 : i32
        %dma_wait3A_55 = tpu.memref_slice %arg6[%add3A_49, %dma_wait3A_54] : memref<10000x64xf32, #tpu.memory_space<vmem_shared>> -> memref<125x64xf32, #tpu.memory_space<vmem_shared>>
        tpu.wait_dma2 semaphore(%run_scoped3A : memref<!tpu.dma_semaphore, #tpu.memory_space<semaphore_mem>>) src(%arg9 : memref<125x64xf32, #tpu.memory_space<vmem>>) dst(%dma_wait3A_55 : memref<125x64xf32, #tpu.memory_space<vmem_shared>>)
        tpu.yield
      }) : () -> ()
      "tpu.region"() ({
        %run_scoped3A = tpu.sem_alloc : memref<!tpu.dma_semaphore, #tpu.memory_space<semaphore_mem>>
        %dma_start3A = arith.constant 0 : i32
        %dma_start3A_50 = tpu.memref_slice %arg7[%add3A_49, %dma_start3A] : memref<10000x16xf32, #tpu.memory_space<vmem_shared>> -> memref<125x16xf32, #tpu.memory_space<vmem_shared>>
        %dma_start3A_51 = arith.constant 0 : i32
        %dma_start3A_52 = tpu.memref_slice %arg7[%add3A_49, %dma_start3A_51] : memref<10000x16xf32, #tpu.memory_space<vmem_shared>> -> memref<125x16xf32, #tpu.memory_space<vmem_shared>>
        tpu.enqueue_dma source(%arg10 : memref<125x16xf32, #tpu.memory_space<vmem>>) target(%dma_start3A_52 : memref<125x16xf32, #tpu.memory_space<vmem_shared>>) target_semaphore(%run_scoped3A : memref<!tpu.dma_semaphore, #tpu.memory_space<semaphore_mem>>)
        %dma_wait3A = arith.constant 0 : i32
        %dma_wait3A_53 = tpu.memref_slice %arg7[%add3A_49, %dma_wait3A] : memref<10000x16xf32, #tpu.memory_space<vmem_shared>> -> memref<125x16xf32, #tpu.memory_space<vmem_shared>>
        %dma_wait3A_54 = arith.constant 0 : i32
        %dma_wait3A_55 = tpu.memref_slice %arg7[%add3A_49, %dma_wait3A_54] : memref<10000x16xf32, #tpu.memory_space<vmem_shared>> -> memref<125x16xf32, #tpu.memory_space<vmem_shared>>
        tpu.wait_dma2 semaphore(%run_scoped3A : memref<!tpu.dma_semaphore, #tpu.memory_space<semaphore_mem>>) src(%arg10 : memref<125x16xf32, #tpu.memory_space<vmem>>) dst(%dma_wait3A_55 : memref<125x16xf32, #tpu.memory_space<vmem_shared>>)
        tpu.yield
      }) : () -> ()
    }
    %scan3A_13 = arith.constant 5 : i32
    %barrier3A = arith.constant 0 : index
    tpu.barrier barrier_id(%barrier3A)
    %mul3A = arith.constant 1 : i32
    %mul3A_14 = arith.muli %arg1, %mul3A : i32
    %add3A = arith.constant 0 : i32
    %add3A_15 = arith.addi %add3A, %mul3A_14 : i32
    %mul3A_16 = arith.constant 16 : i32
    %mul3A_17 = arith.muli %arg0, %mul3A_16 : i32
    %add3A_18 = arith.addi %add3A_15, %mul3A_17 : i32
    %lt3A = arith.constant 4 : i32
    %lt3A_19 = arith.cmpi slt, %add3A_18, %lt3A : i32
    %jit3A = arith.constant 79 : i32
    %jit3A_20 = arith.constant 78 : i32
    %select_n3A = arith.select %lt3A_19, %jit3A, %jit3A_20 : i32
    %lt3A_21 = arith.constant 4 : i32
    %lt3A_22 = arith.cmpi slt, %add3A_18, %lt3A_21 : i32
    %mul3A_23 = arith.muli %add3A_18, %select_n3A : i32
    %mul3A_24 = arith.constant 78 : i32
    %mul3A_25 = arith.muli %add3A_18, %mul3A_24 : i32
    %add3A_26 = arith.constant 4 : i32
    %add3A_27 = arith.addi %mul3A_25, %add3A_26 : i32
    %select_n3A_28 = arith.select %lt3A_22, %mul3A_23, %add3A_27 : i32
    %mul3A_29 = arith.constant 1 : i32
    %mul3A_30 = arith.muli %mul3A_29, %select_n3A : i32
    "tpu.region"() ({
      %run_scoped3A = memref.alloca() : memref<2x128x64xf32, #tpu.memory_space<vmem>>
      %run_scoped3A_40 = tpu.sem_alloc : memref<2x!tpu.dma_semaphore, #tpu.memory_space<semaphore_mem>>
      %run_scoped3A_41 = memref.alloca() : memref<2x1x128xi32, #tpu.memory_space<vmem>>
      %run_scoped3A_42 = tpu.sem_alloc : memref<2x!tpu.dma_semaphore, #tpu.memory_space<semaphore_mem>>
      %gt3A = arith.constant 0 : i32
      %gt3A_43 = arith.cmpi sgt, %mul3A_30, %gt3A : i32
      %convert_element_type3A = arith.extui %gt3A_43 : i1 to i32
      %cond3A = arith.constant 0 : i32
      %cond3A_44 = arith.cmpi ne, %convert_element_type3A, %cond3A : i32
      scf.if %cond3A_44 {
        %mul3A_45 = arith.constant 1 : i32
        %mul3A_46 = arith.muli %mul3A_45, %select_n3A : i32
        %sub3A = arith.constant 1 : i32
        %sub3A_47 = arith.subi %mul3A_46, %sub3A : i32
        %eq3A = arith.constant 0 : i32
        %eq3A_48 = arith.cmpi eq, %sub3A_47, %eq3A : i32
        %add3A_49 = arith.constant 0 : i32
        %add3A_50 = arith.addi %add3A_49, %select_n3A_28 : i32
        %select_n3A_51 = arith.constant true
        %select_n3A_52 = arith.constant 0 : i32
        %select_n3A_53 = arith.constant -1 : i32
        %select_n3A_54 = arith.select %select_n3A_51, %select_n3A_53, %select_n3A_52 : i32
        %eq3A_55 = arith.constant -1 : i32
        %eq3A_56 = arith.cmpi eq, %select_n3A_54, %eq3A_55 : i32
        %sub3A_57 = arith.constant 1 : i32
        %sub3A_58 = arith.subi %select_n3A, %sub3A_57 : i32
        %select_n3A_59 = arith.select %eq3A_56, %sub3A_58, %select_n3A_54 : i32
        %add3A_60 = arith.addi %select_n3A_59, %select_n3A_28 : i32
        %select_n3A_61 = arith.constant true
        %select_n3A_62 = arith.constant 0 : i32
        %select_n3A_63 = arith.constant 1 : i32
        %select_n3A_64 = arith.select %select_n3A_61, %select_n3A_63, %select_n3A_62 : i32
        %eq3A_65 = arith.cmpi eq, %select_n3A_64, %select_n3A : i32
        %select_n3A_66 = arith.constant 0 : i32
        %select_n3A_67 = arith.select %eq3A_65, %select_n3A_66, %select_n3A_64 : i32
        %add3A_68 = arith.addi %select_n3A_67, %select_n3A_28 : i32
        %add3A_69 = arith.constant 1 : i32
        %add3A_70 = arith.addi %select_n3A_67, %add3A_69 : i32
        %select_n3A_71 = arith.constant true
        %select_n3A_72 = arith.select %select_n3A_71, %add3A_70, %select_n3A_67 : i32
        %eq3A_73 = arith.cmpi eq, %select_n3A_72, %select_n3A : i32
        %select_n3A_74 = arith.constant 0 : i32
        %select_n3A_75 = arith.select %eq3A_73, %select_n3A_74, %select_n3A_72 : i32
        %add3A_76 = arith.addi %select_n3A_75, %select_n3A_28 : i32
        "tpu.trace_start"() <{level = 10 : i32, message = "ep_initialize_0"}> : () -> ()
        %rem3A = arith.constant 0 : i32
        %rem3A_77 = arith.constant 2 : i32
        %rem3A_78 = arith.remui %rem3A, %rem3A_77 : i32
        %mul3A_79 = arith.constant 128 : i32
        %mul3A_80 = arith.muli %mul3A_79, %add3A_50 : i32
        %dma_start3A = arith.constant 0 : i32
        %dma_start3A_81 = arith.constant 0 : i32
        %dma_start3A_82 = tpu.memref_slice %run_scoped3A[%rem3A_78, %dma_start3A, %dma_start3A_81] : memref<2x128x64xf32, #tpu.memory_space<vmem>> -> memref<1x128x64xf32, #tpu.memory_space<vmem>>
        %dma_start3A_83 = tpu.memref_squeeze %dma_start3A_82 : memref<1x128x64xf32, #tpu.memory_space<vmem>> -> memref<128x64xf32, #tpu.memory_space<vmem>>
        %dma_start3A_84 = arith.constant 0 : i32
        %dma_start3A_85 = tpu.memref_slice %arg2[%mul3A_80, %dma_start3A_84] : memref<320000x64xf32, #tpu.memory_space<hbm>> -> memref<128x64xf32, #tpu.memory_space<hbm>>
        %dma_start3A_86 = tpu.memref_slice %run_scoped3A_40[%rem3A_78] : memref<2x!tpu.dma_semaphore, #tpu.memory_space<semaphore_mem>> -> memref<1x!tpu.dma_semaphore, #tpu.memory_space<semaphore_mem>>
        %dma_start3A_87 = tpu.memref_squeeze %dma_start3A_86 : memref<1x!tpu.dma_semaphore, #tpu.memory_space<semaphore_mem>> -> memref<!tpu.dma_semaphore, #tpu.memory_space<semaphore_mem>>
        %dma_start3A_88 = arith.constant 0 : i32
        %dma_start3A_89 = arith.constant 0 : i32
        %dma_start3A_90 = tpu.memref_slice %run_scoped3A[%rem3A_78, %dma_start3A_88, %dma_start3A_89] : memref<2x128x64xf32, #tpu.memory_space<vmem>> -> memref<1x128x64xf32, #tpu.memory_space<vmem>>
        %dma_start3A_91 = tpu.memref_squeeze %dma_start3A_90 : memref<1x128x64xf32, #tpu.memory_space<vmem>> -> memref<128x64xf32, #tpu.memory_space<vmem>>
        %dma_start3A_92 = arith.constant 0 : i32
        %dma_start3A_93 = tpu.memref_slice %arg2[%mul3A_80, %dma_start3A_92] : memref<320000x64xf32, #tpu.memory_space<hbm>> -> memref<128x64xf32, #tpu.memory_space<hbm>>
        tpu.enqueue_dma source(%dma_start3A_93 : memref<128x64xf32, #tpu.memory_space<hbm>>) target(%dma_start3A_91 : memref<128x64xf32, #tpu.memory_space<vmem>>) target_semaphore(%dma_start3A_87 : memref<!tpu.dma_semaphore, #tpu.memory_space<semaphore_mem>>)
        %add3A_94 = arith.constant 0 : i32
        %add3A_95 = arith.constant 1 : i32
        %add3A_96 = arith.addi %add3A_94, %add3A_95 : i32
        %select_n3A_97 = arith.constant true
        %select_n3A_98 = arith.constant 0 : i32
        %select_n3A_99 = arith.select %select_n3A_97, %add3A_96, %select_n3A_98 : i32
        %rem3A_100 = arith.constant 0 : i32
        %rem3A_101 = arith.constant 2 : i32
        %rem3A_102 = arith.remui %rem3A_100, %rem3A_101 : i32
        %mul3A_103 = arith.constant 128 : i32
        %mul3A_104 = arith.muli %mul3A_103, %add3A_50 : i32
        %dma_start3A_105 = arith.constant 0 : i32
        %dma_start3A_106 = arith.constant 0 : i32
        %dma_start3A_107 = tpu.memref_slice %run_scoped3A_41[%rem3A_102, %dma_start3A_105, %dma_start3A_106] : memref<2x1x128xi32, #tpu.memory_space<vmem>> -> memref<1x1x128xi32, #tpu.memory_space<vmem>>
        %dma_start3A_108 = tpu.memref_squeeze %dma_start3A_107 : memref<1x1x128xi32, #tpu.memory_space<vmem>> -> memref<1x128xi32, #tpu.memory_space<vmem>>
        %dma_start3A_109 = arith.constant 0 : i32
        %dma_start3A_110 = tpu.memref_slice %arg3[%dma_start3A_109, %mul3A_104] : memref<1x320000xi32, #tpu.memory_space<hbm>> -> memref<1x128xi32, #tpu.memory_space<hbm>>
        %dma_start3A_111 = tpu.memref_slice %run_scoped3A_42[%rem3A_102] : memref<2x!tpu.dma_semaphore, #tpu.memory_space<semaphore_mem>> -> memref<1x!tpu.dma_semaphore, #tpu.memory_space<semaphore_mem>>
        %dma_start3A_112 = tpu.memref_squeeze %dma_start3A_111 : memref<1x!tpu.dma_semaphore, #tpu.memory_space<semaphore_mem>> -> memref<!tpu.dma_semaphore, #tpu.memory_space<semaphore_mem>>
        %dma_start3A_113 = arith.constant 0 : i32
        %dma_start3A_114 = arith.constant 0 : i32
        %dma_start3A_115 = tpu.memref_slice %run_scoped3A_41[%rem3A_102, %dma_start3A_113, %dma_start3A_114] : memref<2x1x128xi32, #tpu.memory_space<vmem>> -> memref<1x1x128xi32, #tpu.memory_space<vmem>>
        %dma_start3A_116 = tpu.memref_squeeze %dma_start3A_115 : memref<1x1x128xi32, #tpu.memory_space<vmem>> -> memref<1x128xi32, #tpu.memory_space<vmem>>
        %dma_start3A_117 = arith.constant 0 : i32
        %dma_start3A_118 = tpu.memref_slice %arg3[%dma_start3A_117, %mul3A_104] : memref<1x320000xi32, #tpu.memory_space<hbm>> -> memref<1x128xi32, #tpu.memory_space<hbm>>
        tpu.enqueue_dma source(%dma_start3A_118 : memref<1x128xi32, #tpu.memory_space<hbm>>) target(%dma_start3A_116 : memref<1x128xi32, #tpu.memory_space<vmem>>) target_semaphore(%dma_start3A_112 : memref<!tpu.dma_semaphore, #tpu.memory_space<semaphore_mem>>)
        %add3A_119 = arith.constant 0 : i32
        %add3A_120 = arith.constant 1 : i32
        %add3A_121 = arith.addi %add3A_119, %add3A_120 : i32
        %select_n3A_122 = arith.constant true
        %select_n3A_123 = arith.constant 0 : i32
        %select_n3A_124 = arith.select %select_n3A_122, %add3A_121, %select_n3A_123 : i32
        %while3A = arith.constant 0 : i32
        %while3A_125 = arith.constant 0 : i32
        %while3A_126 = arith.constant 0 : i32
        %while3A_127 = arith.constant 0 : i32
        "tpu.trace_stop"() : () -> ()
        %while3A_128 = arith.subi %mul3A_30, %while3A : i32
        %while3A_129 = arith.addi %while3A, %while3A_128 : i32
        %while3A_130 = arith.constant 1 : i32
        %while3A_131 = arith.divsi %while3A_128, %while3A_130 : i32
        %while3A_132 = arith.muli %while3A_131, %while3A_130 : i32
        %while3A_133 = arith.addi %while3A, %while3A_132 : i32
        %while3A_134 = arith.constant 1 : i32
        %while3A_135:5 = scf.for %while3A_189 = %while3A to %while3A_133 step %while3A_134 iter_args(%while3A_190 = %select_n3A_99, %while3A_191 = %while3A_125, %while3A_192 = %select_n3A_124, %while3A_193 = %while3A_126, %while3A_194 = %while3A_127) -> (i32, i32, i32, i32, i32)  : i32 {
          %mul3A_195 = arith.constant 1 : i32
          %mul3A_196 = arith.muli %mul3A_195, %select_n3A : i32
          %eq3A_197 = arith.constant 0 : i32
          %eq3A_198 = arith.cmpi eq, %while3A_189, %eq3A_197 : i32
          %sub3A_199 = arith.constant 1 : i32
          %sub3A_200 = arith.subi %mul3A_196, %sub3A_199 : i32
          %eq3A_201 = arith.cmpi eq, %while3A_189, %sub3A_200 : i32
          %add3A_202 = arith.addi %while3A_194, %select_n3A_28 : i32
          %sub3A_203 = arith.constant 1 : i32
          %sub3A_204 = arith.subi %while3A_194, %sub3A_203 : i32
          %select_n3A_205 = arith.constant true
          %select_n3A_206 = arith.select %select_n3A_205, %sub3A_204, %while3A_194 : i32
          %eq3A_207 = arith.constant -1 : i32
          %eq3A_208 = arith.cmpi eq, %select_n3A_206, %eq3A_207 : i32
          %sub3A_209 = arith.constant 1 : i32
          %sub3A_210 = arith.subi %select_n3A, %sub3A_209 : i32
          %select_n3A_211 = arith.select %eq3A_208, %sub3A_210, %select_n3A_206 : i32
          %add3A_212 = arith.addi %select_n3A_211, %select_n3A_28 : i32
          %add3A_213 = arith.constant 1 : i32
          %add3A_214 = arith.addi %while3A_194, %add3A_213 : i32
          %select_n3A_215 = arith.constant true
          %select_n3A_216 = arith.select %select_n3A_215, %add3A_214, %while3A_194 : i32
          %eq3A_217 = arith.cmpi eq, %select_n3A_216, %select_n3A : i32
          %select_n3A_218 = arith.constant 0 : i32
          %select_n3A_219 = arith.select %eq3A_217, %select_n3A_218, %select_n3A_216 : i32
          %add3A_220 = arith.addi %select_n3A_219, %select_n3A_28 : i32
          %add3A_221 = arith.constant 1 : i32
          %add3A_222 = arith.addi %select_n3A_219, %add3A_221 : i32
          %select_n3A_223 = arith.constant true
          %select_n3A_224 = arith.select %select_n3A_223, %add3A_222, %select_n3A_219 : i32
          %eq3A_225 = arith.cmpi eq, %select_n3A_224, %select_n3A : i32
          %select_n3A_226 = arith.constant 0 : i32
          %select_n3A_227 = arith.select %eq3A_225, %select_n3A_226, %select_n3A_224 : i32
          %add3A_228 = arith.addi %select_n3A_227, %select_n3A_28 : i32
          %ne3A = arith.cmpi ne, %add3A_202, %add3A_220 : i32
          %or3A = arith.constant false
          %or3A_229 = arith.ori %or3A, %ne3A : i1
          %or3A_230 = arith.constant false
          %or3A_231 = arith.ori %or3A_229, %or3A_230 : i1
          %sub3A_232 = arith.constant 2 : i32
          %sub3A_233 = arith.subi %mul3A_196, %sub3A_232 : i32
          %add3A_234 = arith.constant 1 : i32
          %add3A_235 = arith.addi %sub3A_233, %add3A_234 : i32
          %ge3A = arith.cmpi sge, %while3A_189, %add3A_235 : i32
          %not3A = arith.constant true
          %not3A_236 = arith.xori %ge3A, %not3A : i1
          %and3A = arith.andi %or3A_231, %not3A_236 : i1
          %convert_element_type3A_237 = arith.extui %and3A : i1 to i32
          %cond3A_238 = arith.constant 0 : i32
          %cond3A_239 = arith.cmpi ne, %convert_element_type3A_237, %cond3A_238 : i32
          scf.if %cond3A_239 {
            "tpu.trace_start"() <{level = 10 : i32, message = "ep_copy_in"}> : () -> ()
            %rem3A_402 = arith.constant 2 : i32
            %rem3A_403 = arith.remui %while3A_190, %rem3A_402 : i32
            %mul3A_404 = arith.constant 128 : i32
            %mul3A_405 = arith.muli %mul3A_404, %add3A_220 : i32
            %dma_start3A_406 = arith.constant 0 : i32
            %dma_start3A_407 = arith.constant 0 : i32
            %dma_start3A_408 = tpu.memref_slice %run_scoped3A[%rem3A_403, %dma_start3A_406, %dma_start3A_407] : memref<2x128x64xf32, #tpu.memory_space<vmem>> -> memref<1x128x64xf32, #tpu.memory_space<vmem>>
            %dma_start3A_409 = tpu.memref_squeeze %dma_start3A_408 : memref<1x128x64xf32, #tpu.memory_space<vmem>> -> memref<128x64xf32, #tpu.memory_space<vmem>>
            %dma_start3A_410 = arith.constant 0 : i32
            %dma_start3A_411 = tpu.memref_slice %arg2[%mul3A_405, %dma_start3A_410] : memref<320000x64xf32, #tpu.memory_space<hbm>> -> memref<128x64xf32, #tpu.memory_space<hbm>>
            %dma_start3A_412 = tpu.memref_slice %run_scoped3A_40[%rem3A_403] : memref<2x!tpu.dma_semaphore, #tpu.memory_space<semaphore_mem>> -> memref<1x!tpu.dma_semaphore, #tpu.memory_space<semaphore_mem>>
            %dma_start3A_413 = tpu.memref_squeeze %dma_start3A_412 : memref<1x!tpu.dma_semaphore, #tpu.memory_space<semaphore_mem>> -> memref<!tpu.dma_semaphore, #tpu.memory_space<semaphore_mem>>
            %dma_start3A_414 = arith.constant 0 : i32
            %dma_start3A_415 = arith.constant 0 : i32
            %dma_start3A_416 = tpu.memref_slice %run_scoped3A[%rem3A_403, %dma_start3A_414, %dma_start3A_415] : memref<2x128x64xf32, #tpu.memory_space<vmem>> -> memref<1x128x64xf32, #tpu.memory_space<vmem>>
            %dma_start3A_417 = tpu.memref_squeeze %dma_start3A_416 : memref<1x128x64xf32, #tpu.memory_space<vmem>> -> memref<128x64xf32, #tpu.memory_space<vmem>>
            %dma_start3A_418 = arith.constant 0 : i32
            %dma_start3A_419 = tpu.memref_slice %arg2[%mul3A_405, %dma_start3A_418] : memref<320000x64xf32, #tpu.memory_space<hbm>> -> memref<128x64xf32, #tpu.memory_space<hbm>>
            tpu.enqueue_dma source(%dma_start3A_419 : memref<128x64xf32, #tpu.memory_space<hbm>>) target(%dma_start3A_417 : memref<128x64xf32, #tpu.memory_space<vmem>>) target_semaphore(%dma_start3A_413 : memref<!tpu.dma_semaphore, #tpu.memory_space<semaphore_mem>>)
            "tpu.trace_stop"() : () -> ()
          } else {
          }
          %and3A_240 = arith.constant true
          %and3A_241 = arith.andi %and3A, %and3A_240 : i1
          %add3A_242 = arith.constant 1 : i32
          %add3A_243 = arith.addi %while3A_190, %add3A_242 : i32
          %select_n3A_244 = arith.select %and3A_241, %add3A_243, %while3A_190 : i32
          %ne3A_245 = arith.cmpi ne, %add3A_202, %add3A_220 : i32
          %or3A_246 = arith.constant false
          %or3A_247 = arith.ori %or3A_246, %ne3A_245 : i1
          %sub3A_248 = arith.constant 2 : i32
          %sub3A_249 = arith.subi %mul3A_196, %sub3A_248 : i32
          %add3A_250 = arith.constant 1 : i32
          %add3A_251 = arith.addi %sub3A_249, %add3A_250 : i32
          %ge3A_252 = arith.cmpi sge, %while3A_189, %add3A_251 : i32
          %not3A_253 = arith.constant true
          %not3A_254 = arith.xori %ge3A_252, %not3A_253 : i1
          %and3A_255 = arith.andi %or3A_247, %not3A_254 : i1
          %convert_element_type3A_256 = arith.extui %and3A_255 : i1 to i32
          %cond3A_257 = arith.constant 0 : i32
          %cond3A_258 = arith.cmpi ne, %convert_element_type3A_256, %cond3A_257 : i32
          scf.if %cond3A_258 {
            "tpu.trace_start"() <{level = 10 : i32, message = "ep_copy_in"}> : () -> ()
            %rem3A_402 = arith.constant 2 : i32
            %rem3A_403 = arith.remui %while3A_192, %rem3A_402 : i32
            %mul3A_404 = arith.constant 128 : i32
            %mul3A_405 = arith.muli %mul3A_404, %add3A_220 : i32
            %dma_start3A_406 = arith.constant 0 : i32
            %dma_start3A_407 = arith.constant 0 : i32
            %dma_start3A_408 = tpu.memref_slice %run_scoped3A_41[%rem3A_403, %dma_start3A_406, %dma_start3A_407] : memref<2x1x128xi32, #tpu.memory_space<vmem>> -> memref<1x1x128xi32, #tpu.memory_space<vmem>>
            %dma_start3A_409 = tpu.memref_squeeze %dma_start3A_408 : memref<1x1x128xi32, #tpu.memory_space<vmem>> -> memref<1x128xi32, #tpu.memory_space<vmem>>
            %dma_start3A_410 = arith.constant 0 : i32
            %dma_start3A_411 = tpu.memref_slice %arg3[%dma_start3A_410, %mul3A_405] : memref<1x320000xi32, #tpu.memory_space<hbm>> -> memref<1x128xi32, #tpu.memory_space<hbm>>
            %dma_start3A_412 = tpu.memref_slice %run_scoped3A_42[%rem3A_403] : memref<2x!tpu.dma_semaphore, #tpu.memory_space<semaphore_mem>> -> memref<1x!tpu.dma_semaphore, #tpu.memory_space<semaphore_mem>>
            %dma_start3A_413 = tpu.memref_squeeze %dma_start3A_412 : memref<1x!tpu.dma_semaphore, #tpu.memory_space<semaphore_mem>> -> memref<!tpu.dma_semaphore, #tpu.memory_space<semaphore_mem>>
            %dma_start3A_414 = arith.constant 0 : i32
            %dma_start3A_415 = arith.constant 0 : i32
            %dma_start3A_416 = tpu.memref_slice %run_scoped3A_41[%rem3A_403, %dma_start3A_414, %dma_start3A_415] : memref<2x1x128xi32, #tpu.memory_space<vmem>> -> memref<1x1x128xi32, #tpu.memory_space<vmem>>
            %dma_start3A_417 = tpu.memref_squeeze %dma_start3A_416 : memref<1x1x128xi32, #tpu.memory_space<vmem>> -> memref<1x128xi32, #tpu.memory_space<vmem>>
            %dma_start3A_418 = arith.constant 0 : i32
            %dma_start3A_419 = tpu.memref_slice %arg3[%dma_start3A_418, %mul3A_405] : memref<1x320000xi32, #tpu.memory_space<hbm>> -> memref<1x128xi32, #tpu.memory_space<hbm>>
            tpu.enqueue_dma source(%dma_start3A_419 : memref<1x128xi32, #tpu.memory_space<hbm>>) target(%dma_start3A_417 : memref<1x128xi32, #tpu.memory_space<vmem>>) target_semaphore(%dma_start3A_413 : memref<!tpu.dma_semaphore, #tpu.memory_space<semaphore_mem>>)
            "tpu.trace_stop"() : () -> ()
          } else {
          }
          %and3A_259 = arith.constant true
          %and3A_260 = arith.andi %and3A_255, %and3A_259 : i1
          %add3A_261 = arith.constant 1 : i32
          %add3A_262 = arith.addi %while3A_192, %add3A_261 : i32
          %select_n3A_263 = arith.select %and3A_260, %add3A_262, %while3A_192 : i32
          %ne3A_264 = arith.cmpi ne, %add3A_202, %add3A_212 : i32
          %or3A_265 = arith.constant false
          %or3A_266 = arith.ori %or3A_265, %ne3A_264 : i1
          %or3A_267 = arith.constant false
          %or3A_268 = arith.ori %or3A_266, %or3A_267 : i1
          %or3A_269 = arith.ori %or3A_268, %eq3A_198 : i1
          %convert_element_type3A_270 = arith.extui %or3A_269 : i1 to i32
          %cond3A_271 = arith.constant 0 : i32
          %cond3A_272 = arith.cmpi ne, %convert_element_type3A_270, %cond3A_271 : i32
          scf.if %cond3A_272 {
            "tpu.trace_start"() <{level = 10 : i32, message = "ep_wait_in"}> : () -> ()
            %mul3A_402 = arith.constant 128 : i32
            %mul3A_403 = arith.muli %mul3A_402, %add3A_202 : i32
            %rem3A_404 = arith.constant 2 : i32
            %rem3A_405 = arith.remui %while3A_191, %rem3A_404 : i32
            %dma_wait3A_406 = arith.constant 0 : i32
            %dma_wait3A_407 = arith.constant 0 : i32
            %dma_wait3A_408 = tpu.memref_slice %run_scoped3A[%rem3A_405, %dma_wait3A_406, %dma_wait3A_407] : memref<2x128x64xf32, #tpu.memory_space<vmem>> -> memref<1x128x64xf32, #tpu.memory_space<vmem>>
            %dma_wait3A_409 = tpu.memref_squeeze %dma_wait3A_408 : memref<1x128x64xf32, #tpu.memory_space<vmem>> -> memref<128x64xf32, #tpu.memory_space<vmem>>
            %dma_wait3A_410 = arith.constant 0 : i32
            %dma_wait3A_411 = tpu.memref_slice %arg2[%mul3A_403, %dma_wait3A_410] : memref<320000x64xf32, #tpu.memory_space<hbm>> -> memref<128x64xf32, #tpu.memory_space<hbm>>
            %dma_wait3A_412 = tpu.memref_slice %run_scoped3A_40[%rem3A_405] : memref<2x!tpu.dma_semaphore, #tpu.memory_space<semaphore_mem>> -> memref<1x!tpu.dma_semaphore, #tpu.memory_space<semaphore_mem>>
            %dma_wait3A_413 = tpu.memref_squeeze %dma_wait3A_412 : memref<1x!tpu.dma_semaphore, #tpu.memory_space<semaphore_mem>> -> memref<!tpu.dma_semaphore, #tpu.memory_space<semaphore_mem>>
            %dma_wait3A_414 = arith.constant 0 : i32
            %dma_wait3A_415 = arith.constant 0 : i32
            %dma_wait3A_416 = tpu.memref_slice %run_scoped3A[%rem3A_405, %dma_wait3A_414, %dma_wait3A_415] : memref<2x128x64xf32, #tpu.memory_space<vmem>> -> memref<1x128x64xf32, #tpu.memory_space<vmem>>
            %dma_wait3A_417 = tpu.memref_squeeze %dma_wait3A_416 : memref<1x128x64xf32, #tpu.memory_space<vmem>> -> memref<128x64xf32, #tpu.memory_space<vmem>>
            %dma_wait3A_418 = arith.constant 0 : i32
            %dma_wait3A_419 = tpu.memref_slice %arg2[%mul3A_403, %dma_wait3A_418] : memref<320000x64xf32, #tpu.memory_space<hbm>> -> memref<128x64xf32, #tpu.memory_space<hbm>>
            tpu.wait_dma2 semaphore(%dma_wait3A_413 : memref<!tpu.dma_semaphore, #tpu.memory_space<semaphore_mem>>) src(%dma_wait3A_419 : memref<128x64xf32, #tpu.memory_space<hbm>>) dst(%dma_wait3A_417 : memref<128x64xf32, #tpu.memory_space<vmem>>)
            "tpu.trace_stop"() : () -> ()
          } else {
          }
          %ne3A_273 = arith.cmpi ne, %add3A_202, %add3A_212 : i32
          %or3A_274 = arith.constant false
          %or3A_275 = arith.ori %or3A_274, %ne3A_273 : i1
          %or3A_276 = arith.ori %or3A_275, %eq3A_198 : i1
          %convert_element_type3A_277 = arith.extui %or3A_276 : i1 to i32
          %cond3A_278 = arith.constant 0 : i32
          %cond3A_279 = arith.cmpi ne, %convert_element_type3A_277, %cond3A_278 : i32
          scf.if %cond3A_279 {
            "tpu.trace_start"() <{level = 10 : i32, message = "ep_wait_in"}> : () -> ()
            %mul3A_402 = arith.constant 128 : i32
            %mul3A_403 = arith.muli %mul3A_402, %add3A_202 : i32
            %rem3A_404 = arith.constant 2 : i32
            %rem3A_405 = arith.remui %while3A_193, %rem3A_404 : i32
            %dma_wait3A_406 = arith.constant 0 : i32
            %dma_wait3A_407 = arith.constant 0 : i32
            %dma_wait3A_408 = tpu.memref_slice %run_scoped3A_41[%rem3A_405, %dma_wait3A_406, %dma_wait3A_407] : memref<2x1x128xi32, #tpu.memory_space<vmem>> -> memref<1x1x128xi32, #tpu.memory_space<vmem>>
            %dma_wait3A_409 = tpu.memref_squeeze %dma_wait3A_408 : memref<1x1x128xi32, #tpu.memory_space<vmem>> -> memref<1x128xi32, #tpu.memory_space<vmem>>
            %dma_wait3A_410 = arith.constant 0 : i32
            %dma_wait3A_411 = tpu.memref_slice %arg3[%dma_wait3A_410, %mul3A_403] : memref<1x320000xi32, #tpu.memory_space<hbm>> -> memref<1x128xi32, #tpu.memory_space<hbm>>
            %dma_wait3A_412 = tpu.memref_slice %run_scoped3A_42[%rem3A_405] : memref<2x!tpu.dma_semaphore, #tpu.memory_space<semaphore_mem>> -> memref<1x!tpu.dma_semaphore, #tpu.memory_space<semaphore_mem>>
            %dma_wait3A_413 = tpu.memref_squeeze %dma_wait3A_412 : memref<1x!tpu.dma_semaphore, #tpu.memory_space<semaphore_mem>> -> memref<!tpu.dma_semaphore, #tpu.memory_space<semaphore_mem>>
            %dma_wait3A_414 = arith.constant 0 : i32
            %dma_wait3A_415 = arith.constant 0 : i32
            %dma_wait3A_416 = tpu.memref_slice %run_scoped3A_41[%rem3A_405, %dma_wait3A_414, %dma_wait3A_415] : memref<2x1x128xi32, #tpu.memory_space<vmem>> -> memref<1x1x128xi32, #tpu.memory_space<vmem>>
            %dma_wait3A_417 = tpu.memref_squeeze %dma_wait3A_416 : memref<1x1x128xi32, #tpu.memory_space<vmem>> -> memref<1x128xi32, #tpu.memory_space<vmem>>
            %dma_wait3A_418 = arith.constant 0 : i32
            %dma_wait3A_419 = tpu.memref_slice %arg3[%dma_wait3A_418, %mul3A_403] : memref<1x320000xi32, #tpu.memory_space<hbm>> -> memref<1x128xi32, #tpu.memory_space<hbm>>
            tpu.wait_dma2 semaphore(%dma_wait3A_413 : memref<!tpu.dma_semaphore, #tpu.memory_space<semaphore_mem>>) src(%dma_wait3A_419 : memref<1x128xi32, #tpu.memory_space<hbm>>) dst(%dma_wait3A_417 : memref<1x128xi32, #tpu.memory_space<vmem>>)
            "tpu.trace_stop"() : () -> ()
          } else {
          }
          %rem3A_280 = arith.constant 2 : i32
          %rem3A_281 = arith.remui %while3A_191, %rem3A_280 : i32
          %rem3A_282 = arith.constant 2 : i32
          %rem3A_283 = arith.remui %while3A_193, %rem3A_282 : i32
          %dma_start3A_284 = arith.constant 0 : i32
          "tpu.trace_start"() <{level = 10 : i32, message = "ep_run_kernel"}> : () -> ()
          %dma_start3A_285 = arith.constant 0 : i32
          %dma_start3A_286 = arith.constant 0 : i32
          %dma_start3A_287 = tpu.memref_slice %run_scoped3A[%rem3A_281, %dma_start3A_285, %dma_start3A_286] : memref<2x128x64xf32, #tpu.memory_space<vmem>> -> memref<1x128x64xf32, #tpu.memory_space<vmem>>
          %dma_start3A_288 = tpu.memref_squeeze %dma_start3A_287 : memref<1x128x64xf32, #tpu.memory_space<vmem>> -> memref<128x64xf32, #tpu.memory_space<vmem>>
          %dma_start3A_289 = arith.constant 0 : i32
          %dma_start3A_290 = arith.constant 0 : i32
          %dma_start3A_291 = tpu.memref_slice %run_scoped3A_41[%rem3A_283, %dma_start3A_289, %dma_start3A_290] : memref<2x1x128xi32, #tpu.memory_space<vmem>> -> memref<1x1x128xi32, #tpu.memory_space<vmem>>
          %dma_start3A_292 = tpu.memref_squeeze %dma_start3A_291 : memref<1x1x128xi32, #tpu.memory_space<vmem>> -> memref<1x128xi32, #tpu.memory_space<vmem>>
          %dma_start3A_293 = arith.constant 0 : i32
          %dma_start3A_294 = tpu.memref_slice %dma_start3A_292[%dma_start3A_284, %dma_start3A_293] : memref<1x128xi32, #tpu.memory_space<vmem>> -> memref<1x128xi32, #tpu.memory_space<vmem>>
          %dma_start3A_295 = tpu.memref_squeeze %dma_start3A_294 : memref<1x128xi32, #tpu.memory_space<vmem>> -> memref<128xi32, #tpu.memory_space<vmem>>
          %dma_start3A_296 = arith.constant 0 : i32
          %dma_start3A_297 = arith.constant 0 : i32
          %dma_start3A_298 = tpu.memref_slice %arg6[%dma_start3A_296, %dma_start3A_297] : memref<10000x64xf32, #tpu.memory_space<vmem_shared>> -> memref<10000x64xf32, #tpu.memory_space<vmem_shared>>
          tpu.enqueue_indirect_dma source(%dma_start3A_288 : memref<128x64xf32, #tpu.memory_space<vmem>>) target(%dma_start3A_298 : memref<10000x64xf32, #tpu.memory_space<vmem_shared>>) offsets(%dma_start3A_295 : memref<128xi32, #tpu.memory_space<vmem>>) semaphore(%arg11 : memref<!tpu.dma_semaphore, #tpu.memory_space<semaphore_mem>>) {add = true}
          %dma_start3A_299 = arith.constant 0 : i32
          %dma_start3A_300 = arith.constant 0 : i32
          %dma_start3A_301 = arith.constant 0 : i32
          %dma_start3A_302 = tpu.memref_slice %run_scoped3A_41[%rem3A_283, %dma_start3A_300, %dma_start3A_301] : memref<2x1x128xi32, #tpu.memory_space<vmem>> -> memref<1x1x128xi32, #tpu.memory_space<vmem>>
          %dma_start3A_303 = tpu.memref_squeeze %dma_start3A_302 : memref<1x1x128xi32, #tpu.memory_space<vmem>> -> memref<1x128xi32, #tpu.memory_space<vmem>>
          %dma_start3A_304 = arith.constant 0 : i32
          %dma_start3A_305 = tpu.memref_slice %dma_start3A_303[%dma_start3A_299, %dma_start3A_304] : memref<1x128xi32, #tpu.memory_space<vmem>> -> memref<1x128xi32, #tpu.memory_space<vmem>>
          %dma_start3A_306 = tpu.memref_squeeze %dma_start3A_305 : memref<1x128xi32, #tpu.memory_space<vmem>> -> memref<128xi32, #tpu.memory_space<vmem>>
          %dma_start3A_307 = arith.constant 0 : i32
          %dma_start3A_308 = arith.constant 0 : i32
          %dma_start3A_309 = tpu.memref_slice %arg7[%dma_start3A_307, %dma_start3A_308] : memref<10000x16xf32, #tpu.memory_space<vmem_shared>> -> memref<10000x16xf32, #tpu.memory_space<vmem_shared>>
          tpu.enqueue_indirect_dma source(%arg8 : memref<128x16xf32, #tpu.memory_space<vmem>>) target(%dma_start3A_309 : memref<10000x16xf32, #tpu.memory_space<vmem_shared>>) offsets(%dma_start3A_306 : memref<128xi32, #tpu.memory_space<vmem>>) semaphore(%arg12 : memref<!tpu.dma_semaphore, #tpu.memory_space<semaphore_mem>>) {add = true}
          %dma_wait3A = arith.constant 0 : i32
          %dma_wait3A_310 = arith.constant 0 : i32
          %dma_wait3A_311 = arith.constant 0 : i32
          %dma_wait3A_312 = tpu.memref_slice %run_scoped3A[%rem3A_281, %dma_wait3A_310, %dma_wait3A_311] : memref<2x128x64xf32, #tpu.memory_space<vmem>> -> memref<1x128x64xf32, #tpu.memory_space<vmem>>
          %dma_wait3A_313 = tpu.memref_squeeze %dma_wait3A_312 : memref<1x128x64xf32, #tpu.memory_space<vmem>> -> memref<128x64xf32, #tpu.memory_space<vmem>>
          %dma_wait3A_314 = arith.constant 0 : i32
          %dma_wait3A_315 = arith.constant 0 : i32
          %dma_wait3A_316 = tpu.memref_slice %run_scoped3A_41[%rem3A_283, %dma_wait3A_314, %dma_wait3A_315] : memref<2x1x128xi32, #tpu.memory_space<vmem>> -> memref<1x1x128xi32, #tpu.memory_space<vmem>>
          %dma_wait3A_317 = tpu.memref_squeeze %dma_wait3A_316 : memref<1x1x128xi32, #tpu.memory_space<vmem>> -> memref<1x128xi32, #tpu.memory_space<vmem>>
          %dma_wait3A_318 = arith.constant 0 : i32
          %dma_wait3A_319 = tpu.memref_slice %dma_wait3A_317[%dma_wait3A, %dma_wait3A_318] : memref<1x128xi32, #tpu.memory_space<vmem>> -> memref<1x128xi32, #tpu.memory_space<vmem>>
          %dma_wait3A_320 = tpu.memref_squeeze %dma_wait3A_319 : memref<1x128xi32, #tpu.memory_space<vmem>> -> memref<128xi32, #tpu.memory_space<vmem>>
          %dma_wait3A_321 = arith.constant 0 : i32
          %dma_wait3A_322 = arith.constant 0 : i32
          %dma_wait3A_323 = tpu.memref_slice %arg6[%dma_wait3A_321, %dma_wait3A_322] : memref<10000x64xf32, #tpu.memory_space<vmem_shared>> -> memref<10000x64xf32, #tpu.memory_space<vmem_shared>>
          tpu.wait_indirect_dma semaphore(%arg11 : memref<!tpu.dma_semaphore, #tpu.memory_space<semaphore_mem>>) src(%dma_wait3A_313 : memref<128x64xf32, #tpu.memory_space<vmem>>) dst(%dma_wait3A_323 : memref<10000x64xf32, #tpu.memory_space<vmem_shared>>)
          %dma_wait3A_324 = arith.constant 0 : i32
          %dma_wait3A_325 = arith.constant 0 : i32
          %dma_wait3A_326 = arith.constant 0 : i32
          %dma_wait3A_327 = tpu.memref_slice %run_scoped3A_41[%rem3A_283, %dma_wait3A_325, %dma_wait3A_326] : memref<2x1x128xi32, #tpu.memory_space<vmem>> -> memref<1x1x128xi32, #tpu.memory_space<vmem>>
          %dma_wait3A_328 = tpu.memref_squeeze %dma_wait3A_327 : memref<1x1x128xi32, #tpu.memory_space<vmem>> -> memref<1x128xi32, #tpu.memory_space<vmem>>
          %dma_wait3A_329 = arith.constant 0 : i32
          %dma_wait3A_330 = tpu.memref_slice %dma_wait3A_328[%dma_wait3A_324, %dma_wait3A_329] : memref<1x128xi32, #tpu.memory_space<vmem>> -> memref<1x128xi32, #tpu.memory_space<vmem>>
          %dma_wait3A_331 = tpu.memref_squeeze %dma_wait3A_330 : memref<1x128xi32, #tpu.memory_space<vmem>> -> memref<128xi32, #tpu.memory_space<vmem>>
          %dma_wait3A_332 = arith.constant 0 : i32
          %dma_wait3A_333 = arith.constant 0 : i32
          %dma_wait3A_334 = tpu.memref_slice %arg7[%dma_wait3A_332, %dma_wait3A_333] : memref<10000x16xf32, #tpu.memory_space<vmem_shared>> -> memref<10000x16xf32, #tpu.memory_space<vmem_shared>>
          tpu.wait_indirect_dma semaphore(%arg12 : memref<!tpu.dma_semaphore, #tpu.memory_space<semaphore_mem>>) src(%arg8 : memref<128x16xf32, #tpu.memory_space<vmem>>) dst(%dma_wait3A_334 : memref<10000x16xf32, #tpu.memory_space<vmem_shared>>)
          "tpu.trace_stop"() : () -> ()
          %ne3A_335 = arith.cmpi ne, %add3A_202, %add3A_220 : i32
          %or3A_336 = arith.constant false
          %or3A_337 = arith.ori %or3A_336, %ne3A_335 : i1
          %or3A_338 = arith.constant false
          %or3A_339 = arith.ori %or3A_337, %or3A_338 : i1
          %or3A_340 = arith.ori %or3A_339, %eq3A_201 : i1
          %convert_element_type3A_341 = arith.extui %or3A_340 : i1 to i32
          %cond3A_342 = arith.constant 0 : i32
          %cond3A_343 = arith.cmpi ne, %convert_element_type3A_341, %cond3A_342 : i32
          scf.if %cond3A_343 {
          } else {
          }
          %and3A_344 = arith.constant false
          %and3A_345 = arith.andi %or3A_340, %and3A_344 : i1
          %ne3A_346 = arith.cmpi ne, %add3A_202, %add3A_220 : i32
          %or3A_347 = arith.constant false
          %or3A_348 = arith.ori %or3A_347, %ne3A_346 : i1
          %or3A_349 = arith.ori %or3A_348, %eq3A_201 : i1
          %convert_element_type3A_350 = arith.extui %or3A_349 : i1 to i32
          %cond3A_351 = arith.constant 0 : i32
          %cond3A_352 = arith.cmpi ne, %convert_element_type3A_350, %cond3A_351 : i32
          scf.if %cond3A_352 {
          } else {
          }
          %and3A_353 = arith.constant false
          %and3A_354 = arith.andi %or3A_349, %and3A_353 : i1
          %ne3A_355 = arith.cmpi ne, %add3A_202, %add3A_212 : i32
          %or3A_356 = arith.constant false
          %or3A_357 = arith.ori %or3A_356, %ne3A_355 : i1
          %or3A_358 = arith.constant false
          %or3A_359 = arith.ori %or3A_357, %or3A_358 : i1
          %not3A_360 = arith.constant true
          %not3A_361 = arith.xori %eq3A_198, %not3A_360 : i1
          %and3A_362 = arith.andi %or3A_359, %not3A_361 : i1
          %convert_element_type3A_363 = arith.extui %and3A_362 : i1 to i32
          %cond3A_364 = arith.constant 0 : i32
          %cond3A_365 = arith.cmpi ne, %convert_element_type3A_363, %cond3A_364 : i32
          scf.if %cond3A_365 {
          } else {
          }
          %and3A_366 = arith.constant false
          %and3A_367 = arith.andi %and3A_362, %and3A_366 : i1
          %ne3A_368 = arith.cmpi ne, %add3A_202, %add3A_212 : i32
          %or3A_369 = arith.constant false
          %or3A_370 = arith.ori %or3A_369, %ne3A_368 : i1
          %not3A_371 = arith.constant true
          %not3A_372 = arith.xori %eq3A_198, %not3A_371 : i1
          %and3A_373 = arith.andi %or3A_370, %not3A_372 : i1
          %convert_element_type3A_374 = arith.extui %and3A_373 : i1 to i32
          %cond3A_375 = arith.constant 0 : i32
          %cond3A_376 = arith.cmpi ne, %convert_element_type3A_374, %cond3A_375 : i32
          scf.if %cond3A_376 {
          } else {
          }
          %and3A_377 = arith.constant false
          %and3A_378 = arith.andi %and3A_373, %and3A_377 : i1
          %ne3A_379 = arith.cmpi ne, %add3A_202, %add3A_220 : i32
          %or3A_380 = arith.constant false
          %or3A_381 = arith.ori %or3A_380, %ne3A_379 : i1
          %or3A_382 = arith.constant false
          %or3A_383 = arith.ori %or3A_381, %or3A_382 : i1
          %or3A_384 = arith.ori %or3A_383, %eq3A_201 : i1
          %add3A_385 = arith.constant 1 : i32
          %add3A_386 = arith.addi %while3A_191, %add3A_385 : i32
          %select_n3A_387 = arith.select %or3A_384, %add3A_386, %while3A_191 : i32
          %ne3A_388 = arith.cmpi ne, %add3A_202, %add3A_220 : i32
          %or3A_389 = arith.constant false
          %or3A_390 = arith.ori %or3A_389, %ne3A_388 : i1
          %or3A_391 = arith.ori %or3A_390, %eq3A_201 : i1
          %add3A_392 = arith.constant 1 : i32
          %add3A_393 = arith.addi %while3A_193, %add3A_392 : i32
          %select_n3A_394 = arith.select %or3A_391, %add3A_393, %while3A_193 : i32
          %add3A_395 = arith.constant 1 : i32
          %add3A_396 = arith.addi %while3A_194, %add3A_395 : i32
          %select_n3A_397 = arith.constant true
          %select_n3A_398 = arith.select %select_n3A_397, %add3A_396, %while3A_194 : i32
          %eq3A_399 = arith.cmpi eq, %select_n3A_398, %select_n3A : i32
          %select_n3A_400 = arith.constant 0 : i32
          %select_n3A_401 = arith.select %eq3A_399, %select_n3A_400, %select_n3A_398 : i32
          scf.yield %select_n3A_244, %select_n3A_387, %select_n3A_263, %select_n3A_394, %select_n3A_401 : i32, i32, i32, i32, i32
        }
        %while3A_136 = arith.constant 1 : i32
        %while3A_137:5 = scf.for %while3A_189 = %while3A_133 to %while3A_129 step %while3A_136 iter_args(%while3A_190 = %while3A_135#0, %while3A_191 = %while3A_135#1, %while3A_192 = %while3A_135#2, %while3A_193 = %while3A_135#3, %while3A_194 = %while3A_135#4) -> (i32, i32, i32, i32, i32)  : i32 {
          %mul3A_195 = arith.constant 1 : i32
          %mul3A_196 = arith.muli %mul3A_195, %select_n3A : i32
          %eq3A_197 = arith.constant 0 : i32
          %eq3A_198 = arith.cmpi eq, %while3A_189, %eq3A_197 : i32
          %sub3A_199 = arith.constant 1 : i32
          %sub3A_200 = arith.subi %mul3A_196, %sub3A_199 : i32
          %eq3A_201 = arith.cmpi eq, %while3A_189, %sub3A_200 : i32
          %add3A_202 = arith.addi %while3A_194, %select_n3A_28 : i32
          %sub3A_203 = arith.constant 1 : i32
          %sub3A_204 = arith.subi %while3A_194, %sub3A_203 : i32
          %select_n3A_205 = arith.constant true
          %select_n3A_206 = arith.select %select_n3A_205, %sub3A_204, %while3A_194 : i32
          %eq3A_207 = arith.constant -1 : i32
          %eq3A_208 = arith.cmpi eq, %select_n3A_206, %eq3A_207 : i32
          %sub3A_209 = arith.constant 1 : i32
          %sub3A_210 = arith.subi %select_n3A, %sub3A_209 : i32
          %select_n3A_211 = arith.select %eq3A_208, %sub3A_210, %select_n3A_206 : i32
          %add3A_212 = arith.addi %select_n3A_211, %select_n3A_28 : i32
          %add3A_213 = arith.constant 1 : i32
          %add3A_214 = arith.addi %while3A_194, %add3A_213 : i32
          %select_n3A_215 = arith.constant true
          %select_n3A_216 = arith.select %select_n3A_215, %add3A_214, %while3A_194 : i32
          %eq3A_217 = arith.cmpi eq, %select_n3A_216, %select_n3A : i32
          %select_n3A_218 = arith.constant 0 : i32
          %select_n3A_219 = arith.select %eq3A_217, %select_n3A_218, %select_n3A_216 : i32
          %add3A_220 = arith.addi %select_n3A_219, %select_n3A_28 : i32
          %add3A_221 = arith.constant 1 : i32
          %add3A_222 = arith.addi %select_n3A_219, %add3A_221 : i32
          %select_n3A_223 = arith.constant true
          %select_n3A_224 = arith.select %select_n3A_223, %add3A_222, %select_n3A_219 : i32
          %eq3A_225 = arith.cmpi eq, %select_n3A_224, %select_n3A : i32
          %select_n3A_226 = arith.constant 0 : i32
          %select_n3A_227 = arith.select %eq3A_225, %select_n3A_226, %select_n3A_224 : i32
          %add3A_228 = arith.addi %select_n3A_227, %select_n3A_28 : i32
          %ne3A = arith.cmpi ne, %add3A_202, %add3A_220 : i32
          %or3A = arith.constant false
          %or3A_229 = arith.ori %or3A, %ne3A : i1
          %or3A_230 = arith.constant false
          %or3A_231 = arith.ori %or3A_229, %or3A_230 : i1
          %sub3A_232 = arith.constant 2 : i32
          %sub3A_233 = arith.subi %mul3A_196, %sub3A_232 : i32
          %add3A_234 = arith.constant 1 : i32
          %add3A_235 = arith.addi %sub3A_233, %add3A_234 : i32
          %ge3A = arith.cmpi sge, %while3A_189, %add3A_235 : i32
          %not3A = arith.constant true
          %not3A_236 = arith.xori %ge3A, %not3A : i1
          %and3A = arith.andi %or3A_231, %not3A_236 : i1
          %convert_element_type3A_237 = arith.extui %and3A : i1 to i32
          %cond3A_238 = arith.constant 0 : i32
          %cond3A_239 = arith.cmpi ne, %convert_element_type3A_237, %cond3A_238 : i32
          scf.if %cond3A_239 {
            "tpu.trace_start"() <{level = 10 : i32, message = "ep_copy_in"}> : () -> ()
            %rem3A_402 = arith.constant 2 : i32
            %rem3A_403 = arith.remui %while3A_190, %rem3A_402 : i32
            %mul3A_404 = arith.constant 128 : i32
            %mul3A_405 = arith.muli %mul3A_404, %add3A_220 : i32
            %dma_start3A_406 = arith.constant 0 : i32
            %dma_start3A_407 = arith.constant 0 : i32
            %dma_start3A_408 = tpu.memref_slice %run_scoped3A[%rem3A_403, %dma_start3A_406, %dma_start3A_407] : memref<2x128x64xf32, #tpu.memory_space<vmem>> -> memref<1x128x64xf32, #tpu.memory_space<vmem>>
            %dma_start3A_409 = tpu.memref_squeeze %dma_start3A_408 : memref<1x128x64xf32, #tpu.memory_space<vmem>> -> memref<128x64xf32, #tpu.memory_space<vmem>>
            %dma_start3A_410 = arith.constant 0 : i32
            %dma_start3A_411 = tpu.memref_slice %arg2[%mul3A_405, %dma_start3A_410] : memref<320000x64xf32, #tpu.memory_space<hbm>> -> memref<128x64xf32, #tpu.memory_space<hbm>>
            %dma_start3A_412 = tpu.memref_slice %run_scoped3A_40[%rem3A_403] : memref<2x!tpu.dma_semaphore, #tpu.memory_space<semaphore_mem>> -> memref<1x!tpu.dma_semaphore, #tpu.memory_space<semaphore_mem>>
            %dma_start3A_413 = tpu.memref_squeeze %dma_start3A_412 : memref<1x!tpu.dma_semaphore, #tpu.memory_space<semaphore_mem>> -> memref<!tpu.dma_semaphore, #tpu.memory_space<semaphore_mem>>
            %dma_start3A_414 = arith.constant 0 : i32
            %dma_start3A_415 = arith.constant 0 : i32
            %dma_start3A_416 = tpu.memref_slice %run_scoped3A[%rem3A_403, %dma_start3A_414, %dma_start3A_415] : memref<2x128x64xf32, #tpu.memory_space<vmem>> -> memref<1x128x64xf32, #tpu.memory_space<vmem>>
            %dma_start3A_417 = tpu.memref_squeeze %dma_start3A_416 : memref<1x128x64xf32, #tpu.memory_space<vmem>> -> memref<128x64xf32, #tpu.memory_space<vmem>>
            %dma_start3A_418 = arith.constant 0 : i32
            %dma_start3A_419 = tpu.memref_slice %arg2[%mul3A_405, %dma_start3A_418] : memref<320000x64xf32, #tpu.memory_space<hbm>> -> memref<128x64xf32, #tpu.memory_space<hbm>>
            tpu.enqueue_dma source(%dma_start3A_419 : memref<128x64xf32, #tpu.memory_space<hbm>>) target(%dma_start3A_417 : memref<128x64xf32, #tpu.memory_space<vmem>>) target_semaphore(%dma_start3A_413 : memref<!tpu.dma_semaphore, #tpu.memory_space<semaphore_mem>>)
            "tpu.trace_stop"() : () -> ()
          } else {
          }
          %and3A_240 = arith.constant true
          %and3A_241 = arith.andi %and3A, %and3A_240 : i1
          %add3A_242 = arith.constant 1 : i32
          %add3A_243 = arith.addi %while3A_190, %add3A_242 : i32
          %select_n3A_244 = arith.select %and3A_241, %add3A_243, %while3A_190 : i32
          %ne3A_245 = arith.cmpi ne, %add3A_202, %add3A_220 : i32
          %or3A_246 = arith.constant false
          %or3A_247 = arith.ori %or3A_246, %ne3A_245 : i1
          %sub3A_248 = arith.constant 2 : i32
          %sub3A_249 = arith.subi %mul3A_196, %sub3A_248 : i32
          %add3A_250 = arith.constant 1 : i32
          %add3A_251 = arith.addi %sub3A_249, %add3A_250 : i32
          %ge3A_252 = arith.cmpi sge, %while3A_189, %add3A_251 : i32
          %not3A_253 = arith.constant true
          %not3A_254 = arith.xori %ge3A_252, %not3A_253 : i1
          %and3A_255 = arith.andi %or3A_247, %not3A_254 : i1
          %convert_element_type3A_256 = arith.extui %and3A_255 : i1 to i32
          %cond3A_257 = arith.constant 0 : i32
          %cond3A_258 = arith.cmpi ne, %convert_element_type3A_256, %cond3A_257 : i32
          scf.if %cond3A_258 {
            "tpu.trace_start"() <{level = 10 : i32, message = "ep_copy_in"}> : () -> ()
            %rem3A_402 = arith.constant 2 : i32
            %rem3A_403 = arith.remui %while3A_192, %rem3A_402 : i32
            %mul3A_404 = arith.constant 128 : i32
            %mul3A_405 = arith.muli %mul3A_404, %add3A_220 : i32
            %dma_start3A_406 = arith.constant 0 : i32
            %dma_start3A_407 = arith.constant 0 : i32
            %dma_start3A_408 = tpu.memref_slice %run_scoped3A_41[%rem3A_403, %dma_start3A_406, %dma_start3A_407] : memref<2x1x128xi32, #tpu.memory_space<vmem>> -> memref<1x1x128xi32, #tpu.memory_space<vmem>>
            %dma_start3A_409 = tpu.memref_squeeze %dma_start3A_408 : memref<1x1x128xi32, #tpu.memory_space<vmem>> -> memref<1x128xi32, #tpu.memory_space<vmem>>
            %dma_start3A_410 = arith.constant 0 : i32
            %dma_start3A_411 = tpu.memref_slice %arg3[%dma_start3A_410, %mul3A_405] : memref<1x320000xi32, #tpu.memory_space<hbm>> -> memref<1x128xi32, #tpu.memory_space<hbm>>
            %dma_start3A_412 = tpu.memref_slice %run_scoped3A_42[%rem3A_403] : memref<2x!tpu.dma_semaphore, #tpu.memory_space<semaphore_mem>> -> memref<1x!tpu.dma_semaphore, #tpu.memory_space<semaphore_mem>>
            %dma_start3A_413 = tpu.memref_squeeze %dma_start3A_412 : memref<1x!tpu.dma_semaphore, #tpu.memory_space<semaphore_mem>> -> memref<!tpu.dma_semaphore, #tpu.memory_space<semaphore_mem>>
            %dma_start3A_414 = arith.constant 0 : i32
            %dma_start3A_415 = arith.constant 0 : i32
            %dma_start3A_416 = tpu.memref_slice %run_scoped3A_41[%rem3A_403, %dma_start3A_414, %dma_start3A_415] : memref<2x1x128xi32, #tpu.memory_space<vmem>> -> memref<1x1x128xi32, #tpu.memory_space<vmem>>
            %dma_start3A_417 = tpu.memref_squeeze %dma_start3A_416 : memref<1x1x128xi32, #tpu.memory_space<vmem>> -> memref<1x128xi32, #tpu.memory_space<vmem>>
            %dma_start3A_418 = arith.constant 0 : i32
            %dma_start3A_419 = tpu.memref_slice %arg3[%dma_start3A_418, %mul3A_405] : memref<1x320000xi32, #tpu.memory_space<hbm>> -> memref<1x128xi32, #tpu.memory_space<hbm>>
            tpu.enqueue_dma source(%dma_start3A_419 : memref<1x128xi32, #tpu.memory_space<hbm>>) target(%dma_start3A_417 : memref<1x128xi32, #tpu.memory_space<vmem>>) target_semaphore(%dma_start3A_413 : memref<!tpu.dma_semaphore, #tpu.memory_space<semaphore_mem>>)
            "tpu.trace_stop"() : () -> ()
          } else {
          }
          %and3A_259 = arith.constant true
          %and3A_260 = arith.andi %and3A_255, %and3A_259 : i1
          %add3A_261 = arith.constant 1 : i32
          %add3A_262 = arith.addi %while3A_192, %add3A_261 : i32
          %select_n3A_263 = arith.select %and3A_260, %add3A_262, %while3A_192 : i32
          %ne3A_264 = arith.cmpi ne, %add3A_202, %add3A_212 : i32
          %or3A_265 = arith.constant false
          %or3A_266 = arith.ori %or3A_265, %ne3A_264 : i1
          %or3A_267 = arith.constant false
          %or3A_268 = arith.ori %or3A_266, %or3A_267 : i1
          %or3A_269 = arith.ori %or3A_268, %eq3A_198 : i1
          %convert_element_type3A_270 = arith.extui %or3A_269 : i1 to i32
          %cond3A_271 = arith.constant 0 : i32
          %cond3A_272 = arith.cmpi ne, %convert_element_type3A_270, %cond3A_271 : i32
          scf.if %cond3A_272 {
            "tpu.trace_start"() <{level = 10 : i32, message = "ep_wait_in"}> : () -> ()
            %mul3A_402 = arith.constant 128 : i32
            %mul3A_403 = arith.muli %mul3A_402, %add3A_202 : i32
            %rem3A_404 = arith.constant 2 : i32
            %rem3A_405 = arith.remui %while3A_191, %rem3A_404 : i32
            %dma_wait3A_406 = arith.constant 0 : i32
            %dma_wait3A_407 = arith.constant 0 : i32
            %dma_wait3A_408 = tpu.memref_slice %run_scoped3A[%rem3A_405, %dma_wait3A_406, %dma_wait3A_407] : memref<2x128x64xf32, #tpu.memory_space<vmem>> -> memref<1x128x64xf32, #tpu.memory_space<vmem>>
            %dma_wait3A_409 = tpu.memref_squeeze %dma_wait3A_408 : memref<1x128x64xf32, #tpu.memory_space<vmem>> -> memref<128x64xf32, #tpu.memory_space<vmem>>
            %dma_wait3A_410 = arith.constant 0 : i32
            %dma_wait3A_411 = tpu.memref_slice %arg2[%mul3A_403, %dma_wait3A_410] : memref<320000x64xf32, #tpu.memory_space<hbm>> -> memref<128x64xf32, #tpu.memory_space<hbm>>
            %dma_wait3A_412 = tpu.memref_slice %run_scoped3A_40[%rem3A_405] : memref<2x!tpu.dma_semaphore, #tpu.memory_space<semaphore_mem>> -> memref<1x!tpu.dma_semaphore, #tpu.memory_space<semaphore_mem>>
            %dma_wait3A_413 = tpu.memref_squeeze %dma_wait3A_412 : memref<1x!tpu.dma_semaphore, #tpu.memory_space<semaphore_mem>> -> memref<!tpu.dma_semaphore, #tpu.memory_space<semaphore_mem>>
            %dma_wait3A_414 = arith.constant 0 : i32
            %dma_wait3A_415 = arith.constant 0 : i32
            %dma_wait3A_416 = tpu.memref_slice %run_scoped3A[%rem3A_405, %dma_wait3A_414, %dma_wait3A_415] : memref<2x128x64xf32, #tpu.memory_space<vmem>> -> memref<1x128x64xf32, #tpu.memory_space<vmem>>
            %dma_wait3A_417 = tpu.memref_squeeze %dma_wait3A_416 : memref<1x128x64xf32, #tpu.memory_space<vmem>> -> memref<128x64xf32, #tpu.memory_space<vmem>>
            %dma_wait3A_418 = arith.constant 0 : i32
            %dma_wait3A_419 = tpu.memref_slice %arg2[%mul3A_403, %dma_wait3A_418] : memref<320000x64xf32, #tpu.memory_space<hbm>> -> memref<128x64xf32, #tpu.memory_space<hbm>>
            tpu.wait_dma2 semaphore(%dma_wait3A_413 : memref<!tpu.dma_semaphore, #tpu.memory_space<semaphore_mem>>) src(%dma_wait3A_419 : memref<128x64xf32, #tpu.memory_space<hbm>>) dst(%dma_wait3A_417 : memref<128x64xf32, #tpu.memory_space<vmem>>)
            "tpu.trace_stop"() : () -> ()
          } else {
          }
          %ne3A_273 = arith.cmpi ne, %add3A_202, %add3A_212 : i32
          %or3A_274 = arith.constant false
          %or3A_275 = arith.ori %or3A_274, %ne3A_273 : i1
          %or3A_276 = arith.ori %or3A_275, %eq3A_198 : i1
          %convert_element_type3A_277 = arith.extui %or3A_276 : i1 to i32
          %cond3A_278 = arith.constant 0 : i32
          %cond3A_279 = arith.cmpi ne, %convert_element_type3A_277, %cond3A_278 : i32
          scf.if %cond3A_279 {
            "tpu.trace_start"() <{level = 10 : i32, message = "ep_wait_in"}> : () -> ()
            %mul3A_402 = arith.constant 128 : i32
            %mul3A_403 = arith.muli %mul3A_402, %add3A_202 : i32
            %rem3A_404 = arith.constant 2 : i32
            %rem3A_405 = arith.remui %while3A_193, %rem3A_404 : i32
            %dma_wait3A_406 = arith.constant 0 : i32
            %dma_wait3A_407 = arith.constant 0 : i32
            %dma_wait3A_408 = tpu.memref_slice %run_scoped3A_41[%rem3A_405, %dma_wait3A_406, %dma_wait3A_407] : memref<2x1x128xi32, #tpu.memory_space<vmem>> -> memref<1x1x128xi32, #tpu.memory_space<vmem>>
            %dma_wait3A_409 = tpu.memref_squeeze %dma_wait3A_408 : memref<1x1x128xi32, #tpu.memory_space<vmem>> -> memref<1x128xi32, #tpu.memory_space<vmem>>
            %dma_wait3A_410 = arith.constant 0 : i32
            %dma_wait3A_411 = tpu.memref_slice %arg3[%dma_wait3A_410, %mul3A_403] : memref<1x320000xi32, #tpu.memory_space<hbm>> -> memref<1x128xi32, #tpu.memory_space<hbm>>
            %dma_wait3A_412 = tpu.memref_slice %run_scoped3A_42[%rem3A_405] : memref<2x!tpu.dma_semaphore, #tpu.memory_space<semaphore_mem>> -> memref<1x!tpu.dma_semaphore, #tpu.memory_space<semaphore_mem>>
            %dma_wait3A_413 = tpu.memref_squeeze %dma_wait3A_412 : memref<1x!tpu.dma_semaphore, #tpu.memory_space<semaphore_mem>> -> memref<!tpu.dma_semaphore, #tpu.memory_space<semaphore_mem>>
            %dma_wait3A_414 = arith.constant 0 : i32
            %dma_wait3A_415 = arith.constant 0 : i32
            %dma_wait3A_416 = tpu.memref_slice %run_scoped3A_41[%rem3A_405, %dma_wait3A_414, %dma_wait3A_415] : memref<2x1x128xi32, #tpu.memory_space<vmem>> -> memref<1x1x128xi32, #tpu.memory_space<vmem>>
            %dma_wait3A_417 = tpu.memref_squeeze %dma_wait3A_416 : memref<1x1x128xi32, #tpu.memory_space<vmem>> -> memref<1x128xi32, #tpu.memory_space<vmem>>
            %dma_wait3A_418 = arith.constant 0 : i32
            %dma_wait3A_419 = tpu.memref_slice %arg3[%dma_wait3A_418, %mul3A_403] : memref<1x320000xi32, #tpu.memory_space<hbm>> -> memref<1x128xi32, #tpu.memory_space<hbm>>
            tpu.wait_dma2 semaphore(%dma_wait3A_413 : memref<!tpu.dma_semaphore, #tpu.memory_space<semaphore_mem>>) src(%dma_wait3A_419 : memref<1x128xi32, #tpu.memory_space<hbm>>) dst(%dma_wait3A_417 : memref<1x128xi32, #tpu.memory_space<vmem>>)
            "tpu.trace_stop"() : () -> ()
          } else {
          }
          %rem3A_280 = arith.constant 2 : i32
          %rem3A_281 = arith.remui %while3A_191, %rem3A_280 : i32
          %rem3A_282 = arith.constant 2 : i32
          %rem3A_283 = arith.remui %while3A_193, %rem3A_282 : i32
          %dma_start3A_284 = arith.constant 0 : i32
          "tpu.trace_start"() <{level = 10 : i32, message = "ep_run_kernel"}> : () -> ()
          %dma_start3A_285 = arith.constant 0 : i32
          %dma_start3A_286 = arith.constant 0 : i32
          %dma_start3A_287 = tpu.memref_slice %run_scoped3A[%rem3A_281, %dma_start3A_285, %dma_start3A_286] : memref<2x128x64xf32, #tpu.memory_space<vmem>> -> memref<1x128x64xf32, #tpu.memory_space<vmem>>
          %dma_start3A_288 = tpu.memref_squeeze %dma_start3A_287 : memref<1x128x64xf32, #tpu.memory_space<vmem>> -> memref<128x64xf32, #tpu.memory_space<vmem>>
          %dma_start3A_289 = arith.constant 0 : i32
          %dma_start3A_290 = arith.constant 0 : i32
          %dma_start3A_291 = tpu.memref_slice %run_scoped3A_41[%rem3A_283, %dma_start3A_289, %dma_start3A_290] : memref<2x1x128xi32, #tpu.memory_space<vmem>> -> memref<1x1x128xi32, #tpu.memory_space<vmem>>
          %dma_start3A_292 = tpu.memref_squeeze %dma_start3A_291 : memref<1x1x128xi32, #tpu.memory_space<vmem>> -> memref<1x128xi32, #tpu.memory_space<vmem>>
          %dma_start3A_293 = arith.constant 0 : i32
          %dma_start3A_294 = tpu.memref_slice %dma_start3A_292[%dma_start3A_284, %dma_start3A_293] : memref<1x128xi32, #tpu.memory_space<vmem>> -> memref<1x128xi32, #tpu.memory_space<vmem>>
          %dma_start3A_295 = tpu.memref_squeeze %dma_start3A_294 : memref<1x128xi32, #tpu.memory_space<vmem>> -> memref<128xi32, #tpu.memory_space<vmem>>
          %dma_start3A_296 = arith.constant 0 : i32
          %dma_start3A_297 = arith.constant 0 : i32
          %dma_start3A_298 = tpu.memref_slice %arg6[%dma_start3A_296, %dma_start3A_297] : memref<10000x64xf32, #tpu.memory_space<vmem_shared>> -> memref<10000x64xf32, #tpu.memory_space<vmem_shared>>
          tpu.enqueue_indirect_dma source(%dma_start3A_288 : memref<128x64xf32, #tpu.memory_space<vmem>>) target(%dma_start3A_298 : memref<10000x64xf32, #tpu.memory_space<vmem_shared>>) offsets(%dma_start3A_295 : memref<128xi32, #tpu.memory_space<vmem>>) semaphore(%arg11 : memref<!tpu.dma_semaphore, #tpu.memory_space<semaphore_mem>>) {add = true}
          %dma_start3A_299 = arith.constant 0 : i32
          %dma_start3A_300 = arith.constant 0 : i32
          %dma_start3A_301 = arith.constant 0 : i32
          %dma_start3A_302 = tpu.memref_slice %run_scoped3A_41[%rem3A_283, %dma_start3A_300, %dma_start3A_301] : memref<2x1x128xi32, #tpu.memory_space<vmem>> -> memref<1x1x128xi32, #tpu.memory_space<vmem>>
          %dma_start3A_303 = tpu.memref_squeeze %dma_start3A_302 : memref<1x1x128xi32, #tpu.memory_space<vmem>> -> memref<1x128xi32, #tpu.memory_space<vmem>>
          %dma_start3A_304 = arith.constant 0 : i32
          %dma_start3A_305 = tpu.memref_slice %dma_start3A_303[%dma_start3A_299, %dma_start3A_304] : memref<1x128xi32, #tpu.memory_space<vmem>> -> memref<1x128xi32, #tpu.memory_space<vmem>>
          %dma_start3A_306 = tpu.memref_squeeze %dma_start3A_305 : memref<1x128xi32, #tpu.memory_space<vmem>> -> memref<128xi32, #tpu.memory_space<vmem>>
          %dma_start3A_307 = arith.constant 0 : i32
          %dma_start3A_308 = arith.constant 0 : i32
          %dma_start3A_309 = tpu.memref_slice %arg7[%dma_start3A_307, %dma_start3A_308] : memref<10000x16xf32, #tpu.memory_space<vmem_shared>> -> memref<10000x16xf32, #tpu.memory_space<vmem_shared>>
          tpu.enqueue_indirect_dma source(%arg8 : memref<128x16xf32, #tpu.memory_space<vmem>>) target(%dma_start3A_309 : memref<10000x16xf32, #tpu.memory_space<vmem_shared>>) offsets(%dma_start3A_306 : memref<128xi32, #tpu.memory_space<vmem>>) semaphore(%arg12 : memref<!tpu.dma_semaphore, #tpu.memory_space<semaphore_mem>>) {add = true}
          %dma_wait3A = arith.constant 0 : i32
          %dma_wait3A_310 = arith.constant 0 : i32
          %dma_wait3A_311 = arith.constant 0 : i32
          %dma_wait3A_312 = tpu.memref_slice %run_scoped3A[%rem3A_281, %dma_wait3A_310, %dma_wait3A_311] : memref<2x128x64xf32, #tpu.memory_space<vmem>> -> memref<1x128x64xf32, #tpu.memory_space<vmem>>
          %dma_wait3A_313 = tpu.memref_squeeze %dma_wait3A_312 : memref<1x128x64xf32, #tpu.memory_space<vmem>> -> memref<128x64xf32, #tpu.memory_space<vmem>>
          %dma_wait3A_314 = arith.constant 0 : i32
          %dma_wait3A_315 = arith.constant 0 : i32
          %dma_wait3A_316 = tpu.memref_slice %run_scoped3A_41[%rem3A_283, %dma_wait3A_314, %dma_wait3A_315] : memref<2x1x128xi32, #tpu.memory_space<vmem>> -> memref<1x1x128xi32, #tpu.memory_space<vmem>>
          %dma_wait3A_317 = tpu.memref_squeeze %dma_wait3A_316 : memref<1x1x128xi32, #tpu.memory_space<vmem>> -> memref<1x128xi32, #tpu.memory_space<vmem>>
          %dma_wait3A_318 = arith.constant 0 : i32
          %dma_wait3A_319 = tpu.memref_slice %dma_wait3A_317[%dma_wait3A, %dma_wait3A_318] : memref<1x128xi32, #tpu.memory_space<vmem>> -> memref<1x128xi32, #tpu.memory_space<vmem>>
          %dma_wait3A_320 = tpu.memref_squeeze %dma_wait3A_319 : memref<1x128xi32, #tpu.memory_space<vmem>> -> memref<128xi32, #tpu.memory_space<vmem>>
          %dma_wait3A_321 = arith.constant 0 : i32
          %dma_wait3A_322 = arith.constant 0 : i32
          %dma_wait3A_323 = tpu.memref_slice %arg6[%dma_wait3A_321, %dma_wait3A_322] : memref<10000x64xf32, #tpu.memory_space<vmem_shared>> -> memref<10000x64xf32, #tpu.memory_space<vmem_shared>>
          tpu.wait_indirect_dma semaphore(%arg11 : memref<!tpu.dma_semaphore, #tpu.memory_space<semaphore_mem>>) src(%dma_wait3A_313 : memref<128x64xf32, #tpu.memory_space<vmem>>) dst(%dma_wait3A_323 : memref<10000x64xf32, #tpu.memory_space<vmem_shared>>)
          %dma_wait3A_324 = arith.constant 0 : i32
          %dma_wait3A_325 = arith.constant 0 : i32
          %dma_wait3A_326 = arith.constant 0 : i32
          %dma_wait3A_327 = tpu.memref_slice %run_scoped3A_41[%rem3A_283, %dma_wait3A_325, %dma_wait3A_326] : memref<2x1x128xi32, #tpu.memory_space<vmem>> -> memref<1x1x128xi32, #tpu.memory_space<vmem>>
          %dma_wait3A_328 = tpu.memref_squeeze %dma_wait3A_327 : memref<1x1x128xi32, #tpu.memory_space<vmem>> -> memref<1x128xi32, #tpu.memory_space<vmem>>
          %dma_wait3A_329 = arith.constant 0 : i32
          %dma_wait3A_330 = tpu.memref_slice %dma_wait3A_328[%dma_wait3A_324, %dma_wait3A_329] : memref<1x128xi32, #tpu.memory_space<vmem>> -> memref<1x128xi32, #tpu.memory_space<vmem>>
          %dma_wait3A_331 = tpu.memref_squeeze %dma_wait3A_330 : memref<1x128xi32, #tpu.memory_space<vmem>> -> memref<128xi32, #tpu.memory_space<vmem>>
          %dma_wait3A_332 = arith.constant 0 : i32
          %dma_wait3A_333 = arith.constant 0 : i32
          %dma_wait3A_334 = tpu.memref_slice %arg7[%dma_wait3A_332, %dma_wait3A_333] : memref<10000x16xf32, #tpu.memory_space<vmem_shared>> -> memref<10000x16xf32, #tpu.memory_space<vmem_shared>>
          tpu.wait_indirect_dma semaphore(%arg12 : memref<!tpu.dma_semaphore, #tpu.memory_space<semaphore_mem>>) src(%arg8 : memref<128x16xf32, #tpu.memory_space<vmem>>) dst(%dma_wait3A_334 : memref<10000x16xf32, #tpu.memory_space<vmem_shared>>)
          "tpu.trace_stop"() : () -> ()
          %ne3A_335 = arith.cmpi ne, %add3A_202, %add3A_220 : i32
          %or3A_336 = arith.constant false
          %or3A_337 = arith.ori %or3A_336, %ne3A_335 : i1
          %or3A_338 = arith.constant false
          %or3A_339 = arith.ori %or3A_337, %or3A_338 : i1
          %or3A_340 = arith.ori %or3A_339, %eq3A_201 : i1
          %convert_element_type3A_341 = arith.extui %or3A_340 : i1 to i32
          %cond3A_342 = arith.constant 0 : i32
          %cond3A_343 = arith.cmpi ne, %convert_element_type3A_341, %cond3A_342 : i32
          scf.if %cond3A_343 {
          } else {
          }
          %and3A_344 = arith.constant false
          %and3A_345 = arith.andi %or3A_340, %and3A_344 : i1
          %ne3A_346 = arith.cmpi ne, %add3A_202, %add3A_220 : i32
          %or3A_347 = arith.constant false
          %or3A_348 = arith.ori %or3A_347, %ne3A_346 : i1
          %or3A_349 = arith.ori %or3A_348, %eq3A_201 : i1
          %convert_element_type3A_350 = arith.extui %or3A_349 : i1 to i32
          %cond3A_351 = arith.constant 0 : i32
          %cond3A_352 = arith.cmpi ne, %convert_element_type3A_350, %cond3A_351 : i32
          scf.if %cond3A_352 {
          } else {
          }
          %and3A_353 = arith.constant false
          %and3A_354 = arith.andi %or3A_349, %and3A_353 : i1
          %ne3A_355 = arith.cmpi ne, %add3A_202, %add3A_212 : i32
          %or3A_356 = arith.constant false
          %or3A_357 = arith.ori %or3A_356, %ne3A_355 : i1
          %or3A_358 = arith.constant false
          %or3A_359 = arith.ori %or3A_357, %or3A_358 : i1
          %not3A_360 = arith.constant true
          %not3A_361 = arith.xori %eq3A_198, %not3A_360 : i1
          %and3A_362 = arith.andi %or3A_359, %not3A_361 : i1
          %convert_element_type3A_363 = arith.extui %and3A_362 : i1 to i32
          %cond3A_364 = arith.constant 0 : i32
          %cond3A_365 = arith.cmpi ne, %convert_element_type3A_363, %cond3A_364 : i32
          scf.if %cond3A_365 {
          } else {
          }
          %and3A_366 = arith.constant false
          %and3A_367 = arith.andi %and3A_362, %and3A_366 : i1
          %ne3A_368 = arith.cmpi ne, %add3A_202, %add3A_212 : i32
          %or3A_369 = arith.constant false
          %or3A_370 = arith.ori %or3A_369, %ne3A_368 : i1
          %not3A_371 = arith.constant true
          %not3A_372 = arith.xori %eq3A_198, %not3A_371 : i1
          %and3A_373 = arith.andi %or3A_370, %not3A_372 : i1
          %convert_element_type3A_374 = arith.extui %and3A_373 : i1 to i32
          %cond3A_375 = arith.constant 0 : i32
          %cond3A_376 = arith.cmpi ne, %convert_element_type3A_374, %cond3A_375 : i32
          scf.if %cond3A_376 {
          } else {
          }
          %and3A_377 = arith.constant false
          %and3A_378 = arith.andi %and3A_373, %and3A_377 : i1
          %ne3A_379 = arith.cmpi ne, %add3A_202, %add3A_220 : i32
          %or3A_380 = arith.constant false
          %or3A_381 = arith.ori %or3A_380, %ne3A_379 : i1
          %or3A_382 = arith.constant false
          %or3A_383 = arith.ori %or3A_381, %or3A_382 : i1
          %or3A_384 = arith.ori %or3A_383, %eq3A_201 : i1
          %add3A_385 = arith.constant 1 : i32
          %add3A_386 = arith.addi %while3A_191, %add3A_385 : i32
          %select_n3A_387 = arith.select %or3A_384, %add3A_386, %while3A_191 : i32
          %ne3A_388 = arith.cmpi ne, %add3A_202, %add3A_220 : i32
          %or3A_389 = arith.constant false
          %or3A_390 = arith.ori %or3A_389, %ne3A_388 : i1
          %or3A_391 = arith.ori %or3A_390, %eq3A_201 : i1
          %add3A_392 = arith.constant 1 : i32
          %add3A_393 = arith.addi %while3A_193, %add3A_392 : i32
          %select_n3A_394 = arith.select %or3A_391, %add3A_393, %while3A_193 : i32
          %add3A_395 = arith.constant 1 : i32
          %add3A_396 = arith.addi %while3A_194, %add3A_395 : i32
          %select_n3A_397 = arith.constant true
          %select_n3A_398 = arith.select %select_n3A_397, %add3A_396, %while3A_194 : i32
          %eq3A_399 = arith.cmpi eq, %select_n3A_398, %select_n3A : i32
          %select_n3A_400 = arith.constant 0 : i32
          %select_n3A_401 = arith.select %eq3A_399, %select_n3A_400, %select_n3A_398 : i32
          scf.yield %select_n3A_244, %select_n3A_387, %select_n3A_263, %select_n3A_394, %select_n3A_401 : i32, i32, i32, i32, i32
        }
        %sub3A_138 = arith.constant 1 : i32
        %sub3A_139 = arith.subi %while3A_137#4, %sub3A_138 : i32
        %select_n3A_140 = arith.constant true
        %select_n3A_141 = arith.select %select_n3A_140, %sub3A_139, %while3A_137#4 : i32
        %eq3A_142 = arith.constant -1 : i32
        %eq3A_143 = arith.cmpi eq, %select_n3A_141, %eq3A_142 : i32
        %sub3A_144 = arith.constant 1 : i32
        %sub3A_145 = arith.subi %select_n3A, %sub3A_144 : i32
        %select_n3A_146 = arith.select %eq3A_143, %sub3A_145, %select_n3A_141 : i32
        %sub3A_147 = arith.constant 1 : i32
        %sub3A_148 = arith.subi %mul3A_30, %sub3A_147 : i32
        %mul3A_149 = arith.constant 1 : i32
        %mul3A_150 = arith.muli %mul3A_149, %select_n3A : i32
        %eq3A_151 = arith.constant 0 : i32
        %eq3A_152 = arith.cmpi eq, %sub3A_148, %eq3A_151 : i32
        %sub3A_153 = arith.constant 1 : i32
        %sub3A_154 = arith.subi %mul3A_150, %sub3A_153 : i32
        %eq3A_155 = arith.cmpi eq, %sub3A_148, %sub3A_154 : i32
        %add3A_156 = arith.addi %select_n3A_146, %select_n3A_28 : i32
        %sub3A_157 = arith.constant 1 : i32
        %sub3A_158 = arith.subi %select_n3A_146, %sub3A_157 : i32
        %select_n3A_159 = arith.constant true
        %select_n3A_160 = arith.select %select_n3A_159, %sub3A_158, %select_n3A_146 : i32
        %eq3A_161 = arith.constant -1 : i32
        %eq3A_162 = arith.cmpi eq, %select_n3A_160, %eq3A_161 : i32
        %sub3A_163 = arith.constant 1 : i32
        %sub3A_164 = arith.subi %select_n3A, %sub3A_163 : i32
        %select_n3A_165 = arith.select %eq3A_162, %sub3A_164, %select_n3A_160 : i32
        %add3A_166 = arith.addi %select_n3A_165, %select_n3A_28 : i32
        %add3A_167 = arith.constant 1 : i32
        %add3A_168 = arith.addi %select_n3A_146, %add3A_167 : i32
        %select_n3A_169 = arith.constant true
        %select_n3A_170 = arith.select %select_n3A_169, %add3A_168, %select_n3A_146 : i32
        %eq3A_171 = arith.cmpi eq, %select_n3A_170, %select_n3A : i32
        %select_n3A_172 = arith.constant 0 : i32
        %select_n3A_173 = arith.select %eq3A_171, %select_n3A_172, %select_n3A_170 : i32
        %add3A_174 = arith.addi %select_n3A_173, %select_n3A_28 : i32
        %add3A_175 = arith.constant 1 : i32
        %add3A_176 = arith.addi %select_n3A_173, %add3A_175 : i32
        %select_n3A_177 = arith.constant true
        %select_n3A_178 = arith.select %select_n3A_177, %add3A_176, %select_n3A_173 : i32
        %eq3A_179 = arith.cmpi eq, %select_n3A_178, %select_n3A : i32
        %select_n3A_180 = arith.constant 0 : i32
        %select_n3A_181 = arith.select %eq3A_179, %select_n3A_180, %select_n3A_178 : i32
        %add3A_182 = arith.addi %select_n3A_181, %select_n3A_28 : i32
        %convert_element_type3A_183 = arith.extui %eq3A_155 : i1 to i32
        %cond3A_184 = arith.constant 0 : i32
        %cond3A_185 = arith.cmpi ne, %convert_element_type3A_183, %cond3A_184 : i32
        scf.if %cond3A_185 {
        } else {
        }
        %convert_element_type3A_186 = arith.extui %eq3A_155 : i1 to i32
        %cond3A_187 = arith.constant 0 : i32
        %cond3A_188 = arith.cmpi ne, %convert_element_type3A_186, %cond3A_187 : i32
        scf.if %cond3A_188 {
        } else {
        }
      } else {
      }
      tpu.yield
    }) : () -> ()
    %barrier3A_31 = arith.constant 0 : index
    tpu.barrier barrier_id(%barrier3A_31)
    %mul3A_32 = arith.constant 625 : i32
    %mul3A_33 = arith.muli %arg1, %mul3A_32 : i32
    %mul3A_34 = arith.constant 625 : i32
    %mul3A_35 = arith.muli %arg1, %mul3A_34 : i32
    "tpu.region"() ({
      %run_scoped3A = tpu.sem_alloc : memref<!tpu.dma_semaphore, #tpu.memory_space<semaphore_mem>>
      %dma_start3A = arith.constant 0 : i32
      %dma_start3A_40 = arith.constant 0 : i32
      %dma_start3A_41 = tpu.memref_slice %arg4[%arg0, %dma_start3A, %dma_start3A_40] : memref<2x10000x64xf32, #tpu.memory_space<hbm>> -> memref<1x10000x64xf32, #tpu.memory_space<hbm>>
      %dma_start3A_42 = tpu.memref_squeeze %dma_start3A_41 : memref<1x10000x64xf32, #tpu.memory_space<hbm>> -> memref<10000x64xf32, #tpu.memory_space<hbm>>
      %dma_start3A_43 = arith.constant 0 : i32
      %dma_start3A_44 = tpu.memref_slice %dma_start3A_42[%mul3A_35, %dma_start3A_43] : memref<10000x64xf32, #tpu.memory_space<hbm>> -> memref<625x64xf32, #tpu.memory_space<hbm>>
      %dma_start3A_45 = arith.constant 0 : i32
      %dma_start3A_46 = tpu.memref_slice %arg6[%mul3A_33, %dma_start3A_45] : memref<10000x64xf32, #tpu.memory_space<vmem_shared>> -> memref<625x64xf32, #tpu.memory_space<vmem_shared>>
      tpu.enqueue_dma source(%dma_start3A_46 : memref<625x64xf32, #tpu.memory_space<vmem_shared>>) target(%dma_start3A_44 : memref<625x64xf32, #tpu.memory_space<hbm>>) target_semaphore(%run_scoped3A : memref<!tpu.dma_semaphore, #tpu.memory_space<semaphore_mem>>)
      %dma_wait3A = arith.constant 0 : i32
      %dma_wait3A_47 = arith.constant 0 : i32
      %dma_wait3A_48 = tpu.memref_slice %arg4[%arg0, %dma_wait3A, %dma_wait3A_47] : memref<2x10000x64xf32, #tpu.memory_space<hbm>> -> memref<1x10000x64xf32, #tpu.memory_space<hbm>>
      %dma_wait3A_49 = tpu.memref_squeeze %dma_wait3A_48 : memref<1x10000x64xf32, #tpu.memory_space<hbm>> -> memref<10000x64xf32, #tpu.memory_space<hbm>>
      %dma_wait3A_50 = arith.constant 0 : i32
      %dma_wait3A_51 = tpu.memref_slice %dma_wait3A_49[%mul3A_35, %dma_wait3A_50] : memref<10000x64xf32, #tpu.memory_space<hbm>> -> memref<625x64xf32, #tpu.memory_space<hbm>>
      %dma_wait3A_52 = arith.constant 0 : i32
      %dma_wait3A_53 = tpu.memref_slice %arg6[%mul3A_33, %dma_wait3A_52] : memref<10000x64xf32, #tpu.memory_space<vmem_shared>> -> memref<625x64xf32, #tpu.memory_space<vmem_shared>>
      tpu.wait_dma2 semaphore(%run_scoped3A : memref<!tpu.dma_semaphore, #tpu.memory_space<semaphore_mem>>) src(%dma_wait3A_53 : memref<625x64xf32, #tpu.memory_space<vmem_shared>>) dst(%dma_wait3A_51 : memref<625x64xf32, #tpu.memory_space<hbm>>)
      tpu.yield
    }) : () -> ()
    %mul3A_36 = arith.constant 625 : i32
    %mul3A_37 = arith.muli %arg1, %mul3A_36 : i32
    %mul3A_38 = arith.constant 625 : i32
    %mul3A_39 = arith.muli %arg1, %mul3A_38 : i32
    "tpu.region"() ({
      %run_scoped3A = tpu.sem_alloc : memref<!tpu.dma_semaphore, #tpu.memory_space<semaphore_mem>>
      %dma_start3A = arith.constant 0 : i32
      %dma_start3A_40 = arith.constant 0 : i32
      %dma_start3A_41 = tpu.memref_slice %arg5[%arg0, %dma_start3A, %dma_start3A_40] : memref<2x10000x16xf32, #tpu.memory_space<hbm>> -> memref<1x10000x16xf32, #tpu.memory_space<hbm>>
      %dma_start3A_42 = tpu.memref_squeeze %dma_start3A_41 : memref<1x10000x16xf32, #tpu.memory_space<hbm>> -> memref<10000x16xf32, #tpu.memory_space<hbm>>
      %dma_start3A_43 = arith.constant 0 : i32
      %dma_start3A_44 = tpu.memref_slice %dma_start3A_42[%mul3A_39, %dma_start3A_43] : memref<10000x16xf32, #tpu.memory_space<hbm>> -> memref<625x16xf32, #tpu.memory_space<hbm>>
      %dma_start3A_45 = arith.constant 0 : i32
      %dma_start3A_46 = tpu.memref_slice %arg7[%mul3A_37, %dma_start3A_45] : memref<10000x16xf32, #tpu.memory_space<vmem_shared>> -> memref<625x16xf32, #tpu.memory_space<vmem_shared>>
      tpu.enqueue_dma source(%dma_start3A_46 : memref<625x16xf32, #tpu.memory_space<vmem_shared>>) target(%dma_start3A_44 : memref<625x16xf32, #tpu.memory_space<hbm>>) target_semaphore(%run_scoped3A : memref<!tpu.dma_semaphore, #tpu.memory_space<semaphore_mem>>)
      %dma_wait3A = arith.constant 0 : i32
      %dma_wait3A_47 = arith.constant 0 : i32
      %dma_wait3A_48 = tpu.memref_slice %arg5[%arg0, %dma_wait3A, %dma_wait3A_47] : memref<2x10000x16xf32, #tpu.memory_space<hbm>> -> memref<1x10000x16xf32, #tpu.memory_space<hbm>>
      %dma_wait3A_49 = tpu.memref_squeeze %dma_wait3A_48 : memref<1x10000x16xf32, #tpu.memory_space<hbm>> -> memref<10000x16xf32, #tpu.memory_space<hbm>>
      %dma_wait3A_50 = arith.constant 0 : i32
      %dma_wait3A_51 = tpu.memref_slice %dma_wait3A_49[%mul3A_39, %dma_wait3A_50] : memref<10000x16xf32, #tpu.memory_space<hbm>> -> memref<625x16xf32, #tpu.memory_space<hbm>>
      %dma_wait3A_52 = arith.constant 0 : i32
      %dma_wait3A_53 = tpu.memref_slice %arg7[%mul3A_37, %dma_wait3A_52] : memref<10000x16xf32, #tpu.memory_space<vmem_shared>> -> memref<625x16xf32, #tpu.memory_space<vmem_shared>>
      tpu.wait_dma2 semaphore(%run_scoped3A : memref<!tpu.dma_semaphore, #tpu.memory_space<semaphore_mem>>) src(%dma_wait3A_53 : memref<625x16xf32, #tpu.memory_space<vmem_shared>>) dst(%dma_wait3A_51 : memref<625x16xf32, #tpu.memory_space<hbm>>)
      tpu.yield
    }) : () -> ()
    return
  }
}

#map = affine_map<(d0, d1) -> (0, 0)>
module attributes {stable_mosaic.version = 14 : i64} {
  func.func @body(%arg0: i32, %arg1: i32, %arg2: memref<20000x64xf32, #tpu.memory_space<hbm>>, %arg3: memref<1x640000xi32, #tpu.memory_space<hbm>>, %arg4: memref<640000x64xf32, #tpu.memory_space<hbm>>, %arg5: memref<20000x64xf32, #tpu.memory_space<vmem_shared>>) attributes {dimension_semantics = [#tpu.dimension_semantics<core_parallel>, #tpu.dimension_semantics<subcore_parallel>], iteration_bounds = array<i64: 2, 16>, scalar_prefetch = 0 : i64, scratch_operands = 1 : i64, tpu.core_type = #tpu.core_type<sc_vector_subcore>, window_params = [{transform_indices = #map}, {transform_indices = #map}, {transform_indices = #map}]} {
    %mul3A = arith.constant 1250 : i32
    %mul3A_0 = arith.muli %arg1, %mul3A : i32
    %mul3A_1 = arith.constant 1250 : i32
    %mul3A_2 = arith.muli %arg1, %mul3A_1 : i32
    "tpu.region"() ({
      %run_scoped3A = tpu.sem_alloc : memref<!tpu.dma_semaphore, #tpu.memory_space<semaphore_mem>>
      %dma_start3A = arith.constant 0 : i32
      %dma_start3A_21 = tpu.memref_slice %arg5[%mul3A_2, %dma_start3A] : memref<20000x64xf32, #tpu.memory_space<vmem_shared>> -> memref<1250x64xf32, #tpu.memory_space<vmem_shared>>
      %dma_start3A_22 = arith.constant 0 : i32
      %dma_start3A_23 = tpu.memref_slice %arg2[%mul3A_0, %dma_start3A_22] : memref<20000x64xf32, #tpu.memory_space<hbm>> -> memref<1250x64xf32, #tpu.memory_space<hbm>>
      tpu.enqueue_dma source(%dma_start3A_23 : memref<1250x64xf32, #tpu.memory_space<hbm>>) target(%dma_start3A_21 : memref<1250x64xf32, #tpu.memory_space<vmem_shared>>) target_semaphore(%run_scoped3A : memref<!tpu.dma_semaphore, #tpu.memory_space<semaphore_mem>>)
      %dma_wait3A = arith.constant 0 : i32
      %dma_wait3A_24 = tpu.memref_slice %arg5[%mul3A_2, %dma_wait3A] : memref<20000x64xf32, #tpu.memory_space<vmem_shared>> -> memref<1250x64xf32, #tpu.memory_space<vmem_shared>>
      %dma_wait3A_25 = arith.constant 0 : i32
      %dma_wait3A_26 = tpu.memref_slice %arg2[%mul3A_0, %dma_wait3A_25] : memref<20000x64xf32, #tpu.memory_space<hbm>> -> memref<1250x64xf32, #tpu.memory_space<hbm>>
      tpu.wait_dma2 semaphore(%run_scoped3A : memref<!tpu.dma_semaphore, #tpu.memory_space<semaphore_mem>>) src(%dma_wait3A_26 : memref<1250x64xf32, #tpu.memory_space<hbm>>) dst(%dma_wait3A_24 : memref<1250x64xf32, #tpu.memory_space<vmem_shared>>)
      tpu.yield
    }) : () -> ()
    %barrier3A = arith.constant 0 : index
    tpu.barrier barrier_id(%barrier3A)
    %mul3A_3 = arith.constant 1 : i32
    %mul3A_4 = arith.muli %arg1, %mul3A_3 : i32
    %add3A = arith.constant 0 : i32
    %add3A_5 = arith.addi %add3A, %mul3A_4 : i32
    %mul3A_6 = arith.constant 16 : i32
    %mul3A_7 = arith.muli %arg0, %mul3A_6 : i32
    %add3A_8 = arith.addi %add3A_5, %mul3A_7 : i32
    %lt3A = arith.constant 8 : i32
    %lt3A_9 = arith.cmpi slt, %add3A_8, %lt3A : i32
    %jit3A = arith.constant 157 : i32
    %jit3A_10 = arith.constant 156 : i32
    %select_n3A = arith.select %lt3A_9, %jit3A, %jit3A_10 : i32
    %lt3A_11 = arith.constant 8 : i32
    %lt3A_12 = arith.cmpi slt, %add3A_8, %lt3A_11 : i32
    %mul3A_13 = arith.muli %add3A_8, %select_n3A : i32
    %mul3A_14 = arith.constant 156 : i32
    %mul3A_15 = arith.muli %add3A_8, %mul3A_14 : i32
    %add3A_16 = arith.constant 8 : i32
    %add3A_17 = arith.addi %mul3A_15, %add3A_16 : i32
    %select_n3A_18 = arith.select %lt3A_12, %mul3A_13, %add3A_17 : i32
    %mul3A_19 = arith.constant 1 : i32
    %mul3A_20 = arith.muli %mul3A_19, %select_n3A : i32
    "tpu.region"() ({
      %run_scoped3A = memref.alloca() : memref<2x1x128xi32, #tpu.memory_space<vmem>>
      %run_scoped3A_21 = tpu.sem_alloc : memref<2x!tpu.dma_semaphore, #tpu.memory_space<semaphore_mem>>
      %run_scoped3A_22 = memref.alloca() : memref<2x128x64xf32, #tpu.memory_space<vmem>>
      %run_scoped3A_23 = tpu.sem_alloc : memref<2x!tpu.dma_semaphore, #tpu.memory_space<semaphore_mem>>
      %gt3A = arith.constant 0 : i32
      %gt3A_24 = arith.cmpi sgt, %mul3A_20, %gt3A : i32
      %convert_element_type3A = arith.extui %gt3A_24 : i1 to i32
      %cond3A = arith.constant 0 : i32
      %cond3A_25 = arith.cmpi ne, %convert_element_type3A, %cond3A : i32
      scf.if %cond3A_25 {
        %mul3A_26 = arith.constant 1 : i32
        %mul3A_27 = arith.muli %mul3A_26, %select_n3A : i32
        %sub3A = arith.constant 1 : i32
        %sub3A_28 = arith.subi %mul3A_27, %sub3A : i32
        %eq3A = arith.constant 0 : i32
        %eq3A_29 = arith.cmpi eq, %sub3A_28, %eq3A : i32
        %add3A_30 = arith.constant 0 : i32
        %add3A_31 = arith.addi %add3A_30, %select_n3A_18 : i32
        %select_n3A_32 = arith.constant true
        %select_n3A_33 = arith.constant 0 : i32
        %select_n3A_34 = arith.constant -1 : i32
        %select_n3A_35 = arith.select %select_n3A_32, %select_n3A_34, %select_n3A_33 : i32
        %eq3A_36 = arith.constant -1 : i32
        %eq3A_37 = arith.cmpi eq, %select_n3A_35, %eq3A_36 : i32
        %sub3A_38 = arith.constant 1 : i32
        %sub3A_39 = arith.subi %select_n3A, %sub3A_38 : i32
        %select_n3A_40 = arith.select %eq3A_37, %sub3A_39, %select_n3A_35 : i32
        %add3A_41 = arith.addi %select_n3A_40, %select_n3A_18 : i32
        %select_n3A_42 = arith.constant true
        %select_n3A_43 = arith.constant 0 : i32
        %select_n3A_44 = arith.constant 1 : i32
        %select_n3A_45 = arith.select %select_n3A_42, %select_n3A_44, %select_n3A_43 : i32
        %eq3A_46 = arith.cmpi eq, %select_n3A_45, %select_n3A : i32
        %select_n3A_47 = arith.constant 0 : i32
        %select_n3A_48 = arith.select %eq3A_46, %select_n3A_47, %select_n3A_45 : i32
        %add3A_49 = arith.addi %select_n3A_48, %select_n3A_18 : i32
        %add3A_50 = arith.constant 1 : i32
        %add3A_51 = arith.addi %select_n3A_48, %add3A_50 : i32
        %select_n3A_52 = arith.constant true
        %select_n3A_53 = arith.select %select_n3A_52, %add3A_51, %select_n3A_48 : i32
        %eq3A_54 = arith.cmpi eq, %select_n3A_53, %select_n3A : i32
        %select_n3A_55 = arith.constant 0 : i32
        %select_n3A_56 = arith.select %eq3A_54, %select_n3A_55, %select_n3A_53 : i32
        %add3A_57 = arith.addi %select_n3A_56, %select_n3A_18 : i32
        "tpu.trace_start"() <{level = 10 : i32, message = "ep_initialize_0"}> : () -> ()
        %rem3A = arith.constant 0 : i32
        %rem3A_58 = arith.constant 2 : i32
        %rem3A_59 = arith.remui %rem3A, %rem3A_58 : i32
        %mul3A_60 = arith.constant 128 : i32
        %mul3A_61 = arith.muli %mul3A_60, %add3A_31 : i32
        %dma_start3A = arith.constant 0 : i32
        %dma_start3A_62 = arith.constant 0 : i32
        %dma_start3A_63 = tpu.memref_slice %run_scoped3A[%rem3A_59, %dma_start3A, %dma_start3A_62] : memref<2x1x128xi32, #tpu.memory_space<vmem>> -> memref<1x1x128xi32, #tpu.memory_space<vmem>>
        %dma_start3A_64 = tpu.memref_squeeze %dma_start3A_63 : memref<1x1x128xi32, #tpu.memory_space<vmem>> -> memref<1x128xi32, #tpu.memory_space<vmem>>
        %dma_start3A_65 = arith.constant 0 : i32
        %dma_start3A_66 = tpu.memref_slice %arg3[%dma_start3A_65, %mul3A_61] : memref<1x640000xi32, #tpu.memory_space<hbm>> -> memref<1x128xi32, #tpu.memory_space<hbm>>
        %dma_start3A_67 = tpu.memref_slice %run_scoped3A_21[%rem3A_59] : memref<2x!tpu.dma_semaphore, #tpu.memory_space<semaphore_mem>> -> memref<1x!tpu.dma_semaphore, #tpu.memory_space<semaphore_mem>>
        %dma_start3A_68 = tpu.memref_squeeze %dma_start3A_67 : memref<1x!tpu.dma_semaphore, #tpu.memory_space<semaphore_mem>> -> memref<!tpu.dma_semaphore, #tpu.memory_space<semaphore_mem>>
        %dma_start3A_69 = arith.constant 0 : i32
        %dma_start3A_70 = arith.constant 0 : i32
        %dma_start3A_71 = tpu.memref_slice %run_scoped3A[%rem3A_59, %dma_start3A_69, %dma_start3A_70] : memref<2x1x128xi32, #tpu.memory_space<vmem>> -> memref<1x1x128xi32, #tpu.memory_space<vmem>>
        %dma_start3A_72 = tpu.memref_squeeze %dma_start3A_71 : memref<1x1x128xi32, #tpu.memory_space<vmem>> -> memref<1x128xi32, #tpu.memory_space<vmem>>
        %dma_start3A_73 = arith.constant 0 : i32
        %dma_start3A_74 = tpu.memref_slice %arg3[%dma_start3A_73, %mul3A_61] : memref<1x640000xi32, #tpu.memory_space<hbm>> -> memref<1x128xi32, #tpu.memory_space<hbm>>
        tpu.enqueue_dma source(%dma_start3A_74 : memref<1x128xi32, #tpu.memory_space<hbm>>) target(%dma_start3A_72 : memref<1x128xi32, #tpu.memory_space<vmem>>) target_semaphore(%dma_start3A_68 : memref<!tpu.dma_semaphore, #tpu.memory_space<semaphore_mem>>)
        %add3A_75 = arith.constant 0 : i32
        %add3A_76 = arith.constant 1 : i32
        %add3A_77 = arith.addi %add3A_75, %add3A_76 : i32
        %select_n3A_78 = arith.constant true
        %select_n3A_79 = arith.constant 0 : i32
        %select_n3A_80 = arith.select %select_n3A_78, %add3A_77, %select_n3A_79 : i32
        %while3A = arith.constant 0 : i32
        %while3A_81 = arith.constant 0 : i32
        %while3A_82 = arith.constant 0 : i32
        %while3A_83 = arith.constant 0 : i32
        %while3A_84 = arith.constant 0 : i32
        "tpu.trace_stop"() : () -> ()
        %while3A_85 = arith.subi %mul3A_20, %while3A : i32
        %while3A_86 = arith.addi %while3A, %while3A_85 : i32
        %while3A_87 = arith.constant 1 : i32
        %while3A_88 = arith.divsi %while3A_85, %while3A_87 : i32
        %while3A_89 = arith.muli %while3A_88, %while3A_87 : i32
        %while3A_90 = arith.addi %while3A, %while3A_89 : i32
        %while3A_91 = arith.constant 1 : i32
        %while3A_92:5 = scf.for %while3A_146 = %while3A to %while3A_90 step %while3A_91 iter_args(%while3A_147 = %select_n3A_80, %while3A_148 = %while3A_81, %while3A_149 = %while3A_82, %while3A_150 = %while3A_83, %while3A_151 = %while3A_84) -> (i32, i32, i32, i32, i32)  : i32 {
          %mul3A_152 = arith.constant 1 : i32
          %mul3A_153 = arith.muli %mul3A_152, %select_n3A : i32
          %eq3A_154 = arith.constant 0 : i32
          %eq3A_155 = arith.cmpi eq, %while3A_146, %eq3A_154 : i32
          %sub3A_156 = arith.constant 1 : i32
          %sub3A_157 = arith.subi %mul3A_153, %sub3A_156 : i32
          %eq3A_158 = arith.cmpi eq, %while3A_146, %sub3A_157 : i32
          %add3A_159 = arith.addi %while3A_151, %select_n3A_18 : i32
          %sub3A_160 = arith.constant 1 : i32
          %sub3A_161 = arith.subi %while3A_151, %sub3A_160 : i32
          %select_n3A_162 = arith.constant true
          %select_n3A_163 = arith.select %select_n3A_162, %sub3A_161, %while3A_151 : i32
          %eq3A_164 = arith.constant -1 : i32
          %eq3A_165 = arith.cmpi eq, %select_n3A_163, %eq3A_164 : i32
          %sub3A_166 = arith.constant 1 : i32
          %sub3A_167 = arith.subi %select_n3A, %sub3A_166 : i32
          %select_n3A_168 = arith.select %eq3A_165, %sub3A_167, %select_n3A_163 : i32
          %add3A_169 = arith.addi %select_n3A_168, %select_n3A_18 : i32
          %add3A_170 = arith.constant 1 : i32
          %add3A_171 = arith.addi %while3A_151, %add3A_170 : i32
          %select_n3A_172 = arith.constant true
          %select_n3A_173 = arith.select %select_n3A_172, %add3A_171, %while3A_151 : i32
          %eq3A_174 = arith.cmpi eq, %select_n3A_173, %select_n3A : i32
          %select_n3A_175 = arith.constant 0 : i32
          %select_n3A_176 = arith.select %eq3A_174, %select_n3A_175, %select_n3A_173 : i32
          %add3A_177 = arith.addi %select_n3A_176, %select_n3A_18 : i32
          %add3A_178 = arith.constant 1 : i32
          %add3A_179 = arith.addi %select_n3A_176, %add3A_178 : i32
          %select_n3A_180 = arith.constant true
          %select_n3A_181 = arith.select %select_n3A_180, %add3A_179, %select_n3A_176 : i32
          %eq3A_182 = arith.cmpi eq, %select_n3A_181, %select_n3A : i32
          %select_n3A_183 = arith.constant 0 : i32
          %select_n3A_184 = arith.select %eq3A_182, %select_n3A_183, %select_n3A_181 : i32
          %add3A_185 = arith.addi %select_n3A_184, %select_n3A_18 : i32
          %ne3A = arith.cmpi ne, %add3A_159, %add3A_177 : i32
          %or3A = arith.constant false
          %or3A_186 = arith.ori %or3A, %ne3A : i1
          %sub3A_187 = arith.constant 2 : i32
          %sub3A_188 = arith.subi %mul3A_153, %sub3A_187 : i32
          %add3A_189 = arith.constant 1 : i32
          %add3A_190 = arith.addi %sub3A_188, %add3A_189 : i32
          %ge3A = arith.cmpi sge, %while3A_146, %add3A_190 : i32
          %not3A = arith.constant true
          %not3A_191 = arith.xori %ge3A, %not3A : i1
          %and3A = arith.andi %or3A_186, %not3A_191 : i1
          %convert_element_type3A_192 = arith.extui %and3A : i1 to i32
          %cond3A_193 = arith.constant 0 : i32
          %cond3A_194 = arith.cmpi ne, %convert_element_type3A_192, %cond3A_193 : i32
          scf.if %cond3A_194 {
            "tpu.trace_start"() <{level = 10 : i32, message = "ep_copy_in"}> : () -> ()
            %rem3A_298 = arith.constant 2 : i32
            %rem3A_299 = arith.remui %while3A_147, %rem3A_298 : i32
            %mul3A_300 = arith.constant 128 : i32
            %mul3A_301 = arith.muli %mul3A_300, %add3A_177 : i32
            %dma_start3A_302 = arith.constant 0 : i32
            %dma_start3A_303 = arith.constant 0 : i32
            %dma_start3A_304 = tpu.memref_slice %run_scoped3A[%rem3A_299, %dma_start3A_302, %dma_start3A_303] : memref<2x1x128xi32, #tpu.memory_space<vmem>> -> memref<1x1x128xi32, #tpu.memory_space<vmem>>
            %dma_start3A_305 = tpu.memref_squeeze %dma_start3A_304 : memref<1x1x128xi32, #tpu.memory_space<vmem>> -> memref<1x128xi32, #tpu.memory_space<vmem>>
            %dma_start3A_306 = arith.constant 0 : i32
            %dma_start3A_307 = tpu.memref_slice %arg3[%dma_start3A_306, %mul3A_301] : memref<1x640000xi32, #tpu.memory_space<hbm>> -> memref<1x128xi32, #tpu.memory_space<hbm>>
            %dma_start3A_308 = tpu.memref_slice %run_scoped3A_21[%rem3A_299] : memref<2x!tpu.dma_semaphore, #tpu.memory_space<semaphore_mem>> -> memref<1x!tpu.dma_semaphore, #tpu.memory_space<semaphore_mem>>
            %dma_start3A_309 = tpu.memref_squeeze %dma_start3A_308 : memref<1x!tpu.dma_semaphore, #tpu.memory_space<semaphore_mem>> -> memref<!tpu.dma_semaphore, #tpu.memory_space<semaphore_mem>>
            %dma_start3A_310 = arith.constant 0 : i32
            %dma_start3A_311 = arith.constant 0 : i32
            %dma_start3A_312 = tpu.memref_slice %run_scoped3A[%rem3A_299, %dma_start3A_310, %dma_start3A_311] : memref<2x1x128xi32, #tpu.memory_space<vmem>> -> memref<1x1x128xi32, #tpu.memory_space<vmem>>
            %dma_start3A_313 = tpu.memref_squeeze %dma_start3A_312 : memref<1x1x128xi32, #tpu.memory_space<vmem>> -> memref<1x128xi32, #tpu.memory_space<vmem>>
            %dma_start3A_314 = arith.constant 0 : i32
            %dma_start3A_315 = tpu.memref_slice %arg3[%dma_start3A_314, %mul3A_301] : memref<1x640000xi32, #tpu.memory_space<hbm>> -> memref<1x128xi32, #tpu.memory_space<hbm>>
            tpu.enqueue_dma source(%dma_start3A_315 : memref<1x128xi32, #tpu.memory_space<hbm>>) target(%dma_start3A_313 : memref<1x128xi32, #tpu.memory_space<vmem>>) target_semaphore(%dma_start3A_309 : memref<!tpu.dma_semaphore, #tpu.memory_space<semaphore_mem>>)
            "tpu.trace_stop"() : () -> ()
          } else {
          }
          %and3A_195 = arith.constant true
          %and3A_196 = arith.andi %and3A, %and3A_195 : i1
          %add3A_197 = arith.constant 1 : i32
          %add3A_198 = arith.addi %while3A_147, %add3A_197 : i32
          %select_n3A_199 = arith.select %and3A_196, %add3A_198, %while3A_147 : i32
          %ne3A_200 = arith.cmpi ne, %add3A_159, %add3A_177 : i32
          %or3A_201 = arith.constant false
          %or3A_202 = arith.ori %or3A_201, %ne3A_200 : i1
          %or3A_203 = arith.constant false
          %or3A_204 = arith.ori %or3A_202, %or3A_203 : i1
          %sub3A_205 = arith.constant 2 : i32
          %sub3A_206 = arith.subi %mul3A_153, %sub3A_205 : i32
          %add3A_207 = arith.constant 1 : i32
          %add3A_208 = arith.addi %sub3A_206, %add3A_207 : i32
          %ge3A_209 = arith.cmpi sge, %while3A_146, %add3A_208 : i32
          %not3A_210 = arith.constant true
          %not3A_211 = arith.xori %ge3A_209, %not3A_210 : i1
          %and3A_212 = arith.andi %or3A_204, %not3A_211 : i1
          %ne3A_213 = arith.cmpi ne, %add3A_159, %add3A_169 : i32
          %or3A_214 = arith.constant false
          %or3A_215 = arith.ori %or3A_214, %ne3A_213 : i1
          %or3A_216 = arith.ori %or3A_215, %eq3A_155 : i1
          %convert_element_type3A_217 = arith.extui %or3A_216 : i1 to i32
          %cond3A_218 = arith.constant 0 : i32
          %cond3A_219 = arith.cmpi ne, %convert_element_type3A_217, %cond3A_218 : i32
          scf.if %cond3A_219 {
            "tpu.trace_start"() <{level = 10 : i32, message = "ep_wait_in"}> : () -> ()
            %mul3A_298 = arith.constant 128 : i32
            %mul3A_299 = arith.muli %mul3A_298, %add3A_159 : i32
            %rem3A_300 = arith.constant 2 : i32
            %rem3A_301 = arith.remui %while3A_148, %rem3A_300 : i32
            %dma_wait3A = arith.constant 0 : i32
            %dma_wait3A_302 = arith.constant 0 : i32
            %dma_wait3A_303 = tpu.memref_slice %run_scoped3A[%rem3A_301, %dma_wait3A, %dma_wait3A_302] : memref<2x1x128xi32, #tpu.memory_space<vmem>> -> memref<1x1x128xi32, #tpu.memory_space<vmem>>
            %dma_wait3A_304 = tpu.memref_squeeze %dma_wait3A_303 : memref<1x1x128xi32, #tpu.memory_space<vmem>> -> memref<1x128xi32, #tpu.memory_space<vmem>>
            %dma_wait3A_305 = arith.constant 0 : i32
            %dma_wait3A_306 = tpu.memref_slice %arg3[%dma_wait3A_305, %mul3A_299] : memref<1x640000xi32, #tpu.memory_space<hbm>> -> memref<1x128xi32, #tpu.memory_space<hbm>>
            %dma_wait3A_307 = tpu.memref_slice %run_scoped3A_21[%rem3A_301] : memref<2x!tpu.dma_semaphore, #tpu.memory_space<semaphore_mem>> -> memref<1x!tpu.dma_semaphore, #tpu.memory_space<semaphore_mem>>
            %dma_wait3A_308 = tpu.memref_squeeze %dma_wait3A_307 : memref<1x!tpu.dma_semaphore, #tpu.memory_space<semaphore_mem>> -> memref<!tpu.dma_semaphore, #tpu.memory_space<semaphore_mem>>
            %dma_wait3A_309 = arith.constant 0 : i32
            %dma_wait3A_310 = arith.constant 0 : i32
            %dma_wait3A_311 = tpu.memref_slice %run_scoped3A[%rem3A_301, %dma_wait3A_309, %dma_wait3A_310] : memref<2x1x128xi32, #tpu.memory_space<vmem>> -> memref<1x1x128xi32, #tpu.memory_space<vmem>>
            %dma_wait3A_312 = tpu.memref_squeeze %dma_wait3A_311 : memref<1x1x128xi32, #tpu.memory_space<vmem>> -> memref<1x128xi32, #tpu.memory_space<vmem>>
            %dma_wait3A_313 = arith.constant 0 : i32
            %dma_wait3A_314 = tpu.memref_slice %arg3[%dma_wait3A_313, %mul3A_299] : memref<1x640000xi32, #tpu.memory_space<hbm>> -> memref<1x128xi32, #tpu.memory_space<hbm>>
            tpu.wait_dma2 semaphore(%dma_wait3A_308 : memref<!tpu.dma_semaphore, #tpu.memory_space<semaphore_mem>>) src(%dma_wait3A_314 : memref<1x128xi32, #tpu.memory_space<hbm>>) dst(%dma_wait3A_312 : memref<1x128xi32, #tpu.memory_space<vmem>>)
            "tpu.trace_stop"() : () -> ()
          } else {
          }
          %ne3A_220 = arith.cmpi ne, %add3A_159, %add3A_169 : i32
          %or3A_221 = arith.constant false
          %or3A_222 = arith.ori %or3A_221, %ne3A_220 : i1
          %or3A_223 = arith.constant false
          %or3A_224 = arith.ori %or3A_222, %or3A_223 : i1
          %or3A_225 = arith.ori %or3A_224, %eq3A_155 : i1
          %convert_element_type3A_226 = arith.extui %or3A_225 : i1 to i32
          %cond3A_227 = arith.constant 0 : i32
          %cond3A_228 = arith.cmpi ne, %convert_element_type3A_226, %cond3A_227 : i32
          scf.if %cond3A_228 {
          } else {
          }
          %rem3A_229 = arith.constant 2 : i32
          %rem3A_230 = arith.remui %while3A_148, %rem3A_229 : i32
          %rem3A_231 = arith.constant 2 : i32
          %rem3A_232 = arith.remui %while3A_149, %rem3A_231 : i32
          %run_scoped3A_233 = arith.constant 0 : i32
          "tpu.trace_start"() <{level = 10 : i32, message = "ep_run_kernel"}> : () -> ()
          "tpu.region"() ({
            %run_scoped3A_298 = tpu.sem_alloc : memref<!tpu.dma_semaphore, #tpu.memory_space<semaphore_mem>>
            %dma_start3A_299 = arith.constant 0 : i32
            %dma_start3A_300 = arith.constant 0 : i32
            %dma_start3A_301 = tpu.memref_slice %run_scoped3A_22[%rem3A_232, %dma_start3A_299, %dma_start3A_300] : memref<2x128x64xf32, #tpu.memory_space<vmem>> -> memref<1x128x64xf32, #tpu.memory_space<vmem>>
            %dma_start3A_302 = tpu.memref_squeeze %dma_start3A_301 : memref<1x128x64xf32, #tpu.memory_space<vmem>> -> memref<128x64xf32, #tpu.memory_space<vmem>>
            %dma_start3A_303 = arith.constant 0 : i32
            %dma_start3A_304 = arith.constant 0 : i32
            %dma_start3A_305 = tpu.memref_slice %run_scoped3A[%rem3A_230, %dma_start3A_303, %dma_start3A_304] : memref<2x1x128xi32, #tpu.memory_space<vmem>> -> memref<1x1x128xi32, #tpu.memory_space<vmem>>
            %dma_start3A_306 = tpu.memref_squeeze %dma_start3A_305 : memref<1x1x128xi32, #tpu.memory_space<vmem>> -> memref<1x128xi32, #tpu.memory_space<vmem>>
            %dma_start3A_307 = arith.constant 0 : i32
            %dma_start3A_308 = tpu.memref_slice %dma_start3A_306[%run_scoped3A_233, %dma_start3A_307] : memref<1x128xi32, #tpu.memory_space<vmem>> -> memref<1x128xi32, #tpu.memory_space<vmem>>
            %dma_start3A_309 = tpu.memref_squeeze %dma_start3A_308 : memref<1x128xi32, #tpu.memory_space<vmem>> -> memref<128xi32, #tpu.memory_space<vmem>>
            %dma_start3A_310 = arith.constant 0 : i32
            %dma_start3A_311 = arith.constant 0 : i32
            %dma_start3A_312 = tpu.memref_slice %arg5[%dma_start3A_310, %dma_start3A_311] : memref<20000x64xf32, #tpu.memory_space<vmem_shared>> -> memref<20000x64xf32, #tpu.memory_space<vmem_shared>>
            tpu.enqueue_indirect_dma source(%dma_start3A_312 : memref<20000x64xf32, #tpu.memory_space<vmem_shared>>) target(%dma_start3A_302 : memref<128x64xf32, #tpu.memory_space<vmem>>) offsets(%dma_start3A_309 : memref<128xi32, #tpu.memory_space<vmem>>) semaphore(%run_scoped3A_298 : memref<!tpu.dma_semaphore, #tpu.memory_space<semaphore_mem>>)
            %dma_wait3A = arith.constant 0 : i32
            %dma_wait3A_313 = arith.constant 0 : i32
            %dma_wait3A_314 = tpu.memref_slice %run_scoped3A_22[%rem3A_232, %dma_wait3A, %dma_wait3A_313] : memref<2x128x64xf32, #tpu.memory_space<vmem>> -> memref<1x128x64xf32, #tpu.memory_space<vmem>>
            %dma_wait3A_315 = tpu.memref_squeeze %dma_wait3A_314 : memref<1x128x64xf32, #tpu.memory_space<vmem>> -> memref<128x64xf32, #tpu.memory_space<vmem>>
            %dma_wait3A_316 = arith.constant 0 : i32
            %dma_wait3A_317 = arith.constant 0 : i32
            %dma_wait3A_318 = tpu.memref_slice %run_scoped3A[%rem3A_230, %dma_wait3A_316, %dma_wait3A_317] : memref<2x1x128xi32, #tpu.memory_space<vmem>> -> memref<1x1x128xi32, #tpu.memory_space<vmem>>
            %dma_wait3A_319 = tpu.memref_squeeze %dma_wait3A_318 : memref<1x1x128xi32, #tpu.memory_space<vmem>> -> memref<1x128xi32, #tpu.memory_space<vmem>>
            %dma_wait3A_320 = arith.constant 0 : i32
            %dma_wait3A_321 = tpu.memref_slice %dma_wait3A_319[%run_scoped3A_233, %dma_wait3A_320] : memref<1x128xi32, #tpu.memory_space<vmem>> -> memref<1x128xi32, #tpu.memory_space<vmem>>
            %dma_wait3A_322 = tpu.memref_squeeze %dma_wait3A_321 : memref<1x128xi32, #tpu.memory_space<vmem>> -> memref<128xi32, #tpu.memory_space<vmem>>
            %dma_wait3A_323 = arith.constant 0 : i32
            %dma_wait3A_324 = arith.constant 0 : i32
            %dma_wait3A_325 = tpu.memref_slice %arg5[%dma_wait3A_323, %dma_wait3A_324] : memref<20000x64xf32, #tpu.memory_space<vmem_shared>> -> memref<20000x64xf32, #tpu.memory_space<vmem_shared>>
            tpu.wait_indirect_dma semaphore(%run_scoped3A_298 : memref<!tpu.dma_semaphore, #tpu.memory_space<semaphore_mem>>) src(%dma_wait3A_325 : memref<20000x64xf32, #tpu.memory_space<vmem_shared>>) dst(%dma_wait3A_315 : memref<128x64xf32, #tpu.memory_space<vmem>>)
            tpu.yield
          }) : () -> ()
          "tpu.trace_stop"() : () -> ()
          %ne3A_234 = arith.cmpi ne, %add3A_159, %add3A_177 : i32
          %or3A_235 = arith.constant false
          %or3A_236 = arith.ori %or3A_235, %ne3A_234 : i1
          %or3A_237 = arith.ori %or3A_236, %eq3A_158 : i1
          %convert_element_type3A_238 = arith.extui %or3A_237 : i1 to i32
          %cond3A_239 = arith.constant 0 : i32
          %cond3A_240 = arith.cmpi ne, %convert_element_type3A_238, %cond3A_239 : i32
          scf.if %cond3A_240 {
          } else {
          }
          %and3A_241 = arith.constant false
          %and3A_242 = arith.andi %or3A_237, %and3A_241 : i1
          %ne3A_243 = arith.cmpi ne, %add3A_159, %add3A_177 : i32
          %or3A_244 = arith.constant false
          %or3A_245 = arith.ori %or3A_244, %ne3A_243 : i1
          %or3A_246 = arith.constant false
          %or3A_247 = arith.ori %or3A_245, %or3A_246 : i1
          %or3A_248 = arith.ori %or3A_247, %eq3A_158 : i1
          %convert_element_type3A_249 = arith.extui %or3A_248 : i1 to i32
          %cond3A_250 = arith.constant 0 : i32
          %cond3A_251 = arith.cmpi ne, %convert_element_type3A_249, %cond3A_250 : i32
          scf.if %cond3A_251 {
            "tpu.trace_start"() <{level = 10 : i32, message = "ep_copy_out"}> : () -> ()
            %rem3A_298 = arith.constant 2 : i32
            %rem3A_299 = arith.remui %while3A_149, %rem3A_298 : i32
            %mul3A_300 = arith.constant 128 : i32
            %mul3A_301 = arith.muli %mul3A_300, %add3A_159 : i32
            %dma_start3A_302 = arith.constant 0 : i32
            %dma_start3A_303 = arith.constant 0 : i32
            %dma_start3A_304 = tpu.memref_slice %run_scoped3A_22[%rem3A_299, %dma_start3A_302, %dma_start3A_303] : memref<2x128x64xf32, #tpu.memory_space<vmem>> -> memref<1x128x64xf32, #tpu.memory_space<vmem>>
            %dma_start3A_305 = tpu.memref_squeeze %dma_start3A_304 : memref<1x128x64xf32, #tpu.memory_space<vmem>> -> memref<128x64xf32, #tpu.memory_space<vmem>>
            %dma_start3A_306 = arith.constant 0 : i32
            %dma_start3A_307 = tpu.memref_slice %arg4[%mul3A_301, %dma_start3A_306] : memref<640000x64xf32, #tpu.memory_space<hbm>> -> memref<128x64xf32, #tpu.memory_space<hbm>>
            %dma_start3A_308 = tpu.memref_slice %run_scoped3A_23[%rem3A_299] : memref<2x!tpu.dma_semaphore, #tpu.memory_space<semaphore_mem>> -> memref<1x!tpu.dma_semaphore, #tpu.memory_space<semaphore_mem>>
            %dma_start3A_309 = tpu.memref_squeeze %dma_start3A_308 : memref<1x!tpu.dma_semaphore, #tpu.memory_space<semaphore_mem>> -> memref<!tpu.dma_semaphore, #tpu.memory_space<semaphore_mem>>
            %dma_start3A_310 = arith.constant 0 : i32
            %dma_start3A_311 = tpu.memref_slice %arg4[%mul3A_301, %dma_start3A_310] : memref<640000x64xf32, #tpu.memory_space<hbm>> -> memref<128x64xf32, #tpu.memory_space<hbm>>
            %dma_start3A_312 = arith.constant 0 : i32
            %dma_start3A_313 = arith.constant 0 : i32
            %dma_start3A_314 = tpu.memref_slice %run_scoped3A_22[%rem3A_299, %dma_start3A_312, %dma_start3A_313] : memref<2x128x64xf32, #tpu.memory_space<vmem>> -> memref<1x128x64xf32, #tpu.memory_space<vmem>>
            %dma_start3A_315 = tpu.memref_squeeze %dma_start3A_314 : memref<1x128x64xf32, #tpu.memory_space<vmem>> -> memref<128x64xf32, #tpu.memory_space<vmem>>
            tpu.enqueue_dma source(%dma_start3A_315 : memref<128x64xf32, #tpu.memory_space<vmem>>) target(%dma_start3A_311 : memref<128x64xf32, #tpu.memory_space<hbm>>) target_semaphore(%dma_start3A_309 : memref<!tpu.dma_semaphore, #tpu.memory_space<semaphore_mem>>)
            "tpu.trace_stop"() : () -> ()
          } else {
          }
          %and3A_252 = arith.constant true
          %and3A_253 = arith.andi %or3A_248, %and3A_252 : i1
          %add3A_254 = arith.constant 1 : i32
          %add3A_255 = arith.addi %while3A_149, %add3A_254 : i32
          %select_n3A_256 = arith.select %and3A_253, %add3A_255, %while3A_149 : i32
          %ne3A_257 = arith.cmpi ne, %add3A_159, %add3A_169 : i32
          %or3A_258 = arith.constant false
          %or3A_259 = arith.ori %or3A_258, %ne3A_257 : i1
          %not3A_260 = arith.constant true
          %not3A_261 = arith.xori %eq3A_155, %not3A_260 : i1
          %and3A_262 = arith.andi %or3A_259, %not3A_261 : i1
          %convert_element_type3A_263 = arith.extui %and3A_262 : i1 to i32
          %cond3A_264 = arith.constant 0 : i32
          %cond3A_265 = arith.cmpi ne, %convert_element_type3A_263, %cond3A_264 : i32
          scf.if %cond3A_265 {
          } else {
          }
          %and3A_266 = arith.constant false
          %and3A_267 = arith.andi %and3A_262, %and3A_266 : i1
          %ne3A_268 = arith.cmpi ne, %add3A_159, %add3A_169 : i32
          %or3A_269 = arith.constant false
          %or3A_270 = arith.ori %or3A_269, %ne3A_268 : i1
          %or3A_271 = arith.constant false
          %or3A_272 = arith.ori %or3A_270, %or3A_271 : i1
          %not3A_273 = arith.constant true
          %not3A_274 = arith.xori %eq3A_155, %not3A_273 : i1
          %and3A_275 = arith.andi %or3A_272, %not3A_274 : i1
          %convert_element_type3A_276 = arith.extui %and3A_275 : i1 to i32
          %cond3A_277 = arith.constant 0 : i32
          %cond3A_278 = arith.cmpi ne, %convert_element_type3A_276, %cond3A_277 : i32
          scf.if %cond3A_278 {
            "tpu.trace_start"() <{level = 10 : i32, message = "ep_wait_out"}> : () -> ()
            %rem3A_298 = arith.constant 2 : i32
            %rem3A_299 = arith.remui %while3A_150, %rem3A_298 : i32
            %mul3A_300 = arith.constant 128 : i32
            %mul3A_301 = arith.muli %mul3A_300, %add3A_169 : i32
            %dma_wait3A = arith.constant 0 : i32
            %dma_wait3A_302 = arith.constant 0 : i32
            %dma_wait3A_303 = tpu.memref_slice %run_scoped3A_22[%rem3A_299, %dma_wait3A, %dma_wait3A_302] : memref<2x128x64xf32, #tpu.memory_space<vmem>> -> memref<1x128x64xf32, #tpu.memory_space<vmem>>
            %dma_wait3A_304 = tpu.memref_squeeze %dma_wait3A_303 : memref<1x128x64xf32, #tpu.memory_space<vmem>> -> memref<128x64xf32, #tpu.memory_space<vmem>>
            %dma_wait3A_305 = arith.constant 0 : i32
            %dma_wait3A_306 = tpu.memref_slice %arg4[%mul3A_301, %dma_wait3A_305] : memref<640000x64xf32, #tpu.memory_space<hbm>> -> memref<128x64xf32, #tpu.memory_space<hbm>>
            %dma_wait3A_307 = tpu.memref_slice %run_scoped3A_23[%rem3A_299] : memref<2x!tpu.dma_semaphore, #tpu.memory_space<semaphore_mem>> -> memref<1x!tpu.dma_semaphore, #tpu.memory_space<semaphore_mem>>
            %dma_wait3A_308 = tpu.memref_squeeze %dma_wait3A_307 : memref<1x!tpu.dma_semaphore, #tpu.memory_space<semaphore_mem>> -> memref<!tpu.dma_semaphore, #tpu.memory_space<semaphore_mem>>
            %dma_wait3A_309 = arith.constant 0 : i32
            %dma_wait3A_310 = tpu.memref_slice %arg4[%mul3A_301, %dma_wait3A_309] : memref<640000x64xf32, #tpu.memory_space<hbm>> -> memref<128x64xf32, #tpu.memory_space<hbm>>
            %dma_wait3A_311 = arith.constant 0 : i32
            %dma_wait3A_312 = arith.constant 0 : i32
            %dma_wait3A_313 = tpu.memref_slice %run_scoped3A_22[%rem3A_299, %dma_wait3A_311, %dma_wait3A_312] : memref<2x128x64xf32, #tpu.memory_space<vmem>> -> memref<1x128x64xf32, #tpu.memory_space<vmem>>
            %dma_wait3A_314 = tpu.memref_squeeze %dma_wait3A_313 : memref<1x128x64xf32, #tpu.memory_space<vmem>> -> memref<128x64xf32, #tpu.memory_space<vmem>>
            tpu.wait_dma2 semaphore(%dma_wait3A_308 : memref<!tpu.dma_semaphore, #tpu.memory_space<semaphore_mem>>) src(%dma_wait3A_314 : memref<128x64xf32, #tpu.memory_space<vmem>>) dst(%dma_wait3A_310 : memref<128x64xf32, #tpu.memory_space<hbm>>)
            "tpu.trace_stop"() : () -> ()
          } else {
          }
          %and3A_279 = arith.constant true
          %and3A_280 = arith.andi %and3A_275, %and3A_279 : i1
          %add3A_281 = arith.constant 1 : i32
          %add3A_282 = arith.addi %while3A_150, %add3A_281 : i32
          %select_n3A_283 = arith.select %and3A_280, %add3A_282, %while3A_150 : i32
          %ne3A_284 = arith.cmpi ne, %add3A_159, %add3A_177 : i32
          %or3A_285 = arith.constant false
          %or3A_286 = arith.ori %or3A_285, %ne3A_284 : i1
          %or3A_287 = arith.ori %or3A_286, %eq3A_158 : i1
          %add3A_288 = arith.constant 1 : i32
          %add3A_289 = arith.addi %while3A_148, %add3A_288 : i32
          %select_n3A_290 = arith.select %or3A_287, %add3A_289, %while3A_148 : i32
          %add3A_291 = arith.constant 1 : i32
          %add3A_292 = arith.addi %while3A_151, %add3A_291 : i32
          %select_n3A_293 = arith.constant true
          %select_n3A_294 = arith.select %select_n3A_293, %add3A_292, %while3A_151 : i32
          %eq3A_295 = arith.cmpi eq, %select_n3A_294, %select_n3A : i32
          %select_n3A_296 = arith.constant 0 : i32
          %select_n3A_297 = arith.select %eq3A_295, %select_n3A_296, %select_n3A_294 : i32
          scf.yield %select_n3A_199, %select_n3A_290, %select_n3A_256, %select_n3A_283, %select_n3A_297 : i32, i32, i32, i32, i32
        }
        %while3A_93 = arith.constant 1 : i32
        %while3A_94:5 = scf.for %while3A_146 = %while3A_90 to %while3A_86 step %while3A_93 iter_args(%while3A_147 = %while3A_92#0, %while3A_148 = %while3A_92#1, %while3A_149 = %while3A_92#2, %while3A_150 = %while3A_92#3, %while3A_151 = %while3A_92#4) -> (i32, i32, i32, i32, i32)  : i32 {
          %mul3A_152 = arith.constant 1 : i32
          %mul3A_153 = arith.muli %mul3A_152, %select_n3A : i32
          %eq3A_154 = arith.constant 0 : i32
          %eq3A_155 = arith.cmpi eq, %while3A_146, %eq3A_154 : i32
          %sub3A_156 = arith.constant 1 : i32
          %sub3A_157 = arith.subi %mul3A_153, %sub3A_156 : i32
          %eq3A_158 = arith.cmpi eq, %while3A_146, %sub3A_157 : i32
          %add3A_159 = arith.addi %while3A_151, %select_n3A_18 : i32
          %sub3A_160 = arith.constant 1 : i32
          %sub3A_161 = arith.subi %while3A_151, %sub3A_160 : i32
          %select_n3A_162 = arith.constant true
          %select_n3A_163 = arith.select %select_n3A_162, %sub3A_161, %while3A_151 : i32
          %eq3A_164 = arith.constant -1 : i32
          %eq3A_165 = arith.cmpi eq, %select_n3A_163, %eq3A_164 : i32
          %sub3A_166 = arith.constant 1 : i32
          %sub3A_167 = arith.subi %select_n3A, %sub3A_166 : i32
          %select_n3A_168 = arith.select %eq3A_165, %sub3A_167, %select_n3A_163 : i32
          %add3A_169 = arith.addi %select_n3A_168, %select_n3A_18 : i32
          %add3A_170 = arith.constant 1 : i32
          %add3A_171 = arith.addi %while3A_151, %add3A_170 : i32
          %select_n3A_172 = arith.constant true
          %select_n3A_173 = arith.select %select_n3A_172, %add3A_171, %while3A_151 : i32
          %eq3A_174 = arith.cmpi eq, %select_n3A_173, %select_n3A : i32
          %select_n3A_175 = arith.constant 0 : i32
          %select_n3A_176 = arith.select %eq3A_174, %select_n3A_175, %select_n3A_173 : i32
          %add3A_177 = arith.addi %select_n3A_176, %select_n3A_18 : i32
          %add3A_178 = arith.constant 1 : i32
          %add3A_179 = arith.addi %select_n3A_176, %add3A_178 : i32
          %select_n3A_180 = arith.constant true
          %select_n3A_181 = arith.select %select_n3A_180, %add3A_179, %select_n3A_176 : i32
          %eq3A_182 = arith.cmpi eq, %select_n3A_181, %select_n3A : i32
          %select_n3A_183 = arith.constant 0 : i32
          %select_n3A_184 = arith.select %eq3A_182, %select_n3A_183, %select_n3A_181 : i32
          %add3A_185 = arith.addi %select_n3A_184, %select_n3A_18 : i32
          %ne3A = arith.cmpi ne, %add3A_159, %add3A_177 : i32
          %or3A = arith.constant false
          %or3A_186 = arith.ori %or3A, %ne3A : i1
          %sub3A_187 = arith.constant 2 : i32
          %sub3A_188 = arith.subi %mul3A_153, %sub3A_187 : i32
          %add3A_189 = arith.constant 1 : i32
          %add3A_190 = arith.addi %sub3A_188, %add3A_189 : i32
          %ge3A = arith.cmpi sge, %while3A_146, %add3A_190 : i32
          %not3A = arith.constant true
          %not3A_191 = arith.xori %ge3A, %not3A : i1
          %and3A = arith.andi %or3A_186, %not3A_191 : i1
          %convert_element_type3A_192 = arith.extui %and3A : i1 to i32
          %cond3A_193 = arith.constant 0 : i32
          %cond3A_194 = arith.cmpi ne, %convert_element_type3A_192, %cond3A_193 : i32
          scf.if %cond3A_194 {
            "tpu.trace_start"() <{level = 10 : i32, message = "ep_copy_in"}> : () -> ()
            %rem3A_298 = arith.constant 2 : i32
            %rem3A_299 = arith.remui %while3A_147, %rem3A_298 : i32
            %mul3A_300 = arith.constant 128 : i32
            %mul3A_301 = arith.muli %mul3A_300, %add3A_177 : i32
            %dma_start3A_302 = arith.constant 0 : i32
            %dma_start3A_303 = arith.constant 0 : i32
            %dma_start3A_304 = tpu.memref_slice %run_scoped3A[%rem3A_299, %dma_start3A_302, %dma_start3A_303] : memref<2x1x128xi32, #tpu.memory_space<vmem>> -> memref<1x1x128xi32, #tpu.memory_space<vmem>>
            %dma_start3A_305 = tpu.memref_squeeze %dma_start3A_304 : memref<1x1x128xi32, #tpu.memory_space<vmem>> -> memref<1x128xi32, #tpu.memory_space<vmem>>
            %dma_start3A_306 = arith.constant 0 : i32
            %dma_start3A_307 = tpu.memref_slice %arg3[%dma_start3A_306, %mul3A_301] : memref<1x640000xi32, #tpu.memory_space<hbm>> -> memref<1x128xi32, #tpu.memory_space<hbm>>
            %dma_start3A_308 = tpu.memref_slice %run_scoped3A_21[%rem3A_299] : memref<2x!tpu.dma_semaphore, #tpu.memory_space<semaphore_mem>> -> memref<1x!tpu.dma_semaphore, #tpu.memory_space<semaphore_mem>>
            %dma_start3A_309 = tpu.memref_squeeze %dma_start3A_308 : memref<1x!tpu.dma_semaphore, #tpu.memory_space<semaphore_mem>> -> memref<!tpu.dma_semaphore, #tpu.memory_space<semaphore_mem>>
            %dma_start3A_310 = arith.constant 0 : i32
            %dma_start3A_311 = arith.constant 0 : i32
            %dma_start3A_312 = tpu.memref_slice %run_scoped3A[%rem3A_299, %dma_start3A_310, %dma_start3A_311] : memref<2x1x128xi32, #tpu.memory_space<vmem>> -> memref<1x1x128xi32, #tpu.memory_space<vmem>>
            %dma_start3A_313 = tpu.memref_squeeze %dma_start3A_312 : memref<1x1x128xi32, #tpu.memory_space<vmem>> -> memref<1x128xi32, #tpu.memory_space<vmem>>
            %dma_start3A_314 = arith.constant 0 : i32
            %dma_start3A_315 = tpu.memref_slice %arg3[%dma_start3A_314, %mul3A_301] : memref<1x640000xi32, #tpu.memory_space<hbm>> -> memref<1x128xi32, #tpu.memory_space<hbm>>
            tpu.enqueue_dma source(%dma_start3A_315 : memref<1x128xi32, #tpu.memory_space<hbm>>) target(%dma_start3A_313 : memref<1x128xi32, #tpu.memory_space<vmem>>) target_semaphore(%dma_start3A_309 : memref<!tpu.dma_semaphore, #tpu.memory_space<semaphore_mem>>)
            "tpu.trace_stop"() : () -> ()
          } else {
          }
          %and3A_195 = arith.constant true
          %and3A_196 = arith.andi %and3A, %and3A_195 : i1
          %add3A_197 = arith.constant 1 : i32
          %add3A_198 = arith.addi %while3A_147, %add3A_197 : i32
          %select_n3A_199 = arith.select %and3A_196, %add3A_198, %while3A_147 : i32
          %ne3A_200 = arith.cmpi ne, %add3A_159, %add3A_177 : i32
          %or3A_201 = arith.constant false
          %or3A_202 = arith.ori %or3A_201, %ne3A_200 : i1
          %or3A_203 = arith.constant false
          %or3A_204 = arith.ori %or3A_202, %or3A_203 : i1
          %sub3A_205 = arith.constant 2 : i32
          %sub3A_206 = arith.subi %mul3A_153, %sub3A_205 : i32
          %add3A_207 = arith.constant 1 : i32
          %add3A_208 = arith.addi %sub3A_206, %add3A_207 : i32
          %ge3A_209 = arith.cmpi sge, %while3A_146, %add3A_208 : i32
          %not3A_210 = arith.constant true
          %not3A_211 = arith.xori %ge3A_209, %not3A_210 : i1
          %and3A_212 = arith.andi %or3A_204, %not3A_211 : i1
          %ne3A_213 = arith.cmpi ne, %add3A_159, %add3A_169 : i32
          %or3A_214 = arith.constant false
          %or3A_215 = arith.ori %or3A_214, %ne3A_213 : i1
          %or3A_216 = arith.ori %or3A_215, %eq3A_155 : i1
          %convert_element_type3A_217 = arith.extui %or3A_216 : i1 to i32
          %cond3A_218 = arith.constant 0 : i32
          %cond3A_219 = arith.cmpi ne, %convert_element_type3A_217, %cond3A_218 : i32
          scf.if %cond3A_219 {
            "tpu.trace_start"() <{level = 10 : i32, message = "ep_wait_in"}> : () -> ()
            %mul3A_298 = arith.constant 128 : i32
            %mul3A_299 = arith.muli %mul3A_298, %add3A_159 : i32
            %rem3A_300 = arith.constant 2 : i32
            %rem3A_301 = arith.remui %while3A_148, %rem3A_300 : i32
            %dma_wait3A = arith.constant 0 : i32
            %dma_wait3A_302 = arith.constant 0 : i32
            %dma_wait3A_303 = tpu.memref_slice %run_scoped3A[%rem3A_301, %dma_wait3A, %dma_wait3A_302] : memref<2x1x128xi32, #tpu.memory_space<vmem>> -> memref<1x1x128xi32, #tpu.memory_space<vmem>>
            %dma_wait3A_304 = tpu.memref_squeeze %dma_wait3A_303 : memref<1x1x128xi32, #tpu.memory_space<vmem>> -> memref<1x128xi32, #tpu.memory_space<vmem>>
            %dma_wait3A_305 = arith.constant 0 : i32
            %dma_wait3A_306 = tpu.memref_slice %arg3[%dma_wait3A_305, %mul3A_299] : memref<1x640000xi32, #tpu.memory_space<hbm>> -> memref<1x128xi32, #tpu.memory_space<hbm>>
            %dma_wait3A_307 = tpu.memref_slice %run_scoped3A_21[%rem3A_301] : memref<2x!tpu.dma_semaphore, #tpu.memory_space<semaphore_mem>> -> memref<1x!tpu.dma_semaphore, #tpu.memory_space<semaphore_mem>>
            %dma_wait3A_308 = tpu.memref_squeeze %dma_wait3A_307 : memref<1x!tpu.dma_semaphore, #tpu.memory_space<semaphore_mem>> -> memref<!tpu.dma_semaphore, #tpu.memory_space<semaphore_mem>>
            %dma_wait3A_309 = arith.constant 0 : i32
            %dma_wait3A_310 = arith.constant 0 : i32
            %dma_wait3A_311 = tpu.memref_slice %run_scoped3A[%rem3A_301, %dma_wait3A_309, %dma_wait3A_310] : memref<2x1x128xi32, #tpu.memory_space<vmem>> -> memref<1x1x128xi32, #tpu.memory_space<vmem>>
            %dma_wait3A_312 = tpu.memref_squeeze %dma_wait3A_311 : memref<1x1x128xi32, #tpu.memory_space<vmem>> -> memref<1x128xi32, #tpu.memory_space<vmem>>
            %dma_wait3A_313 = arith.constant 0 : i32
            %dma_wait3A_314 = tpu.memref_slice %arg3[%dma_wait3A_313, %mul3A_299] : memref<1x640000xi32, #tpu.memory_space<hbm>> -> memref<1x128xi32, #tpu.memory_space<hbm>>
            tpu.wait_dma2 semaphore(%dma_wait3A_308 : memref<!tpu.dma_semaphore, #tpu.memory_space<semaphore_mem>>) src(%dma_wait3A_314 : memref<1x128xi32, #tpu.memory_space<hbm>>) dst(%dma_wait3A_312 : memref<1x128xi32, #tpu.memory_space<vmem>>)
            "tpu.trace_stop"() : () -> ()
          } else {
          }
          %ne3A_220 = arith.cmpi ne, %add3A_159, %add3A_169 : i32
          %or3A_221 = arith.constant false
          %or3A_222 = arith.ori %or3A_221, %ne3A_220 : i1
          %or3A_223 = arith.constant false
          %or3A_224 = arith.ori %or3A_222, %or3A_223 : i1
          %or3A_225 = arith.ori %or3A_224, %eq3A_155 : i1
          %convert_element_type3A_226 = arith.extui %or3A_225 : i1 to i32
          %cond3A_227 = arith.constant 0 : i32
          %cond3A_228 = arith.cmpi ne, %convert_element_type3A_226, %cond3A_227 : i32
          scf.if %cond3A_228 {
          } else {
          }
          %rem3A_229 = arith.constant 2 : i32
          %rem3A_230 = arith.remui %while3A_148, %rem3A_229 : i32
          %rem3A_231 = arith.constant 2 : i32
          %rem3A_232 = arith.remui %while3A_149, %rem3A_231 : i32
          %run_scoped3A_233 = arith.constant 0 : i32
          "tpu.trace_start"() <{level = 10 : i32, message = "ep_run_kernel"}> : () -> ()
          "tpu.region"() ({
            %run_scoped3A_298 = tpu.sem_alloc : memref<!tpu.dma_semaphore, #tpu.memory_space<semaphore_mem>>
            %dma_start3A_299 = arith.constant 0 : i32
            %dma_start3A_300 = arith.constant 0 : i32
            %dma_start3A_301 = tpu.memref_slice %run_scoped3A_22[%rem3A_232, %dma_start3A_299, %dma_start3A_300] : memref<2x128x64xf32, #tpu.memory_space<vmem>> -> memref<1x128x64xf32, #tpu.memory_space<vmem>>
            %dma_start3A_302 = tpu.memref_squeeze %dma_start3A_301 : memref<1x128x64xf32, #tpu.memory_space<vmem>> -> memref<128x64xf32, #tpu.memory_space<vmem>>
            %dma_start3A_303 = arith.constant 0 : i32
            %dma_start3A_304 = arith.constant 0 : i32
            %dma_start3A_305 = tpu.memref_slice %run_scoped3A[%rem3A_230, %dma_start3A_303, %dma_start3A_304] : memref<2x1x128xi32, #tpu.memory_space<vmem>> -> memref<1x1x128xi32, #tpu.memory_space<vmem>>
            %dma_start3A_306 = tpu.memref_squeeze %dma_start3A_305 : memref<1x1x128xi32, #tpu.memory_space<vmem>> -> memref<1x128xi32, #tpu.memory_space<vmem>>
            %dma_start3A_307 = arith.constant 0 : i32
            %dma_start3A_308 = tpu.memref_slice %dma_start3A_306[%run_scoped3A_233, %dma_start3A_307] : memref<1x128xi32, #tpu.memory_space<vmem>> -> memref<1x128xi32, #tpu.memory_space<vmem>>
            %dma_start3A_309 = tpu.memref_squeeze %dma_start3A_308 : memref<1x128xi32, #tpu.memory_space<vmem>> -> memref<128xi32, #tpu.memory_space<vmem>>
            %dma_start3A_310 = arith.constant 0 : i32
            %dma_start3A_311 = arith.constant 0 : i32
            %dma_start3A_312 = tpu.memref_slice %arg5[%dma_start3A_310, %dma_start3A_311] : memref<20000x64xf32, #tpu.memory_space<vmem_shared>> -> memref<20000x64xf32, #tpu.memory_space<vmem_shared>>
            tpu.enqueue_indirect_dma source(%dma_start3A_312 : memref<20000x64xf32, #tpu.memory_space<vmem_shared>>) target(%dma_start3A_302 : memref<128x64xf32, #tpu.memory_space<vmem>>) offsets(%dma_start3A_309 : memref<128xi32, #tpu.memory_space<vmem>>) semaphore(%run_scoped3A_298 : memref<!tpu.dma_semaphore, #tpu.memory_space<semaphore_mem>>)
            %dma_wait3A = arith.constant 0 : i32
            %dma_wait3A_313 = arith.constant 0 : i32
            %dma_wait3A_314 = tpu.memref_slice %run_scoped3A_22[%rem3A_232, %dma_wait3A, %dma_wait3A_313] : memref<2x128x64xf32, #tpu.memory_space<vmem>> -> memref<1x128x64xf32, #tpu.memory_space<vmem>>
            %dma_wait3A_315 = tpu.memref_squeeze %dma_wait3A_314 : memref<1x128x64xf32, #tpu.memory_space<vmem>> -> memref<128x64xf32, #tpu.memory_space<vmem>>
            %dma_wait3A_316 = arith.constant 0 : i32
            %dma_wait3A_317 = arith.constant 0 : i32
            %dma_wait3A_318 = tpu.memref_slice %run_scoped3A[%rem3A_230, %dma_wait3A_316, %dma_wait3A_317] : memref<2x1x128xi32, #tpu.memory_space<vmem>> -> memref<1x1x128xi32, #tpu.memory_space<vmem>>
            %dma_wait3A_319 = tpu.memref_squeeze %dma_wait3A_318 : memref<1x1x128xi32, #tpu.memory_space<vmem>> -> memref<1x128xi32, #tpu.memory_space<vmem>>
            %dma_wait3A_320 = arith.constant 0 : i32
            %dma_wait3A_321 = tpu.memref_slice %dma_wait3A_319[%run_scoped3A_233, %dma_wait3A_320] : memref<1x128xi32, #tpu.memory_space<vmem>> -> memref<1x128xi32, #tpu.memory_space<vmem>>
            %dma_wait3A_322 = tpu.memref_squeeze %dma_wait3A_321 : memref<1x128xi32, #tpu.memory_space<vmem>> -> memref<128xi32, #tpu.memory_space<vmem>>
            %dma_wait3A_323 = arith.constant 0 : i32
            %dma_wait3A_324 = arith.constant 0 : i32
            %dma_wait3A_325 = tpu.memref_slice %arg5[%dma_wait3A_323, %dma_wait3A_324] : memref<20000x64xf32, #tpu.memory_space<vmem_shared>> -> memref<20000x64xf32, #tpu.memory_space<vmem_shared>>
            tpu.wait_indirect_dma semaphore(%run_scoped3A_298 : memref<!tpu.dma_semaphore, #tpu.memory_space<semaphore_mem>>) src(%dma_wait3A_325 : memref<20000x64xf32, #tpu.memory_space<vmem_shared>>) dst(%dma_wait3A_315 : memref<128x64xf32, #tpu.memory_space<vmem>>)
            tpu.yield
          }) : () -> ()
          "tpu.trace_stop"() : () -> ()
          %ne3A_234 = arith.cmpi ne, %add3A_159, %add3A_177 : i32
          %or3A_235 = arith.constant false
          %or3A_236 = arith.ori %or3A_235, %ne3A_234 : i1
          %or3A_237 = arith.ori %or3A_236, %eq3A_158 : i1
          %convert_element_type3A_238 = arith.extui %or3A_237 : i1 to i32
          %cond3A_239 = arith.constant 0 : i32
          %cond3A_240 = arith.cmpi ne, %convert_element_type3A_238, %cond3A_239 : i32
          scf.if %cond3A_240 {
          } else {
          }
          %and3A_241 = arith.constant false
          %and3A_242 = arith.andi %or3A_237, %and3A_241 : i1
          %ne3A_243 = arith.cmpi ne, %add3A_159, %add3A_177 : i32
          %or3A_244 = arith.constant false
          %or3A_245 = arith.ori %or3A_244, %ne3A_243 : i1
          %or3A_246 = arith.constant false
          %or3A_247 = arith.ori %or3A_245, %or3A_246 : i1
          %or3A_248 = arith.ori %or3A_247, %eq3A_158 : i1
          %convert_element_type3A_249 = arith.extui %or3A_248 : i1 to i32
          %cond3A_250 = arith.constant 0 : i32
          %cond3A_251 = arith.cmpi ne, %convert_element_type3A_249, %cond3A_250 : i32
          scf.if %cond3A_251 {
            "tpu.trace_start"() <{level = 10 : i32, message = "ep_copy_out"}> : () -> ()
            %rem3A_298 = arith.constant 2 : i32
            %rem3A_299 = arith.remui %while3A_149, %rem3A_298 : i32
            %mul3A_300 = arith.constant 128 : i32
            %mul3A_301 = arith.muli %mul3A_300, %add3A_159 : i32
            %dma_start3A_302 = arith.constant 0 : i32
            %dma_start3A_303 = arith.constant 0 : i32
            %dma_start3A_304 = tpu.memref_slice %run_scoped3A_22[%rem3A_299, %dma_start3A_302, %dma_start3A_303] : memref<2x128x64xf32, #tpu.memory_space<vmem>> -> memref<1x128x64xf32, #tpu.memory_space<vmem>>
            %dma_start3A_305 = tpu.memref_squeeze %dma_start3A_304 : memref<1x128x64xf32, #tpu.memory_space<vmem>> -> memref<128x64xf32, #tpu.memory_space<vmem>>
            %dma_start3A_306 = arith.constant 0 : i32
            %dma_start3A_307 = tpu.memref_slice %arg4[%mul3A_301, %dma_start3A_306] : memref<640000x64xf32, #tpu.memory_space<hbm>> -> memref<128x64xf32, #tpu.memory_space<hbm>>
            %dma_start3A_308 = tpu.memref_slice %run_scoped3A_23[%rem3A_299] : memref<2x!tpu.dma_semaphore, #tpu.memory_space<semaphore_mem>> -> memref<1x!tpu.dma_semaphore, #tpu.memory_space<semaphore_mem>>
            %dma_start3A_309 = tpu.memref_squeeze %dma_start3A_308 : memref<1x!tpu.dma_semaphore, #tpu.memory_space<semaphore_mem>> -> memref<!tpu.dma_semaphore, #tpu.memory_space<semaphore_mem>>
            %dma_start3A_310 = arith.constant 0 : i32
            %dma_start3A_311 = tpu.memref_slice %arg4[%mul3A_301, %dma_start3A_310] : memref<640000x64xf32, #tpu.memory_space<hbm>> -> memref<128x64xf32, #tpu.memory_space<hbm>>
            %dma_start3A_312 = arith.constant 0 : i32
            %dma_start3A_313 = arith.constant 0 : i32
            %dma_start3A_314 = tpu.memref_slice %run_scoped3A_22[%rem3A_299, %dma_start3A_312, %dma_start3A_313] : memref<2x128x64xf32, #tpu.memory_space<vmem>> -> memref<1x128x64xf32, #tpu.memory_space<vmem>>
            %dma_start3A_315 = tpu.memref_squeeze %dma_start3A_314 : memref<1x128x64xf32, #tpu.memory_space<vmem>> -> memref<128x64xf32, #tpu.memory_space<vmem>>
            tpu.enqueue_dma source(%dma_start3A_315 : memref<128x64xf32, #tpu.memory_space<vmem>>) target(%dma_start3A_311 : memref<128x64xf32, #tpu.memory_space<hbm>>) target_semaphore(%dma_start3A_309 : memref<!tpu.dma_semaphore, #tpu.memory_space<semaphore_mem>>)
            "tpu.trace_stop"() : () -> ()
          } else {
          }
          %and3A_252 = arith.constant true
          %and3A_253 = arith.andi %or3A_248, %and3A_252 : i1
          %add3A_254 = arith.constant 1 : i32
          %add3A_255 = arith.addi %while3A_149, %add3A_254 : i32
          %select_n3A_256 = arith.select %and3A_253, %add3A_255, %while3A_149 : i32
          %ne3A_257 = arith.cmpi ne, %add3A_159, %add3A_169 : i32
          %or3A_258 = arith.constant false
          %or3A_259 = arith.ori %or3A_258, %ne3A_257 : i1
          %not3A_260 = arith.constant true
          %not3A_261 = arith.xori %eq3A_155, %not3A_260 : i1
          %and3A_262 = arith.andi %or3A_259, %not3A_261 : i1
          %convert_element_type3A_263 = arith.extui %and3A_262 : i1 to i32
          %cond3A_264 = arith.constant 0 : i32
          %cond3A_265 = arith.cmpi ne, %convert_element_type3A_263, %cond3A_264 : i32
          scf.if %cond3A_265 {
          } else {
          }
          %and3A_266 = arith.constant false
          %and3A_267 = arith.andi %and3A_262, %and3A_266 : i1
          %ne3A_268 = arith.cmpi ne, %add3A_159, %add3A_169 : i32
          %or3A_269 = arith.constant false
          %or3A_270 = arith.ori %or3A_269, %ne3A_268 : i1
          %or3A_271 = arith.constant false
          %or3A_272 = arith.ori %or3A_270, %or3A_271 : i1
          %not3A_273 = arith.constant true
          %not3A_274 = arith.xori %eq3A_155, %not3A_273 : i1
          %and3A_275 = arith.andi %or3A_272, %not3A_274 : i1
          %convert_element_type3A_276 = arith.extui %and3A_275 : i1 to i32
          %cond3A_277 = arith.constant 0 : i32
          %cond3A_278 = arith.cmpi ne, %convert_element_type3A_276, %cond3A_277 : i32
          scf.if %cond3A_278 {
            "tpu.trace_start"() <{level = 10 : i32, message = "ep_wait_out"}> : () -> ()
            %rem3A_298 = arith.constant 2 : i32
            %rem3A_299 = arith.remui %while3A_150, %rem3A_298 : i32
            %mul3A_300 = arith.constant 128 : i32
            %mul3A_301 = arith.muli %mul3A_300, %add3A_169 : i32
            %dma_wait3A = arith.constant 0 : i32
            %dma_wait3A_302 = arith.constant 0 : i32
            %dma_wait3A_303 = tpu.memref_slice %run_scoped3A_22[%rem3A_299, %dma_wait3A, %dma_wait3A_302] : memref<2x128x64xf32, #tpu.memory_space<vmem>> -> memref<1x128x64xf32, #tpu.memory_space<vmem>>
            %dma_wait3A_304 = tpu.memref_squeeze %dma_wait3A_303 : memref<1x128x64xf32, #tpu.memory_space<vmem>> -> memref<128x64xf32, #tpu.memory_space<vmem>>
            %dma_wait3A_305 = arith.constant 0 : i32
            %dma_wait3A_306 = tpu.memref_slice %arg4[%mul3A_301, %dma_wait3A_305] : memref<640000x64xf32, #tpu.memory_space<hbm>> -> memref<128x64xf32, #tpu.memory_space<hbm>>
            %dma_wait3A_307 = tpu.memref_slice %run_scoped3A_23[%rem3A_299] : memref<2x!tpu.dma_semaphore, #tpu.memory_space<semaphore_mem>> -> memref<1x!tpu.dma_semaphore, #tpu.memory_space<semaphore_mem>>
            %dma_wait3A_308 = tpu.memref_squeeze %dma_wait3A_307 : memref<1x!tpu.dma_semaphore, #tpu.memory_space<semaphore_mem>> -> memref<!tpu.dma_semaphore, #tpu.memory_space<semaphore_mem>>
            %dma_wait3A_309 = arith.constant 0 : i32
            %dma_wait3A_310 = tpu.memref_slice %arg4[%mul3A_301, %dma_wait3A_309] : memref<640000x64xf32, #tpu.memory_space<hbm>> -> memref<128x64xf32, #tpu.memory_space<hbm>>
            %dma_wait3A_311 = arith.constant 0 : i32
            %dma_wait3A_312 = arith.constant 0 : i32
            %dma_wait3A_313 = tpu.memref_slice %run_scoped3A_22[%rem3A_299, %dma_wait3A_311, %dma_wait3A_312] : memref<2x128x64xf32, #tpu.memory_space<vmem>> -> memref<1x128x64xf32, #tpu.memory_space<vmem>>
            %dma_wait3A_314 = tpu.memref_squeeze %dma_wait3A_313 : memref<1x128x64xf32, #tpu.memory_space<vmem>> -> memref<128x64xf32, #tpu.memory_space<vmem>>
            tpu.wait_dma2 semaphore(%dma_wait3A_308 : memref<!tpu.dma_semaphore, #tpu.memory_space<semaphore_mem>>) src(%dma_wait3A_314 : memref<128x64xf32, #tpu.memory_space<vmem>>) dst(%dma_wait3A_310 : memref<128x64xf32, #tpu.memory_space<hbm>>)
            "tpu.trace_stop"() : () -> ()
          } else {
          }
          %and3A_279 = arith.constant true
          %and3A_280 = arith.andi %and3A_275, %and3A_279 : i1
          %add3A_281 = arith.constant 1 : i32
          %add3A_282 = arith.addi %while3A_150, %add3A_281 : i32
          %select_n3A_283 = arith.select %and3A_280, %add3A_282, %while3A_150 : i32
          %ne3A_284 = arith.cmpi ne, %add3A_159, %add3A_177 : i32
          %or3A_285 = arith.constant false
          %or3A_286 = arith.ori %or3A_285, %ne3A_284 : i1
          %or3A_287 = arith.ori %or3A_286, %eq3A_158 : i1
          %add3A_288 = arith.constant 1 : i32
          %add3A_289 = arith.addi %while3A_148, %add3A_288 : i32
          %select_n3A_290 = arith.select %or3A_287, %add3A_289, %while3A_148 : i32
          %add3A_291 = arith.constant 1 : i32
          %add3A_292 = arith.addi %while3A_151, %add3A_291 : i32
          %select_n3A_293 = arith.constant true
          %select_n3A_294 = arith.select %select_n3A_293, %add3A_292, %while3A_151 : i32
          %eq3A_295 = arith.cmpi eq, %select_n3A_294, %select_n3A : i32
          %select_n3A_296 = arith.constant 0 : i32
          %select_n3A_297 = arith.select %eq3A_295, %select_n3A_296, %select_n3A_294 : i32
          scf.yield %select_n3A_199, %select_n3A_290, %select_n3A_256, %select_n3A_283, %select_n3A_297 : i32, i32, i32, i32, i32
        }
        %sub3A_95 = arith.constant 1 : i32
        %sub3A_96 = arith.subi %while3A_94#4, %sub3A_95 : i32
        %select_n3A_97 = arith.constant true
        %select_n3A_98 = arith.select %select_n3A_97, %sub3A_96, %while3A_94#4 : i32
        %eq3A_99 = arith.constant -1 : i32
        %eq3A_100 = arith.cmpi eq, %select_n3A_98, %eq3A_99 : i32
        %sub3A_101 = arith.constant 1 : i32
        %sub3A_102 = arith.subi %select_n3A, %sub3A_101 : i32
        %select_n3A_103 = arith.select %eq3A_100, %sub3A_102, %select_n3A_98 : i32
        %sub3A_104 = arith.constant 1 : i32
        %sub3A_105 = arith.subi %mul3A_20, %sub3A_104 : i32
        %mul3A_106 = arith.constant 1 : i32
        %mul3A_107 = arith.muli %mul3A_106, %select_n3A : i32
        %eq3A_108 = arith.constant 0 : i32
        %eq3A_109 = arith.cmpi eq, %sub3A_105, %eq3A_108 : i32
        %sub3A_110 = arith.constant 1 : i32
        %sub3A_111 = arith.subi %mul3A_107, %sub3A_110 : i32
        %eq3A_112 = arith.cmpi eq, %sub3A_105, %sub3A_111 : i32
        %add3A_113 = arith.addi %select_n3A_103, %select_n3A_18 : i32
        %sub3A_114 = arith.constant 1 : i32
        %sub3A_115 = arith.subi %select_n3A_103, %sub3A_114 : i32
        %select_n3A_116 = arith.constant true
        %select_n3A_117 = arith.select %select_n3A_116, %sub3A_115, %select_n3A_103 : i32
        %eq3A_118 = arith.constant -1 : i32
        %eq3A_119 = arith.cmpi eq, %select_n3A_117, %eq3A_118 : i32
        %sub3A_120 = arith.constant 1 : i32
        %sub3A_121 = arith.subi %select_n3A, %sub3A_120 : i32
        %select_n3A_122 = arith.select %eq3A_119, %sub3A_121, %select_n3A_117 : i32
        %add3A_123 = arith.addi %select_n3A_122, %select_n3A_18 : i32
        %add3A_124 = arith.constant 1 : i32
        %add3A_125 = arith.addi %select_n3A_103, %add3A_124 : i32
        %select_n3A_126 = arith.constant true
        %select_n3A_127 = arith.select %select_n3A_126, %add3A_125, %select_n3A_103 : i32
        %eq3A_128 = arith.cmpi eq, %select_n3A_127, %select_n3A : i32
        %select_n3A_129 = arith.constant 0 : i32
        %select_n3A_130 = arith.select %eq3A_128, %select_n3A_129, %select_n3A_127 : i32
        %add3A_131 = arith.addi %select_n3A_130, %select_n3A_18 : i32
        %add3A_132 = arith.constant 1 : i32
        %add3A_133 = arith.addi %select_n3A_130, %add3A_132 : i32
        %select_n3A_134 = arith.constant true
        %select_n3A_135 = arith.select %select_n3A_134, %add3A_133, %select_n3A_130 : i32
        %eq3A_136 = arith.cmpi eq, %select_n3A_135, %select_n3A : i32
        %select_n3A_137 = arith.constant 0 : i32
        %select_n3A_138 = arith.select %eq3A_136, %select_n3A_137, %select_n3A_135 : i32
        %add3A_139 = arith.addi %select_n3A_138, %select_n3A_18 : i32
        %convert_element_type3A_140 = arith.extui %eq3A_112 : i1 to i32
        %cond3A_141 = arith.constant 0 : i32
        %cond3A_142 = arith.cmpi ne, %convert_element_type3A_140, %cond3A_141 : i32
        scf.if %cond3A_142 {
        } else {
        }
        %convert_element_type3A_143 = arith.extui %eq3A_112 : i1 to i32
        %cond3A_144 = arith.constant 0 : i32
        %cond3A_145 = arith.cmpi ne, %convert_element_type3A_143, %cond3A_144 : i32
        scf.if %cond3A_145 {
          "tpu.trace_start"() <{level = 10 : i32, message = "ep_finalize"}> : () -> ()
          %rem3A_146 = arith.constant 2 : i32
          %rem3A_147 = arith.remui %while3A_94#3, %rem3A_146 : i32
          %mul3A_148 = arith.constant 128 : i32
          %mul3A_149 = arith.muli %mul3A_148, %add3A_113 : i32
          %dma_wait3A = arith.constant 0 : i32
          %dma_wait3A_150 = arith.constant 0 : i32
          %dma_wait3A_151 = tpu.memref_slice %run_scoped3A_22[%rem3A_147, %dma_wait3A, %dma_wait3A_150] : memref<2x128x64xf32, #tpu.memory_space<vmem>> -> memref<1x128x64xf32, #tpu.memory_space<vmem>>
          %dma_wait3A_152 = tpu.memref_squeeze %dma_wait3A_151 : memref<1x128x64xf32, #tpu.memory_space<vmem>> -> memref<128x64xf32, #tpu.memory_space<vmem>>
          %dma_wait3A_153 = arith.constant 0 : i32
          %dma_wait3A_154 = tpu.memref_slice %arg4[%mul3A_149, %dma_wait3A_153] : memref<640000x64xf32, #tpu.memory_space<hbm>> -> memref<128x64xf32, #tpu.memory_space<hbm>>
          %dma_wait3A_155 = tpu.memref_slice %run_scoped3A_23[%rem3A_147] : memref<2x!tpu.dma_semaphore, #tpu.memory_space<semaphore_mem>> -> memref<1x!tpu.dma_semaphore, #tpu.memory_space<semaphore_mem>>
          %dma_wait3A_156 = tpu.memref_squeeze %dma_wait3A_155 : memref<1x!tpu.dma_semaphore, #tpu.memory_space<semaphore_mem>> -> memref<!tpu.dma_semaphore, #tpu.memory_space<semaphore_mem>>
          %dma_wait3A_157 = arith.constant 0 : i32
          %dma_wait3A_158 = tpu.memref_slice %arg4[%mul3A_149, %dma_wait3A_157] : memref<640000x64xf32, #tpu.memory_space<hbm>> -> memref<128x64xf32, #tpu.memory_space<hbm>>
          %dma_wait3A_159 = arith.constant 0 : i32
          %dma_wait3A_160 = arith.constant 0 : i32
          %dma_wait3A_161 = tpu.memref_slice %run_scoped3A_22[%rem3A_147, %dma_wait3A_159, %dma_wait3A_160] : memref<2x128x64xf32, #tpu.memory_space<vmem>> -> memref<1x128x64xf32, #tpu.memory_space<vmem>>
          %dma_wait3A_162 = tpu.memref_squeeze %dma_wait3A_161 : memref<1x128x64xf32, #tpu.memory_space<vmem>> -> memref<128x64xf32, #tpu.memory_space<vmem>>
          tpu.wait_dma2 semaphore(%dma_wait3A_156 : memref<!tpu.dma_semaphore, #tpu.memory_space<semaphore_mem>>) src(%dma_wait3A_162 : memref<128x64xf32, #tpu.memory_space<vmem>>) dst(%dma_wait3A_158 : memref<128x64xf32, #tpu.memory_space<hbm>>)
          "tpu.trace_stop"() : () -> ()
        } else {
        }
      } else {
      }
      tpu.yield
    }) : () -> ()
    return
  }
}

module attributes {stable_mosaic.version = 14 : i64} {
  func.func @_tca_body(%arg0: i32, %arg1: memref<2000x128xf32, #tpu.memory_space<vmem>>, %arg2: memref<256x128xf32, #tpu.memory_space<vmem>>, %arg3: memref<128x64xf32, #tpu.memory_space<vmem>>, %arg4: memref<1x64xf32, #tpu.memory_space<vmem>>, %arg5: memref<64x64xf32, #tpu.memory_space<vmem>>, %arg6: memref<1x64xf32, #tpu.memory_space<vmem>>, %arg7: memref<128x64xf32, #tpu.memory_space<vmem>>, %arg8: memref<1x64xf32, #tpu.memory_space<vmem>>, %arg9: memref<64x64xf32, #tpu.memory_space<vmem>>, %arg10: memref<1x64xf32, #tpu.memory_space<vmem>>, %arg11: memref<256x64xf32, #tpu.memory_space<vmem>>, %arg12: memref<1x64xf32, #tpu.memory_space<vmem>>, %arg13: memref<192x64xf32, #tpu.memory_space<vmem>>, %arg14: memref<1x64xf32, #tpu.memory_space<vmem>>, %arg15: memref<2000x64xf32, #tpu.memory_space<vmem>>, %arg16: memref<2000x128xf32, #tpu.memory_space<vmem>>, %arg17: memref<256x64xf32, #tpu.memory_space<vmem>>, %arg18: memref<256x64xf32, #tpu.memory_space<vmem>>, %arg19: memref<256x64xf32, #tpu.memory_space<vmem>>) attributes {dimension_semantics = [#tpu.dimension_semantics<arbitrary>], iteration_bounds = array<i64: 5>, scalar_prefetch = 0 : i64, scratch_operands = 0 : i64, tpu.core_type = #tpu.core_type<tc>, window_params = [{transform_indices = @transform_0, window_bounds = array<i64: 2000, 128>}, {pipeline_mode = #tpu.pipeline_mode<synchronous>, transform_indices = @transform_1, window_bounds = array<i64: 256, 128>}, {pipeline_mode = #tpu.pipeline_mode<synchronous>, transform_indices = @transform_2, window_bounds = array<i64: 128, 64>}, {pipeline_mode = #tpu.pipeline_mode<synchronous>, transform_indices = @transform_3, window_bounds = array<i64: 1, 64>}, {pipeline_mode = #tpu.pipeline_mode<synchronous>, transform_indices = @transform_4, window_bounds = array<i64: 64, 64>}, {pipeline_mode = #tpu.pipeline_mode<synchronous>, transform_indices = @transform_5, window_bounds = array<i64: 1, 64>}, {pipeline_mode = #tpu.pipeline_mode<synchronous>, transform_indices = @transform_6, window_bounds = array<i64: 128, 64>}, {pipeline_mode = #tpu.pipeline_mode<synchronous>, transform_indices = @transform_7, window_bounds = array<i64: 1, 64>}, {pipeline_mode = #tpu.pipeline_mode<synchronous>, transform_indices = @transform_8, window_bounds = array<i64: 64, 64>}, {pipeline_mode = #tpu.pipeline_mode<synchronous>, transform_indices = @transform_9, window_bounds = array<i64: 1, 64>}, {pipeline_mode = #tpu.pipeline_mode<synchronous>, transform_indices = @transform_10, window_bounds = array<i64: 256, 64>}, {pipeline_mode = #tpu.pipeline_mode<synchronous>, transform_indices = @transform_11, window_bounds = array<i64: 1, 64>}, {pipeline_mode = #tpu.pipeline_mode<synchronous>, transform_indices = @transform_12, window_bounds = array<i64: 192, 64>}, {pipeline_mode = #tpu.pipeline_mode<synchronous>, transform_indices = @transform_13, window_bounds = array<i64: 1, 64>}, {transform_indices = @transform_14, window_bounds = array<i64: 2000, 64>}, {transform_indices = @transform_15, window_bounds = array<i64: 2000, 128>}, {pipeline_mode = #tpu.pipeline_mode<synchronous>, transform_indices = @transform_16, window_bounds = array<i64: 256, 64>}, {pipeline_mode = #tpu.pipeline_mode<synchronous>, transform_indices = @transform_17, window_bounds = array<i64: 256, 64>}, {pipeline_mode = #tpu.pipeline_mode<synchronous>, transform_indices = @transform_18, window_bounds = array<i64: 256, 64>}]} {
    %get3A = arith.constant 0 : index
    %get3A_0 = arith.constant 0 : index
    %get3A_1 = vector.load %arg1[%get3A, %get3A_0] : memref<2000x128xf32, #tpu.memory_space<vmem>>, vector<2000x128xf32>
    %get3A_2 = arith.constant 0 : index
    %get3A_3 = arith.constant 0 : index
    %get3A_4 = vector.load %arg3[%get3A_2, %get3A_3] : memref<128x64xf32, #tpu.memory_space<vmem>>, vector<128x64xf32>
    %convert_element_type3A = arith.truncf %get3A_1 : vector<2000x128xf32> to vector<2000x128xbf16>
    %convert_element_type3A_5 = arith.truncf %get3A_4 : vector<128x64xf32> to vector<128x64xbf16>
    %dot_general3A = arith.constant dense<0.000000e+00> : vector<2000x64xf32>
    %dot_general3A_6 = tpu.matmul %convert_element_type3A, %convert_element_type3A_5, %dot_general3A {dimension_numbers = #tpu.dot_dimension_numbers<[1], [0], [0], [1], [0, 0, 1, 1], [], []>, transpose_lhs_hint = false} : vector<2000x128xbf16>, vector<128x64xbf16>, vector<2000x64xf32> -> vector<2000x64xf32>
    %get3A_7 = arith.constant 0 : index
    %get3A_8 = arith.constant 0 : index
    %get3A_9 = vector.load %arg4[%get3A_7, %get3A_8] : memref<1x64xf32, #tpu.memory_space<vmem>>, vector<1x64xf32>
    %add3A = vector.broadcast %get3A_9 : vector<1x64xf32> to vector<2000x64xf32>
    %add3A_10 = arith.addf %dot_general3A_6, %add3A : vector<2000x64xf32>
    %max3A = arith.constant 0.000000e+00 : f32
    %max3A_11 = vector.broadcast %max3A : f32 to vector<2000x64xf32>
    %max3A_12 = arith.maximumf %add3A_10, %max3A_11 : vector<2000x64xf32>
    %get3A_13 = arith.constant 0 : index
    %get3A_14 = arith.constant 0 : index
    %get3A_15 = vector.load %arg5[%get3A_13, %get3A_14] : memref<64x64xf32, #tpu.memory_space<vmem>>, vector<64x64xf32>
    %convert_element_type3A_16 = arith.truncf %max3A_12 : vector<2000x64xf32> to vector<2000x64xbf16>
    %convert_element_type3A_17 = arith.truncf %get3A_15 : vector<64x64xf32> to vector<64x64xbf16>
    %dot_general3A_18 = arith.constant dense<0.000000e+00> : vector<2000x64xf32>
    %dot_general3A_19 = tpu.matmul %convert_element_type3A_16, %convert_element_type3A_17, %dot_general3A_18 {dimension_numbers = #tpu.dot_dimension_numbers<[1], [0], [0], [1], [0, 0, 1, 1], [], []>, transpose_lhs_hint = false} : vector<2000x64xbf16>, vector<64x64xbf16>, vector<2000x64xf32> -> vector<2000x64xf32>
    %get3A_20 = arith.constant 0 : index
    %get3A_21 = arith.constant 0 : index
    %get3A_22 = vector.load %arg6[%get3A_20, %get3A_21] : memref<1x64xf32, #tpu.memory_space<vmem>>, vector<1x64xf32>
    %add3A_23 = vector.broadcast %get3A_22 : vector<1x64xf32> to vector<2000x64xf32>
    %add3A_24 = arith.addf %dot_general3A_19, %add3A_23 : vector<2000x64xf32>
    %max3A_25 = arith.constant 0.000000e+00 : f32
    %max3A_26 = vector.broadcast %max3A_25 : f32 to vector<2000x64xf32>
    %max3A_27 = arith.maximumf %add3A_24, %max3A_26 : vector<2000x64xf32>
    %swap3A = arith.constant 0 : index
    %swap3A_28 = arith.constant 0 : index
    %swap3A_29 = vector.load %arg15[%swap3A, %swap3A_28] : memref<2000x64xf32, #tpu.memory_space<vmem>>, vector<2000x64xf32>
    tpu.vector_store %arg15[%swap3A, %swap3A_28], %max3A_27 {strides = array<i32>} : memref<2000x64xf32, #tpu.memory_space<vmem>>, vector<2000x64xf32>,
    %get3A_30 = arith.constant 0 : index
    %get3A_31 = arith.constant 0 : index
    %get3A_32 = vector.load %arg11[%get3A_30, %get3A_31] : memref<256x64xf32, #tpu.memory_space<vmem>>, vector<256x64xf32>
    %slice3A = vector.extract_strided_slice %get3A_32 {offsets = [0, 0], sizes = [64, 64], strides = [1, 1]} : vector<256x64xf32> to vector<64x64xf32>
    %convert_element_type3A_33 = arith.truncf %max3A_27 : vector<2000x64xf32> to vector<2000x64xbf16>
    %convert_element_type3A_34 = arith.truncf %slice3A : vector<64x64xf32> to vector<64x64xbf16>
    %dot_general3A_35 = arith.constant dense<0.000000e+00> : vector<2000x64xf32>
    %dot_general3A_36 = tpu.matmul %convert_element_type3A_33, %convert_element_type3A_34, %dot_general3A_35 {dimension_numbers = #tpu.dot_dimension_numbers<[1], [0], [0], [1], [0, 0, 1, 1], [], []>, transpose_lhs_hint = false} : vector<2000x64xbf16>, vector<64x64xbf16>, vector<2000x64xf32> -> vector<2000x64xf32>
    %slice3A_37 = vector.extract_strided_slice %get3A_32 {offsets = [64, 0], sizes = [64, 64], strides = [1, 1]} : vector<256x64xf32> to vector<64x64xf32>
    %convert_element_type3A_38 = arith.truncf %max3A_27 : vector<2000x64xf32> to vector<2000x64xbf16>
    %convert_element_type3A_39 = arith.truncf %slice3A_37 : vector<64x64xf32> to vector<64x64xbf16>
    %dot_general3A_40 = arith.constant dense<0.000000e+00> : vector<2000x64xf32>
    %dot_general3A_41 = tpu.matmul %convert_element_type3A_38, %convert_element_type3A_39, %dot_general3A_40 {dimension_numbers = #tpu.dot_dimension_numbers<[1], [0], [0], [1], [0, 0, 1, 1], [], []>, transpose_lhs_hint = false} : vector<2000x64xbf16>, vector<64x64xbf16>, vector<2000x64xf32> -> vector<2000x64xf32>
    %concatenate3A = tpu.concatenate %dot_general3A_36, %dot_general3A_41 in 1 : vector<2000x64xf32>, vector<2000x64xf32> -> vector<2000x128xf32>
    %swap3A_42 = arith.constant 0 : index
    %swap3A_43 = arith.constant 0 : index
    %swap3A_44 = vector.load %arg16[%swap3A_42, %swap3A_43] : memref<2000x128xf32, #tpu.memory_space<vmem>>, vector<2000x128xf32>
    tpu.vector_store %arg16[%swap3A_42, %swap3A_43], %concatenate3A {strides = array<i32>} : memref<2000x128xf32, #tpu.memory_space<vmem>>, vector<2000x128xf32>,
    %eq3A = arith.constant 0 : i32
    %eq3A_45 = arith.cmpi eq, %arg0, %eq3A : i32
    %convert_element_type3A_46 = arith.extui %eq3A_45 : i1 to i32
    %cond3A = arith.constant 0 : i32
    %cond3A_47 = arith.cmpi ne, %convert_element_type3A_46, %cond3A : i32
    scf.if %cond3A_47 {
      %get3A_48 = arith.constant 0 : index
      %get3A_49 = arith.constant 0 : index
      %get3A_50 = vector.load %arg2[%get3A_48, %get3A_49] : memref<256x128xf32, #tpu.memory_space<vmem>>, vector<256x128xf32>
      %get3A_51 = arith.constant 0 : index
      %get3A_52 = arith.constant 0 : index
      %get3A_53 = vector.load %arg7[%get3A_51, %get3A_52] : memref<128x64xf32, #tpu.memory_space<vmem>>, vector<128x64xf32>
      %convert_element_type3A_54 = arith.truncf %get3A_50 : vector<256x128xf32> to vector<256x128xbf16>
      %convert_element_type3A_55 = arith.truncf %get3A_53 : vector<128x64xf32> to vector<128x64xbf16>
      %dot_general3A_56 = arith.constant dense<0.000000e+00> : vector<256x64xf32>
      %dot_general3A_57 = tpu.matmul %convert_element_type3A_54, %convert_element_type3A_55, %dot_general3A_56 {dimension_numbers = #tpu.dot_dimension_numbers<[1], [0], [0], [1], [0, 0, 1, 1], [], []>, transpose_lhs_hint = false} : vector<256x128xbf16>, vector<128x64xbf16>, vector<256x64xf32> -> vector<256x64xf32>
      %get3A_58 = arith.constant 0 : index
      %get3A_59 = arith.constant 0 : index
      %get3A_60 = vector.load %arg8[%get3A_58, %get3A_59] : memref<1x64xf32, #tpu.memory_space<vmem>>, vector<1x64xf32>
      %add3A_61 = vector.broadcast %get3A_60 : vector<1x64xf32> to vector<256x64xf32>
      %add3A_62 = arith.addf %dot_general3A_57, %add3A_61 : vector<256x64xf32>
      %max3A_63 = arith.constant 0.000000e+00 : f32
      %max3A_64 = vector.broadcast %max3A_63 : f32 to vector<256x64xf32>
      %max3A_65 = arith.maximumf %add3A_62, %max3A_64 : vector<256x64xf32>
      %get3A_66 = arith.constant 0 : index
      %get3A_67 = arith.constant 0 : index
      %get3A_68 = vector.load %arg9[%get3A_66, %get3A_67] : memref<64x64xf32, #tpu.memory_space<vmem>>, vector<64x64xf32>
      %convert_element_type3A_69 = arith.truncf %max3A_65 : vector<256x64xf32> to vector<256x64xbf16>
      %convert_element_type3A_70 = arith.truncf %get3A_68 : vector<64x64xf32> to vector<64x64xbf16>
      %dot_general3A_71 = arith.constant dense<0.000000e+00> : vector<256x64xf32>
      %dot_general3A_72 = tpu.matmul %convert_element_type3A_69, %convert_element_type3A_70, %dot_general3A_71 {dimension_numbers = #tpu.dot_dimension_numbers<[1], [0], [0], [1], [0, 0, 1, 1], [], []>, transpose_lhs_hint = false} : vector<256x64xbf16>, vector<64x64xbf16>, vector<256x64xf32> -> vector<256x64xf32>
      %get3A_73 = arith.constant 0 : index
      %get3A_74 = arith.constant 0 : index
      %get3A_75 = vector.load %arg10[%get3A_73, %get3A_74] : memref<1x64xf32, #tpu.memory_space<vmem>>, vector<1x64xf32>
      %add3A_76 = vector.broadcast %get3A_75 : vector<1x64xf32> to vector<256x64xf32>
      %add3A_77 = arith.addf %dot_general3A_72, %add3A_76 : vector<256x64xf32>
      %max3A_78 = arith.constant 0.000000e+00 : f32
      %max3A_79 = vector.broadcast %max3A_78 : f32 to vector<256x64xf32>
      %max3A_80 = arith.maximumf %add3A_77, %max3A_79 : vector<256x64xf32>
      %swap3A_81 = arith.constant 0 : index
      %swap3A_82 = arith.constant 0 : index
      %swap3A_83 = vector.load %arg17[%swap3A_81, %swap3A_82] : memref<256x64xf32, #tpu.memory_space<vmem>>, vector<256x64xf32>
      tpu.vector_store %arg17[%swap3A_81, %swap3A_82], %max3A_80 {strides = array<i32>} : memref<256x64xf32, #tpu.memory_space<vmem>>, vector<256x64xf32>,
      %slice3A_84 = vector.extract_strided_slice %get3A_32 {offsets = [192, 0], sizes = [64, 64], strides = [1, 1]} : vector<256x64xf32> to vector<64x64xf32>
      %convert_element_type3A_85 = arith.truncf %max3A_80 : vector<256x64xf32> to vector<256x64xbf16>
      %convert_element_type3A_86 = arith.truncf %slice3A_84 : vector<64x64xf32> to vector<64x64xbf16>
      %dot_general3A_87 = arith.constant dense<0.000000e+00> : vector<256x64xf32>
      %dot_general3A_88 = tpu.matmul %convert_element_type3A_85, %convert_element_type3A_86, %dot_general3A_87 {dimension_numbers = #tpu.dot_dimension_numbers<[1], [0], [0], [1], [0, 0, 1, 1], [], []>, transpose_lhs_hint = false} : vector<256x64xbf16>, vector<64x64xbf16>, vector<256x64xf32> -> vector<256x64xf32>
      %get3A_89 = arith.constant 0 : index
      %get3A_90 = arith.constant 0 : index
      %get3A_91 = vector.load %arg12[%get3A_89, %get3A_90] : memref<1x64xf32, #tpu.memory_space<vmem>>, vector<1x64xf32>
      %add3A_92 = vector.broadcast %get3A_91 : vector<1x64xf32> to vector<256x64xf32>
      %add3A_93 = arith.addf %dot_general3A_88, %add3A_92 : vector<256x64xf32>
      %swap3A_94 = arith.constant 0 : index
      %swap3A_95 = arith.constant 0 : index
      %swap3A_96 = vector.load %arg18[%swap3A_94, %swap3A_95] : memref<256x64xf32, #tpu.memory_space<vmem>>, vector<256x64xf32>
      tpu.vector_store %arg18[%swap3A_94, %swap3A_95], %add3A_93 {strides = array<i32>} : memref<256x64xf32, #tpu.memory_space<vmem>>, vector<256x64xf32>,
      %get3A_97 = arith.constant 0 : index
      %get3A_98 = arith.constant 0 : index
      %get3A_99 = vector.load %arg13[%get3A_97, %get3A_98] : memref<192x64xf32, #tpu.memory_space<vmem>>, vector<192x64xf32>
      %slice3A_100 = vector.extract_strided_slice %get3A_99 {offsets = [128, 0], sizes = [64, 64], strides = [1, 1]} : vector<192x64xf32> to vector<64x64xf32>
      %convert_element_type3A_101 = arith.truncf %max3A_80 : vector<256x64xf32> to vector<256x64xbf16>
      %convert_element_type3A_102 = arith.truncf %slice3A_100 : vector<64x64xf32> to vector<64x64xbf16>
      %dot_general3A_103 = arith.constant dense<0.000000e+00> : vector<256x64xf32>
      %dot_general3A_104 = tpu.matmul %convert_element_type3A_101, %convert_element_type3A_102, %dot_general3A_103 {dimension_numbers = #tpu.dot_dimension_numbers<[1], [0], [0], [1], [0, 0, 1, 1], [], []>, transpose_lhs_hint = false} : vector<256x64xbf16>, vector<64x64xbf16>, vector<256x64xf32> -> vector<256x64xf32>
      %get3A_105 = arith.constant 0 : index
      %get3A_106 = arith.constant 0 : index
      %get3A_107 = vector.load %arg14[%get3A_105, %get3A_106] : memref<1x64xf32, #tpu.memory_space<vmem>>, vector<1x64xf32>
      %add3A_108 = vector.broadcast %get3A_107 : vector<1x64xf32> to vector<256x64xf32>
      %add3A_109 = arith.addf %dot_general3A_104, %add3A_108 : vector<256x64xf32>
      %swap3A_110 = arith.constant 0 : index
      %swap3A_111 = arith.constant 0 : index
      %swap3A_112 = vector.load %arg19[%swap3A_110, %swap3A_111] : memref<256x64xf32, #tpu.memory_space<vmem>>, vector<256x64xf32>
      tpu.vector_store %arg19[%swap3A_110, %swap3A_111], %add3A_109 {strides = array<i32>} : memref<256x64xf32, #tpu.memory_space<vmem>>, vector<256x64xf32>,
    } else {
    }
    return
  }
  func.func @transform_0(%arg0: i32) -> (i32, i32) {
    %c0_i32 = arith.constant 0 : i32
    %c0_i32_0 = arith.constant 0 : i32
    return %arg0, %c0_i32 : i32, i32
  }
  func.func @transform_1(%arg0: i32) -> (i32, i32) {
    %c0_i32 = arith.constant 0 : i32
    %c0_i32_0 = arith.constant 0 : i32
    %c0_i32_1 = arith.constant 0 : i32
    return %c0_i32, %c0_i32_0 : i32, i32
  }
  func.func @transform_2(%arg0: i32) -> (i32, i32) {
    %c0_i32 = arith.constant 0 : i32
    %c0_i32_0 = arith.constant 0 : i32
    %c0_i32_1 = arith.constant 0 : i32
    return %c0_i32, %c0_i32_0 : i32, i32
  }
  func.func @transform_3(%arg0: i32) -> (i32, i32) {
    %c0_i32 = arith.constant 0 : i32
    %c0_i32_0 = arith.constant 0 : i32
    %c0_i32_1 = arith.constant 0 : i32
    return %c0_i32, %c0_i32_0 : i32, i32
  }
  func.func @transform_4(%arg0: i32) -> (i32, i32) {
    %c0_i32 = arith.constant 0 : i32
    %c0_i32_0 = arith.constant 0 : i32
    %c0_i32_1 = arith.constant 0 : i32
    return %c0_i32, %c0_i32_0 : i32, i32
  }
  func.func @transform_5(%arg0: i32) -> (i32, i32) {
    %c0_i32 = arith.constant 0 : i32
    %c0_i32_0 = arith.constant 0 : i32
    %c0_i32_1 = arith.constant 0 : i32
    return %c0_i32, %c0_i32_0 : i32, i32
  }
  func.func @transform_6(%arg0: i32) -> (i32, i32) {
    %c0_i32 = arith.constant 0 : i32
    %c0_i32_0 = arith.constant 0 : i32
    %c0_i32_1 = arith.constant 0 : i32
    return %c0_i32, %c0_i32_0 : i32, i32
  }
  func.func @transform_7(%arg0: i32) -> (i32, i32) {
    %c0_i32 = arith.constant 0 : i32
    %c0_i32_0 = arith.constant 0 : i32
    %c0_i32_1 = arith.constant 0 : i32
    return %c0_i32, %c0_i32_0 : i32, i32
  }
  func.func @transform_8(%arg0: i32) -> (i32, i32) {
    %c0_i32 = arith.constant 0 : i32
    %c0_i32_0 = arith.constant 0 : i32
    %c0_i32_1 = arith.constant 0 : i32
    return %c0_i32, %c0_i32_0 : i32, i32
  }
  func.func @transform_9(%arg0: i32) -> (i32, i32) {
    %c0_i32 = arith.constant 0 : i32
    %c0_i32_0 = arith.constant 0 : i32
    %c0_i32_1 = arith.constant 0 : i32
    return %c0_i32, %c0_i32_0 : i32, i32
  }
  func.func @transform_10(%arg0: i32) -> (i32, i32) {
    %c0_i32 = arith.constant 0 : i32
    %c0_i32_0 = arith.constant 0 : i32
    %c0_i32_1 = arith.constant 0 : i32
    return %c0_i32, %c0_i32_0 : i32, i32
  }
  func.func @transform_11(%arg0: i32) -> (i32, i32) {
    %c0_i32 = arith.constant 0 : i32
    %c0_i32_0 = arith.constant 0 : i32
    %c0_i32_1 = arith.constant 0 : i32
    return %c0_i32, %c0_i32_0 : i32, i32
  }
  func.func @transform_12(%arg0: i32) -> (i32, i32) {
    %c0_i32 = arith.constant 0 : i32
    %c0_i32_0 = arith.constant 0 : i32
    %c0_i32_1 = arith.constant 0 : i32
    return %c0_i32, %c0_i32_0 : i32, i32
  }
  func.func @transform_13(%arg0: i32) -> (i32, i32) {
    %c0_i32 = arith.constant 0 : i32
    %c0_i32_0 = arith.constant 0 : i32
    %c0_i32_1 = arith.constant 0 : i32
    return %c0_i32, %c0_i32_0 : i32, i32
  }
  func.func @transform_14(%arg0: i32) -> (i32, i32) {
    %c0_i32 = arith.constant 0 : i32
    %c0_i32_0 = arith.constant 0 : i32
    return %arg0, %c0_i32 : i32, i32
  }
  func.func @transform_15(%arg0: i32) -> (i32, i32) {
    %c0_i32 = arith.constant 0 : i32
    %c0_i32_0 = arith.constant 0 : i32
    return %arg0, %c0_i32 : i32, i32
  }
  func.func @transform_16(%arg0: i32) -> (i32, i32) {
    %c0_i32 = arith.constant 0 : i32
    %c0_i32_0 = arith.constant 0 : i32
    %c0_i32_1 = arith.constant 0 : i32
    return %c0_i32, %c0_i32_0 : i32, i32
  }
  func.func @transform_17(%arg0: i32) -> (i32, i32) {
    %c0_i32 = arith.constant 0 : i32
    %c0_i32_0 = arith.constant 0 : i32
    %c0_i32_1 = arith.constant 0 : i32
    return %c0_i32, %c0_i32_0 : i32, i32
  }
  func.func @transform_18(%arg0: i32) -> (i32, i32) {
    %c0_i32 = arith.constant 0 : i32
    %c0_i32_0 = arith.constant 0 : i32
    %c0_i32_1 = arith.constant 0 : i32
    return %c0_i32, %c0_i32_0 : i32, i32
  }
}

module attributes {stable_mosaic.version = 14 : i64} {
  func.func @_tcb_body(%arg0: i32, %arg1: memref<6400x128xf32, #tpu.memory_space<vmem>>, %arg2: memref<128x64xf32, #tpu.memory_space<vmem>>, %arg3: memref<1x64xf32, #tpu.memory_space<vmem>>, %arg4: memref<64x64xf32, #tpu.memory_space<vmem>>, %arg5: memref<1x64xf32, #tpu.memory_space<vmem>>, %arg6: memref<3200x128xf32, #tpu.memory_space<vmem>>) attributes {dimension_semantics = [#tpu.dimension_semantics<arbitrary>], iteration_bounds = array<i64: 50>, scalar_prefetch = 0 : i64, scratch_operands = 0 : i64, tpu.core_type = #tpu.core_type<tc>, window_params = [{transform_indices = @transform_0, window_bounds = array<i64: 6400, 128>}, {pipeline_mode = #tpu.pipeline_mode<synchronous>, transform_indices = @transform_1, window_bounds = array<i64: 128, 64>}, {pipeline_mode = #tpu.pipeline_mode<synchronous>, transform_indices = @transform_2, window_bounds = array<i64: 1, 64>}, {pipeline_mode = #tpu.pipeline_mode<synchronous>, transform_indices = @transform_3, window_bounds = array<i64: 64, 64>}, {pipeline_mode = #tpu.pipeline_mode<synchronous>, transform_indices = @transform_4, window_bounds = array<i64: 1, 64>}, {transform_indices = @transform_5, window_bounds = array<i64: 3200, 128>}]} {
    %get3A = arith.constant 0 : index
    %get3A_0 = arith.constant 0 : index
    %get3A_1 = vector.load %arg1[%get3A, %get3A_0] : memref<6400x128xf32, #tpu.memory_space<vmem>>, vector<6400x128xf32>
    %get3A_2 = arith.constant 0 : index
    %get3A_3 = arith.constant 0 : index
    %get3A_4 = vector.load %arg2[%get3A_2, %get3A_3] : memref<128x64xf32, #tpu.memory_space<vmem>>, vector<128x64xf32>
    %convert_element_type3A = arith.truncf %get3A_1 : vector<6400x128xf32> to vector<6400x128xbf16>
    %convert_element_type3A_5 = arith.truncf %get3A_4 : vector<128x64xf32> to vector<128x64xbf16>
    %dot_general3A = arith.constant dense<0.000000e+00> : vector<6400x64xf32>
    %dot_general3A_6 = tpu.matmul %convert_element_type3A, %convert_element_type3A_5, %dot_general3A {dimension_numbers = #tpu.dot_dimension_numbers<[1], [0], [0], [1], [0, 0, 1, 1], [], []>, transpose_lhs_hint = false} : vector<6400x128xbf16>, vector<128x64xbf16>, vector<6400x64xf32> -> vector<6400x64xf32>
    %get3A_7 = arith.constant 0 : index
    %get3A_8 = arith.constant 0 : index
    %get3A_9 = vector.load %arg3[%get3A_7, %get3A_8] : memref<1x64xf32, #tpu.memory_space<vmem>>, vector<1x64xf32>
    %add3A = vector.broadcast %get3A_9 : vector<1x64xf32> to vector<6400x64xf32>
    %add3A_10 = arith.addf %dot_general3A_6, %add3A : vector<6400x64xf32>
    %max3A = arith.constant 0.000000e+00 : f32
    %max3A_11 = vector.broadcast %max3A : f32 to vector<6400x64xf32>
    %max3A_12 = arith.maximumf %add3A_10, %max3A_11 : vector<6400x64xf32>
    %get3A_13 = arith.constant 0 : index
    %get3A_14 = arith.constant 0 : index
    %get3A_15 = vector.load %arg4[%get3A_13, %get3A_14] : memref<64x64xf32, #tpu.memory_space<vmem>>, vector<64x64xf32>
    %convert_element_type3A_16 = arith.truncf %max3A_12 : vector<6400x64xf32> to vector<6400x64xbf16>
    %convert_element_type3A_17 = arith.truncf %get3A_15 : vector<64x64xf32> to vector<64x64xbf16>
    %dot_general3A_18 = arith.constant dense<0.000000e+00> : vector<6400x64xf32>
    %dot_general3A_19 = tpu.matmul %convert_element_type3A_16, %convert_element_type3A_17, %dot_general3A_18 {dimension_numbers = #tpu.dot_dimension_numbers<[1], [0], [0], [1], [0, 0, 1, 1], [], []>, transpose_lhs_hint = false} : vector<6400x64xbf16>, vector<64x64xbf16>, vector<6400x64xf32> -> vector<6400x64xf32>
    %get3A_20 = arith.constant 0 : index
    %get3A_21 = arith.constant 0 : index
    %get3A_22 = vector.load %arg5[%get3A_20, %get3A_21] : memref<1x64xf32, #tpu.memory_space<vmem>>, vector<1x64xf32>
    %add3A_23 = vector.broadcast %get3A_22 : vector<1x64xf32> to vector<6400x64xf32>
    %add3A_24 = arith.addf %dot_general3A_19, %add3A_23 : vector<6400x64xf32>
    %max3A_25 = arith.constant 0.000000e+00 : f32
    %max3A_26 = vector.broadcast %max3A_25 : f32 to vector<6400x64xf32>
    %max3A_27 = arith.maximumf %add3A_24, %max3A_26 : vector<6400x64xf32>
    %slice3A = vector.extract_strided_slice %max3A_27 {offsets = [0, 0], sizes = [3200, 64], strides = [1, 1]} : vector<6400x64xf32> to vector<3200x64xf32>
    %slice3A_28 = vector.extract_strided_slice %max3A_27 {offsets = [3200, 0], sizes = [3200, 64], strides = [1, 1]} : vector<6400x64xf32> to vector<3200x64xf32>
    %concatenate3A = tpu.concatenate %slice3A, %slice3A_28 in 1 : vector<3200x64xf32>, vector<3200x64xf32> -> vector<3200x128xf32>
    %swap3A = arith.constant 0 : index
    %swap3A_29 = arith.constant 0 : index
    %swap3A_30 = vector.load %arg6[%swap3A, %swap3A_29] : memref<3200x128xf32, #tpu.memory_space<vmem>>, vector<3200x128xf32>
    tpu.vector_store %arg6[%swap3A, %swap3A_29], %concatenate3A {strides = array<i32>} : memref<3200x128xf32, #tpu.memory_space<vmem>>, vector<3200x128xf32>,
    return
  }
  func.func @transform_0(%arg0: i32) -> (i32, i32) {
    %c0_i32 = arith.constant 0 : i32
    %c0_i32_0 = arith.constant 0 : i32
    return %arg0, %c0_i32 : i32, i32
  }
  func.func @transform_1(%arg0: i32) -> (i32, i32) {
    %c0_i32 = arith.constant 0 : i32
    %c0_i32_0 = arith.constant 0 : i32
    %c0_i32_1 = arith.constant 0 : i32
    return %c0_i32, %c0_i32_0 : i32, i32
  }
  func.func @transform_2(%arg0: i32) -> (i32, i32) {
    %c0_i32 = arith.constant 0 : i32
    %c0_i32_0 = arith.constant 0 : i32
    %c0_i32_1 = arith.constant 0 : i32
    return %c0_i32, %c0_i32_0 : i32, i32
  }
  func.func @transform_3(%arg0: i32) -> (i32, i32) {
    %c0_i32 = arith.constant 0 : i32
    %c0_i32_0 = arith.constant 0 : i32
    %c0_i32_1 = arith.constant 0 : i32
    return %c0_i32, %c0_i32_0 : i32, i32
  }
  func.func @transform_4(%arg0: i32) -> (i32, i32) {
    %c0_i32 = arith.constant 0 : i32
    %c0_i32_0 = arith.constant 0 : i32
    %c0_i32_1 = arith.constant 0 : i32
    return %c0_i32, %c0_i32_0 : i32, i32
  }
  func.func @transform_5(%arg0: i32) -> (i32, i32) {
    %c0_i32 = arith.constant 0 : i32
    %c0_i32_0 = arith.constant 0 : i32
    return %arg0, %c0_i32 : i32, i32
  }
}

module attributes {stable_mosaic.version = 14 : i64} {
  func.func @_tcc_body(%arg0: i32, %arg1: memref<6400x128xf32, #tpu.memory_space<vmem>>, %arg2: memref<3200x128xf32, #tpu.memory_space<vmem>>, %arg3: memref<1x1x6400xi32, #tpu.memory_space<vmem>>, %arg4: memref<256x64xf32, #tpu.memory_space<vmem>>, %arg5: memref<256x64xf32, #tpu.memory_space<vmem>>, %arg6: memref<64x64xf32, #tpu.memory_space<vmem>>, %arg7: memref<1x64xf32, #tpu.memory_space<vmem>>, %arg8: memref<64x64xf32, #tpu.memory_space<vmem>>, %arg9: memref<1x64xf32, #tpu.memory_space<vmem>>, %arg10: memref<64x6400xf32, #tpu.memory_space<vmem>>, %arg11: memref<3200x128xf32, #tpu.memory_space<vmem>>, %arg12: memref<256x64xf32, #tpu.memory_space<vmem>>, %arg13: memref<256x1xf32, #tpu.memory_space<vmem>>) attributes {dimension_semantics = [#tpu.dimension_semantics<arbitrary>], iteration_bounds = array<i64: 50>, scalar_prefetch = 0 : i64, scratch_operands = 0 : i64, tpu.core_type = #tpu.core_type<tc>, window_params = [{transform_indices = @transform_0, window_bounds = array<i64: 6400, 128>}, {transform_indices = @transform_1, window_bounds = array<i64: 3200, 128>}, {transform_indices = @transform_2, window_bounds = array<i64: 1, 1, 6400>}, {pipeline_mode = #tpu.pipeline_mode<synchronous>, transform_indices = @transform_3, window_bounds = array<i64: 256, 64>}, {pipeline_mode = #tpu.pipeline_mode<synchronous>, transform_indices = @transform_4, window_bounds = array<i64: 256, 64>}, {pipeline_mode = #tpu.pipeline_mode<synchronous>, transform_indices = @transform_5, window_bounds = array<i64: 64, 64>}, {pipeline_mode = #tpu.pipeline_mode<synchronous>, transform_indices = @transform_6, window_bounds = array<i64: 1, 64>}, {pipeline_mode = #tpu.pipeline_mode<synchronous>, transform_indices = @transform_7, window_bounds = array<i64: 64, 64>}, {pipeline_mode = #tpu.pipeline_mode<synchronous>, transform_indices = @transform_8, window_bounds = array<i64: 1, 64>}, {transform_indices = @transform_9, window_bounds = array<i64: 64, 6400>}, {transform_indices = @transform_10, window_bounds = array<i64: 3200, 128>}, {pipeline_mode = #tpu.pipeline_mode<synchronous>, transform_indices = @transform_11, window_bounds = array<i64: 256, 64>}, {pipeline_mode = #tpu.pipeline_mode<synchronous>, transform_indices = @transform_12, window_bounds = array<i64: 256, 1>}]} {
    %get3A = arith.constant 0 : index
    %get3A_0 = arith.constant 0 : index
    %get3A_1 = vector.load %arg2[%get3A, %get3A_0] : memref<3200x128xf32, #tpu.memory_space<vmem>>, vector<3200x128xf32>
    %slice3A = vector.extract_strided_slice %get3A_1 {offsets = [0, 0], sizes = [3200, 64], strides = [1, 1]} : vector<3200x128xf32> to vector<3200x64xf32>
    %slice3A_2 = vector.extract_strided_slice %get3A_1 {offsets = [0, 64], sizes = [3200, 64], strides = [1, 1]} : vector<3200x128xf32> to vector<3200x64xf32>
    %concatenate3A = tpu.concatenate %slice3A, %slice3A_2 in 0 : vector<3200x64xf32>, vector<3200x64xf32> -> vector<6400x64xf32>
    %get3A_3 = arith.constant 0 : index
    %get3A_4 = arith.constant 0 : index
    %get3A_5 = arith.constant 0 : index
    %get3A_6 = vector.load %arg3[%get3A_3, %get3A_4, %get3A_5] : memref<1x1x6400xi32, #tpu.memory_space<vmem>>, vector<1x1x6400xi32>
    %get3A_7 = vector.shape_cast %get3A_6 : vector<1x1x6400xi32> to vector<6400xi32>
    %iota3A = tpu.iota {dimensions = array<i32: 1>} : vector<6400x256xi32>
    %broadcast_in_dim3A = vector.shape_cast %get3A_7 : vector<6400xi32> to vector<6400x1xi32>
    %eq3A = vector.broadcast %broadcast_in_dim3A : vector<6400x1xi32> to vector<6400x256xi32>
    %eq3A_8 = arith.cmpi eq, %iota3A, %eq3A : vector<6400x256xi32>
    %convert_element_type3A = arith.extui %eq3A_8 : vector<6400x256xi1> to vector<6400x256xi32>
    %convert_element_type3A_9 = arith.sitofp %convert_element_type3A : vector<6400x256xi32> to vector<6400x256xf32>
    %convert_element_type3A_10 = arith.truncf %convert_element_type3A_9 : vector<6400x256xf32> to vector<6400x256xbf16>
    %iota3A_11 = tpu.iota {dimensions = array<i32: 0>} : vector<256x6400xi32>
    %broadcast_in_dim3A_12 = vector.shape_cast %get3A_7 : vector<6400xi32> to vector<1x6400xi32>
    %eq3A_13 = vector.broadcast %broadcast_in_dim3A_12 : vector<1x6400xi32> to vector<256x6400xi32>
    %eq3A_14 = arith.cmpi eq, %iota3A_11, %eq3A_13 : vector<256x6400xi32>
    %get3A_15 = arith.constant 0 : index
    %get3A_16 = arith.constant 0 : index
    %get3A_17 = vector.load %arg4[%get3A_15, %get3A_16] : memref<256x64xf32, #tpu.memory_space<vmem>>, vector<256x64xf32>
    %convert_element_type3A_18 = arith.truncf %get3A_17 : vector<256x64xf32> to vector<256x64xbf16>
    %dot_general3A = arith.constant dense<0.000000e+00> : vector<6400x64xf32>
    %dot_general3A_19 = tpu.matmul %convert_element_type3A_10, %convert_element_type3A_18, %dot_general3A {dimension_numbers = #tpu.dot_dimension_numbers<[1], [0], [0], [1], [0, 0, 1, 1], [], []>, transpose_lhs_hint = false} : vector<6400x256xbf16>, vector<256x64xbf16>, vector<6400x64xf32> -> vector<6400x64xf32>
    %get3A_20 = arith.constant 0 : index
    %get3A_21 = arith.constant 0 : index
    %get3A_22 = vector.load %arg5[%get3A_20, %get3A_21] : memref<256x64xf32, #tpu.memory_space<vmem>>, vector<256x64xf32>
    %slice3A_23 = vector.extract_strided_slice %get3A_22 {offsets = [128, 0], sizes = [64, 64], strides = [1, 1]} : vector<256x64xf32> to vector<64x64xf32>
    %get3A_24 = arith.constant 0 : index
    %get3A_25 = arith.constant 0 : index
    %get3A_26 = vector.load %arg1[%get3A_24, %get3A_25] : memref<6400x128xf32, #tpu.memory_space<vmem>>, vector<6400x128xf32>
    %slice3A_27 = vector.extract_strided_slice %get3A_26 {offsets = [0, 0], sizes = [6400, 64], strides = [1, 1]} : vector<6400x128xf32> to vector<6400x64xf32>
    %slice3A_28 = vector.extract_strided_slice %get3A_26 {offsets = [0, 64], sizes = [6400, 64], strides = [1, 1]} : vector<6400x128xf32> to vector<6400x64xf32>
    %add3A = arith.addf %slice3A_27, %slice3A_28 : vector<6400x64xf32>
    %convert_element_type3A_29 = arith.truncf %concatenate3A : vector<6400x64xf32> to vector<6400x64xbf16>
    %convert_element_type3A_30 = arith.truncf %slice3A_23 : vector<64x64xf32> to vector<64x64xbf16>
    %dot_general3A_31 = arith.constant dense<0.000000e+00> : vector<6400x64xf32>
    %dot_general3A_32 = tpu.matmul %convert_element_type3A_29, %convert_element_type3A_30, %dot_general3A_31 {dimension_numbers = #tpu.dot_dimension_numbers<[1], [0], [0], [1], [0, 0, 1, 1], [], []>, transpose_lhs_hint = false} : vector<6400x64xbf16>, vector<64x64xbf16>, vector<6400x64xf32> -> vector<6400x64xf32>
    %add3A_33 = arith.addf %add3A, %dot_general3A_32 : vector<6400x64xf32>
    %add3A_34 = arith.addf %add3A_33, %dot_general3A_19 : vector<6400x64xf32>
    %max3A = arith.constant 0.000000e+00 : f32
    %max3A_35 = vector.broadcast %max3A : f32 to vector<6400x64xf32>
    %max3A_36 = arith.maximumf %add3A_34, %max3A_35 : vector<6400x64xf32>
    %get3A_37 = arith.constant 0 : index
    %get3A_38 = arith.constant 0 : index
    %get3A_39 = vector.load %arg6[%get3A_37, %get3A_38] : memref<64x64xf32, #tpu.memory_space<vmem>>, vector<64x64xf32>
    %convert_element_type3A_40 = arith.truncf %max3A_36 : vector<6400x64xf32> to vector<6400x64xbf16>
    %convert_element_type3A_41 = arith.truncf %get3A_39 : vector<64x64xf32> to vector<64x64xbf16>
    %dot_general3A_42 = arith.constant dense<0.000000e+00> : vector<6400x64xf32>
    %dot_general3A_43 = tpu.matmul %convert_element_type3A_40, %convert_element_type3A_41, %dot_general3A_42 {dimension_numbers = #tpu.dot_dimension_numbers<[1], [0], [0], [1], [0, 0, 1, 1], [], []>, transpose_lhs_hint = false} : vector<6400x64xbf16>, vector<64x64xbf16>, vector<6400x64xf32> -> vector<6400x64xf32>
    %get3A_44 = arith.constant 0 : index
    %get3A_45 = arith.constant 0 : index
    %get3A_46 = vector.load %arg7[%get3A_44, %get3A_45] : memref<1x64xf32, #tpu.memory_space<vmem>>, vector<1x64xf32>
    %add3A_47 = vector.broadcast %get3A_46 : vector<1x64xf32> to vector<6400x64xf32>
    %add3A_48 = arith.addf %dot_general3A_43, %add3A_47 : vector<6400x64xf32>
    %max3A_49 = arith.constant 0.000000e+00 : f32
    %max3A_50 = vector.broadcast %max3A_49 : f32 to vector<6400x64xf32>
    %max3A_51 = arith.maximumf %add3A_48, %max3A_50 : vector<6400x64xf32>
    %get3A_52 = arith.constant 0 : index
    %get3A_53 = arith.constant 0 : index
    %get3A_54 = vector.load %arg8[%get3A_52, %get3A_53] : memref<64x64xf32, #tpu.memory_space<vmem>>, vector<64x64xf32>
    %convert_element_type3A_55 = arith.truncf %max3A_51 : vector<6400x64xf32> to vector<6400x64xbf16>
    %convert_element_type3A_56 = arith.truncf %get3A_54 : vector<64x64xf32> to vector<64x64xbf16>
    %dot_general3A_57 = arith.constant dense<0.000000e+00> : vector<6400x64xf32>
    %dot_general3A_58 = tpu.matmul %convert_element_type3A_55, %convert_element_type3A_56, %dot_general3A_57 {dimension_numbers = #tpu.dot_dimension_numbers<[1], [0], [0], [1], [0, 0, 1, 1], [], []>, transpose_lhs_hint = false} : vector<6400x64xbf16>, vector<64x64xbf16>, vector<6400x64xf32> -> vector<6400x64xf32>
    %get3A_59 = arith.constant 0 : index
    %get3A_60 = arith.constant 0 : index
    %get3A_61 = vector.load %arg9[%get3A_59, %get3A_60] : memref<1x64xf32, #tpu.memory_space<vmem>>, vector<1x64xf32>
    %add3A_62 = vector.broadcast %get3A_61 : vector<1x64xf32> to vector<6400x64xf32>
    %add3A_63 = arith.addf %dot_general3A_58, %add3A_62 : vector<6400x64xf32>
    %max3A_64 = arith.constant 0.000000e+00 : f32
    %max3A_65 = vector.broadcast %max3A_64 : f32 to vector<6400x64xf32>
    %max3A_66 = arith.maximumf %add3A_63, %max3A_65 : vector<6400x64xf32>
    %add3A_67 = arith.addf %max3A_66, %concatenate3A : vector<6400x64xf32>
    %transpose3A = tpu.transpose %add3A_67, [1, 0] : vector<6400x64xf32> -> vector<64x6400xf32>
    %swap3A = arith.constant 0 : index
    %swap3A_68 = arith.constant 0 : index
    %swap3A_69 = vector.load %arg10[%swap3A, %swap3A_68] : memref<64x6400xf32, #tpu.memory_space<vmem>>, vector<64x6400xf32>
    tpu.vector_store %arg10[%swap3A, %swap3A_68], %transpose3A {strides = array<i32>} : memref<64x6400xf32, #tpu.memory_space<vmem>>, vector<64x6400xf32>,
    %slice3A_70 = vector.extract_strided_slice %max3A_66 {offsets = [0, 0], sizes = [3200, 64], strides = [1, 1]} : vector<6400x64xf32> to vector<3200x64xf32>
    %slice3A_71 = vector.extract_strided_slice %max3A_66 {offsets = [3200, 0], sizes = [3200, 64], strides = [1, 1]} : vector<6400x64xf32> to vector<3200x64xf32>
    %concatenate3A_72 = tpu.concatenate %slice3A_70, %slice3A_71 in 1 : vector<3200x64xf32>, vector<3200x64xf32> -> vector<3200x128xf32>
    %swap3A_73 = arith.constant 0 : index
    %swap3A_74 = arith.constant 0 : index
    %swap3A_75 = vector.load %arg11[%swap3A_73, %swap3A_74] : memref<3200x128xf32, #tpu.memory_space<vmem>>, vector<3200x128xf32>
    tpu.vector_store %arg11[%swap3A_73, %swap3A_74], %concatenate3A_72 {strides = array<i32>} : memref<3200x128xf32, #tpu.memory_space<vmem>>, vector<3200x128xf32>,
    %eq3A_76 = arith.constant 0 : i32
    %eq3A_77 = arith.cmpi eq, %arg0, %eq3A_76 : i32
    %convert_element_type3A_78 = arith.extui %eq3A_77 : i1 to i32
    %cond3A = arith.constant 0 : i32
    %cond3A_79 = arith.cmpi ne, %convert_element_type3A_78, %cond3A : i32
    scf.if %cond3A_79 {
      %broadcast_in_dim3A_104 = arith.constant 0.000000e+00 : f32
      %broadcast_in_dim3A_105 = vector.broadcast %broadcast_in_dim3A_104 : f32 to vector<256x64xf32>
      %swap3A_106 = arith.constant 0 : index
      %swap3A_107 = arith.constant 0 : index
      %swap3A_108 = vector.load %arg12[%swap3A_106, %swap3A_107] : memref<256x64xf32, #tpu.memory_space<vmem>>, vector<256x64xf32>
      tpu.vector_store %arg12[%swap3A_106, %swap3A_107], %broadcast_in_dim3A_105 {strides = array<i32>} : memref<256x64xf32, #tpu.memory_space<vmem>>, vector<256x64xf32>,
      %broadcast_in_dim3A_109 = arith.constant 0.000000e+00 : f32
      %broadcast_in_dim3A_110 = vector.broadcast %broadcast_in_dim3A_109 : f32 to vector<256x1xf32>
      %swap3A_111 = arith.constant 0 : index
      %swap3A_112 = arith.constant 0 : index
      %swap3A_113 = vector.load %arg13[%swap3A_111, %swap3A_112] : memref<256x1xf32, #tpu.memory_space<vmem>>, vector<256x1xf32>
      tpu.vector_store %arg13[%swap3A_111, %swap3A_112], %broadcast_in_dim3A_110 {strides = array<i32>} : memref<256x1xf32, #tpu.memory_space<vmem>>, vector<256x1xf32>,
    } else {
    }
    %get3A_80 = arith.constant 0 : index
    %get3A_81 = arith.constant 0 : index
    %get3A_82 = vector.load %arg12[%get3A_80, %get3A_81] : memref<256x64xf32, #tpu.memory_space<vmem>>, vector<256x64xf32>
    %convert_element_type3A_83 = arith.extui %eq3A_14 : vector<256x6400xi1> to vector<256x6400xi32>
    %convert_element_type3A_84 = arith.sitofp %convert_element_type3A_83 : vector<256x6400xi32> to vector<256x6400xf32>
    %convert_element_type3A_85 = arith.truncf %convert_element_type3A_84 : vector<256x6400xf32> to vector<256x6400xbf16>
    %convert_element_type3A_86 = arith.truncf %max3A_66 : vector<6400x64xf32> to vector<6400x64xbf16>
    %dot_general3A_87 = arith.constant dense<0.000000e+00> : vector<256x64xf32>
    %dot_general3A_88 = tpu.matmul %convert_element_type3A_85, %convert_element_type3A_86, %dot_general3A_87 {dimension_numbers = #tpu.dot_dimension_numbers<[1], [0], [0], [1], [0, 0, 1, 1], [], []>, transpose_lhs_hint = false} : vector<256x6400xbf16>, vector<6400x64xbf16>, vector<256x64xf32> -> vector<256x64xf32>
    %add3A_89 = arith.addf %get3A_82, %dot_general3A_88 : vector<256x64xf32>
    %swap3A_90 = arith.constant 0 : index
    %swap3A_91 = arith.constant 0 : index
    %swap3A_92 = vector.load %arg12[%swap3A_90, %swap3A_91] : memref<256x64xf32, #tpu.memory_space<vmem>>, vector<256x64xf32>
    tpu.vector_store %arg12[%swap3A_90, %swap3A_91], %add3A_89 {strides = array<i32>} : memref<256x64xf32, #tpu.memory_space<vmem>>, vector<256x64xf32>,
    %get3A_93 = arith.constant 0 : index
    %get3A_94 = arith.constant 0 : index
    %get3A_95 = vector.load %arg13[%get3A_93, %get3A_94] : memref<256x1xf32, #tpu.memory_space<vmem>>, vector<256x1xf32>
    %convert_element_type3A_96 = arith.extui %eq3A_14 : vector<256x6400xi1> to vector<256x6400xi32>
    %convert_element_type3A_97 = arith.sitofp %convert_element_type3A_96 : vector<256x6400xi32> to vector<256x6400xf32>
    %reduce_sum3A = arith.constant dense<0.000000e+00> : vector<256xf32>
    %reduce_sum3A_98 = vector.multi_reduction <add>, %convert_element_type3A_97, %reduce_sum3A [1] : vector<256x6400xf32> to vector<256xf32>
    %broadcast_in_dim3A_99 = vector.shape_cast %reduce_sum3A_98 : vector<256xf32> to vector<256x1xf32>
    %add3A_100 = arith.addf %get3A_95, %broadcast_in_dim3A_99 : vector<256x1xf32>
    %swap3A_101 = arith.constant 0 : index
    %swap3A_102 = arith.constant 0 : index
    %swap3A_103 = vector.load %arg13[%swap3A_101, %swap3A_102] : memref<256x1xf32, #tpu.memory_space<vmem>>, vector<256x1xf32>
    tpu.vector_store %arg13[%swap3A_101, %swap3A_102], %add3A_100 {strides = array<i32>} : memref<256x1xf32, #tpu.memory_space<vmem>>, vector<256x1xf32>,
    return
  }
  func.func @transform_0(%arg0: i32) -> (i32, i32) {
    %c0_i32 = arith.constant 0 : i32
    %c0_i32_0 = arith.constant 0 : i32
    return %arg0, %c0_i32 : i32, i32
  }
  func.func @transform_1(%arg0: i32) -> (i32, i32) {
    %c0_i32 = arith.constant 0 : i32
    %c0_i32_0 = arith.constant 0 : i32
    return %arg0, %c0_i32 : i32, i32
  }
  func.func @transform_2(%arg0: i32) -> (i32, i32, i32) {
    %c0_i32 = arith.constant 0 : i32
    %c0_i32_0 = arith.constant 0 : i32
    %c0_i32_1 = arith.constant 0 : i32
    return %arg0, %c0_i32, %c0_i32_0 : i32, i32, i32
  }
  func.func @transform_3(%arg0: i32) -> (i32, i32) {
    %c0_i32 = arith.constant 0 : i32
    %c0_i32_0 = arith.constant 0 : i32
    %c0_i32_1 = arith.constant 0 : i32
    return %c0_i32, %c0_i32_0 : i32, i32
  }
  func.func @transform_4(%arg0: i32) -> (i32, i32) {
    %c0_i32 = arith.constant 0 : i32
    %c0_i32_0 = arith.constant 0 : i32
    %c0_i32_1 = arith.constant 0 : i32
    return %c0_i32, %c0_i32_0 : i32, i32
  }
  func.func @transform_5(%arg0: i32) -> (i32, i32) {
    %c0_i32 = arith.constant 0 : i32
    %c0_i32_0 = arith.constant 0 : i32
    %c0_i32_1 = arith.constant 0 : i32
    return %c0_i32, %c0_i32_0 : i32, i32
  }
  func.func @transform_6(%arg0: i32) -> (i32, i32) {
    %c0_i32 = arith.constant 0 : i32
    %c0_i32_0 = arith.constant 0 : i32
    %c0_i32_1 = arith.constant 0 : i32
    return %c0_i32, %c0_i32_0 : i32, i32
  }
  func.func @transform_7(%arg0: i32) -> (i32, i32) {
    %c0_i32 = arith.constant 0 : i32
    %c0_i32_0 = arith.constant 0 : i32
    %c0_i32_1 = arith.constant 0 : i32
    return %c0_i32, %c0_i32_0 : i32, i32
  }
  func.func @transform_8(%arg0: i32) -> (i32, i32) {
    %c0_i32 = arith.constant 0 : i32
    %c0_i32_0 = arith.constant 0 : i32
    %c0_i32_1 = arith.constant 0 : i32
    return %c0_i32, %c0_i32_0 : i32, i32
  }
  func.func @transform_9(%arg0: i32) -> (i32, i32) {
    %c0_i32 = arith.constant 0 : i32
    %c0_i32_0 = arith.constant 0 : i32
    return %c0_i32, %arg0 : i32, i32
  }
  func.func @transform_10(%arg0: i32) -> (i32, i32) {
    %c0_i32 = arith.constant 0 : i32
    %c0_i32_0 = arith.constant 0 : i32
    return %arg0, %c0_i32 : i32, i32
  }
  func.func @transform_11(%arg0: i32) -> (i32, i32) {
    %c0_i32 = arith.constant 0 : i32
    %c0_i32_0 = arith.constant 0 : i32
    %c0_i32_1 = arith.constant 0 : i32
    return %c0_i32, %c0_i32_0 : i32, i32
  }
  func.func @transform_12(%arg0: i32) -> (i32, i32) {
    %c0_i32 = arith.constant 0 : i32
    %c0_i32_0 = arith.constant 0 : i32
    %c0_i32_1 = arith.constant 0 : i32
    return %c0_i32, %c0_i32_0 : i32, i32
  }
}

module attributes {stable_mosaic.version = 14 : i64} {
  func.func @_tce_body(%arg0: i32, %arg1: memref<2x2000x64xf32, #tpu.memory_space<vmem>>, %arg2: memref<2x2000x16xf32, #tpu.memory_space<vmem>>, %arg3: memref<2000x64xf32, #tpu.memory_space<vmem>>, %arg4: memref<1x1x2000xi32, #tpu.memory_space<vmem>>, %arg5: memref<256x64xf32, #tpu.memory_space<vmem>>, %arg6: memref<192x64xf32, #tpu.memory_space<vmem>>, %arg7: memref<64x64xf32, #tpu.memory_space<vmem>>, %arg8: memref<1x64xf32, #tpu.memory_space<vmem>>, %arg9: memref<64x64xf32, #tpu.memory_space<vmem>>, %arg10: memref<1x64xf32, #tpu.memory_space<vmem>>, %arg11: memref<256x64xf32, #tpu.memory_space<vmem>>, %arg12: memref<256x1xf32, #tpu.memory_space<vmem>>, %arg13: memref<256x64xf32, #tpu.memory_space<vmem>>, %arg14: memref<192x64xf32, #tpu.memory_space<vmem>>, %arg15: memref<1x64xf32, #tpu.memory_space<vmem>>, %arg16: memref<64x64xf32, #tpu.memory_space<vmem>>, %arg17: memref<1x64xf32, #tpu.memory_space<vmem>>, %arg18: memref<64x64xf32, #tpu.memory_space<vmem>>, %arg19: memref<1x64xf32, #tpu.memory_space<vmem>>, %arg20: memref<2000x64xf32, #tpu.memory_space<vmem>>, %arg21: memref<256x64xf32, #tpu.memory_space<vmem>>, %arg22: memref<256x1xf32, #tpu.memory_space<vmem>>, %arg23: memref<256x64xf32, #tpu.memory_space<vmem>>) attributes {dimension_semantics = [#tpu.dimension_semantics<arbitrary>], iteration_bounds = array<i64: 5>, scalar_prefetch = 0 : i64, scratch_operands = 0 : i64, tpu.core_type = #tpu.core_type<tc>, window_params = [{transform_indices = @transform_0, window_bounds = array<i64: 2, 2000, 64>}, {transform_indices = @transform_1, window_bounds = array<i64: 2, 2000, 16>}, {transform_indices = @transform_2, window_bounds = array<i64: 2000, 64>}, {transform_indices = @transform_3, window_bounds = array<i64: 1, 1, 2000>}, {pipeline_mode = #tpu.pipeline_mode<synchronous>, transform_indices = @transform_4, window_bounds = array<i64: 256, 64>}, {pipeline_mode = #tpu.pipeline_mode<synchronous>, transform_indices = @transform_5, window_bounds = array<i64: 192, 64>}, {pipeline_mode = #tpu.pipeline_mode<synchronous>, transform_indices = @transform_6, window_bounds = array<i64: 64, 64>}, {pipeline_mode = #tpu.pipeline_mode<synchronous>, transform_indices = @transform_7, window_bounds = array<i64: 1, 64>}, {pipeline_mode = #tpu.pipeline_mode<synchronous>, transform_indices = @transform_8, window_bounds = array<i64: 64, 64>}, {pipeline_mode = #tpu.pipeline_mode<synchronous>, transform_indices = @transform_9, window_bounds = array<i64: 1, 64>}, {pipeline_mode = #tpu.pipeline_mode<synchronous>, transform_indices = @transform_10, window_bounds = array<i64: 256, 64>}, {pipeline_mode = #tpu.pipeline_mode<synchronous>, transform_indices = @transform_11, window_bounds = array<i64: 256, 1>}, {pipeline_mode = #tpu.pipeline_mode<synchronous>, transform_indices = @transform_12, window_bounds = array<i64: 256, 64>}, {pipeline_mode = #tpu.pipeline_mode<synchronous>, transform_indices = @transform_13, window_bounds = array<i64: 192, 64>}, {pipeline_mode = #tpu.pipeline_mode<synchronous>, transform_indices = @transform_14, window_bounds = array<i64: 1, 64>}, {pipeline_mode = #tpu.pipeline_mode<synchronous>, transform_indices = @transform_15, window_bounds = array<i64: 64, 64>}, {pipeline_mode = #tpu.pipeline_mode<synchronous>, transform_indices = @transform_16, window_bounds = array<i64: 1, 64>}, {pipeline_mode = #tpu.pipeline_mode<synchronous>, transform_indices = @transform_17, window_bounds = array<i64: 64, 64>}, {pipeline_mode = #tpu.pipeline_mode<synchronous>, transform_indices = @transform_18, window_bounds = array<i64: 1, 64>}, {transform_indices = @transform_19, window_bounds = array<i64: 2000, 64>}, {pipeline_mode = #tpu.pipeline_mode<synchronous>, transform_indices = @transform_20, window_bounds = array<i64: 256, 64>}, {pipeline_mode = #tpu.pipeline_mode<synchronous>, transform_indices = @transform_21, window_bounds = array<i64: 256, 1>}, {pipeline_mode = #tpu.pipeline_mode<synchronous>, transform_indices = @transform_22, window_bounds = array<i64: 256, 64>}]} {
    %get3A = arith.constant 0 : index
    %get3A_0 = arith.constant 0 : index
    %get3A_1 = arith.constant 0 : index
    %get3A_2 = vector.load %arg1[%get3A, %get3A_0, %get3A_1] : memref<2x2000x64xf32, #tpu.memory_space<vmem>>, vector<1x2000x64xf32>
    %get3A_3 = vector.shape_cast %get3A_2 : vector<1x2000x64xf32> to vector<2000x64xf32>
    %get3A_4 = arith.constant 1 : index
    %get3A_5 = arith.constant 0 : index
    %get3A_6 = arith.constant 0 : index
    %get3A_7 = vector.load %arg1[%get3A_4, %get3A_5, %get3A_6] : memref<2x2000x64xf32, #tpu.memory_space<vmem>>, vector<1x2000x64xf32>
    %get3A_8 = vector.shape_cast %get3A_7 : vector<1x2000x64xf32> to vector<2000x64xf32>
    %add3A = arith.addf %get3A_3, %get3A_8 : vector<2000x64xf32>
    %get3A_9 = arith.constant 0 : index
    %get3A_10 = arith.constant 0 : index
    %get3A_11 = arith.constant 0 : index
    %get3A_12 = vector.load %arg2[%get3A_9, %get3A_10, %get3A_11] : memref<2x2000x16xf32, #tpu.memory_space<vmem>>, vector<1x2000x1xf32>
    %get3A_13 = vector.shape_cast %get3A_12 : vector<1x2000x1xf32> to vector<2000x1xf32>
    %get3A_14 = arith.constant 1 : index
    %get3A_15 = arith.constant 0 : index
    %get3A_16 = arith.constant 0 : index
    %get3A_17 = vector.load %arg2[%get3A_14, %get3A_15, %get3A_16] : memref<2x2000x16xf32, #tpu.memory_space<vmem>>, vector<1x2000x1xf32>
    %get3A_18 = vector.shape_cast %get3A_17 : vector<1x2000x1xf32> to vector<2000x1xf32>
    %add3A_19 = arith.addf %get3A_13, %get3A_18 : vector<2000x1xf32>
    %max3A = arith.constant 1.000000e+00 : f32
    %max3A_20 = vector.broadcast %max3A : f32 to vector<2000x1xf32>
    %max3A_21 = arith.maximumf %add3A_19, %max3A_20 : vector<2000x1xf32>
    %div3A = vector.broadcast %max3A_21 : vector<2000x1xf32> to vector<2000x64xf32>
    %div3A_22 = arith.divf %add3A, %div3A : vector<2000x64xf32>
    %get3A_23 = arith.constant 0 : index
    %get3A_24 = arith.constant 0 : index
    %get3A_25 = vector.load %arg3[%get3A_23, %get3A_24] : memref<2000x64xf32, #tpu.memory_space<vmem>>, vector<2000x64xf32>
    %get3A_26 = arith.constant 0 : index
    %get3A_27 = arith.constant 0 : index
    %get3A_28 = arith.constant 0 : index
    %get3A_29 = vector.load %arg4[%get3A_26, %get3A_27, %get3A_28] : memref<1x1x2000xi32, #tpu.memory_space<vmem>>, vector<1x1x2000xi32>
    %get3A_30 = vector.shape_cast %get3A_29 : vector<1x1x2000xi32> to vector<2000xi32>
    %iota3A = tpu.iota {dimensions = array<i32: 1>} : vector<2000x256xi32>
    %broadcast_in_dim3A = vector.shape_cast %get3A_30 : vector<2000xi32> to vector<2000x1xi32>
    %eq3A = vector.broadcast %broadcast_in_dim3A : vector<2000x1xi32> to vector<2000x256xi32>
    %eq3A_31 = arith.cmpi eq, %iota3A, %eq3A : vector<2000x256xi32>
    %convert_element_type3A = arith.extui %eq3A_31 : vector<2000x256xi1> to vector<2000x256xi32>
    %convert_element_type3A_32 = arith.sitofp %convert_element_type3A : vector<2000x256xi32> to vector<2000x256xf32>
    %convert_element_type3A_33 = arith.truncf %convert_element_type3A_32 : vector<2000x256xf32> to vector<2000x256xbf16>
    %iota3A_34 = tpu.iota {dimensions = array<i32: 0>} : vector<256x2000xi32>
    %broadcast_in_dim3A_35 = vector.shape_cast %get3A_30 : vector<2000xi32> to vector<1x2000xi32>
    %eq3A_36 = vector.broadcast %broadcast_in_dim3A_35 : vector<1x2000xi32> to vector<256x2000xi32>
    %eq3A_37 = arith.cmpi eq, %iota3A_34, %eq3A_36 : vector<256x2000xi32>
    %get3A_38 = arith.constant 0 : index
    %get3A_39 = arith.constant 0 : index
    %get3A_40 = vector.load %arg6[%get3A_38, %get3A_39] : memref<192x64xf32, #tpu.memory_space<vmem>>, vector<192x64xf32>
    %get3A_41 = arith.constant 0 : index
    %get3A_42 = arith.constant 0 : index
    %get3A_43 = vector.load %arg5[%get3A_41, %get3A_42] : memref<256x64xf32, #tpu.memory_space<vmem>>, vector<256x64xf32>
    %convert_element_type3A_44 = arith.truncf %get3A_43 : vector<256x64xf32> to vector<256x64xbf16>
    %dot_general3A = arith.constant dense<0.000000e+00> : vector<2000x64xf32>
    %dot_general3A_45 = tpu.matmul %convert_element_type3A_33, %convert_element_type3A_44, %dot_general3A {dimension_numbers = #tpu.dot_dimension_numbers<[1], [0], [0], [1], [0, 0, 1, 1], [], []>, transpose_lhs_hint = false} : vector<2000x256xbf16>, vector<256x64xbf16>, vector<2000x64xf32> -> vector<2000x64xf32>
    %slice3A = vector.extract_strided_slice %get3A_40 {offsets = [0, 0], sizes = [64, 64], strides = [1, 1]} : vector<192x64xf32> to vector<64x64xf32>
    %convert_element_type3A_46 = arith.truncf %div3A_22 : vector<2000x64xf32> to vector<2000x64xbf16>
    %convert_element_type3A_47 = arith.truncf %slice3A : vector<64x64xf32> to vector<64x64xbf16>
    %dot_general3A_48 = arith.constant dense<0.000000e+00> : vector<2000x64xf32>
    %dot_general3A_49 = tpu.matmul %convert_element_type3A_46, %convert_element_type3A_47, %dot_general3A_48 {dimension_numbers = #tpu.dot_dimension_numbers<[1], [0], [0], [1], [0, 0, 1, 1], [], []>, transpose_lhs_hint = false} : vector<2000x64xbf16>, vector<64x64xbf16>, vector<2000x64xf32> -> vector<2000x64xf32>
    %slice3A_50 = vector.extract_strided_slice %get3A_40 {offsets = [64, 0], sizes = [64, 64], strides = [1, 1]} : vector<192x64xf32> to vector<64x64xf32>
    %convert_element_type3A_51 = arith.truncf %get3A_25 : vector<2000x64xf32> to vector<2000x64xbf16>
    %convert_element_type3A_52 = arith.truncf %slice3A_50 : vector<64x64xf32> to vector<64x64xbf16>
    %dot_general3A_53 = arith.constant dense<0.000000e+00> : vector<2000x64xf32>
    %dot_general3A_54 = tpu.matmul %convert_element_type3A_51, %convert_element_type3A_52, %dot_general3A_53 {dimension_numbers = #tpu.dot_dimension_numbers<[1], [0], [0], [1], [0, 0, 1, 1], [], []>, transpose_lhs_hint = false} : vector<2000x64xbf16>, vector<64x64xbf16>, vector<2000x64xf32> -> vector<2000x64xf32>
    %add3A_55 = arith.addf %dot_general3A_49, %dot_general3A_54 : vector<2000x64xf32>
    %add3A_56 = arith.addf %add3A_55, %dot_general3A_45 : vector<2000x64xf32>
    %max3A_57 = arith.constant 0.000000e+00 : f32
    %max3A_58 = vector.broadcast %max3A_57 : f32 to vector<2000x64xf32>
    %max3A_59 = arith.maximumf %add3A_56, %max3A_58 : vector<2000x64xf32>
    %get3A_60 = arith.constant 0 : index
    %get3A_61 = arith.constant 0 : index
    %get3A_62 = vector.load %arg7[%get3A_60, %get3A_61] : memref<64x64xf32, #tpu.memory_space<vmem>>, vector<64x64xf32>
    %convert_element_type3A_63 = arith.truncf %max3A_59 : vector<2000x64xf32> to vector<2000x64xbf16>
    %convert_element_type3A_64 = arith.truncf %get3A_62 : vector<64x64xf32> to vector<64x64xbf16>
    %dot_general3A_65 = arith.constant dense<0.000000e+00> : vector<2000x64xf32>
    %dot_general3A_66 = tpu.matmul %convert_element_type3A_63, %convert_element_type3A_64, %dot_general3A_65 {dimension_numbers = #tpu.dot_dimension_numbers<[1], [0], [0], [1], [0, 0, 1, 1], [], []>, transpose_lhs_hint = false} : vector<2000x64xbf16>, vector<64x64xbf16>, vector<2000x64xf32> -> vector<2000x64xf32>
    %get3A_67 = arith.constant 0 : index
    %get3A_68 = arith.constant 0 : index
    %get3A_69 = vector.load %arg8[%get3A_67, %get3A_68] : memref<1x64xf32, #tpu.memory_space<vmem>>, vector<1x64xf32>
    %add3A_70 = vector.broadcast %get3A_69 : vector<1x64xf32> to vector<2000x64xf32>
    %add3A_71 = arith.addf %dot_general3A_66, %add3A_70 : vector<2000x64xf32>
    %max3A_72 = arith.constant 0.000000e+00 : f32
    %max3A_73 = vector.broadcast %max3A_72 : f32 to vector<2000x64xf32>
    %max3A_74 = arith.maximumf %add3A_71, %max3A_73 : vector<2000x64xf32>
    %get3A_75 = arith.constant 0 : index
    %get3A_76 = arith.constant 0 : index
    %get3A_77 = vector.load %arg9[%get3A_75, %get3A_76] : memref<64x64xf32, #tpu.memory_space<vmem>>, vector<64x64xf32>
    %convert_element_type3A_78 = arith.truncf %max3A_74 : vector<2000x64xf32> to vector<2000x64xbf16>
    %convert_element_type3A_79 = arith.truncf %get3A_77 : vector<64x64xf32> to vector<64x64xbf16>
    %dot_general3A_80 = arith.constant dense<0.000000e+00> : vector<2000x64xf32>
    %dot_general3A_81 = tpu.matmul %convert_element_type3A_78, %convert_element_type3A_79, %dot_general3A_80 {dimension_numbers = #tpu.dot_dimension_numbers<[1], [0], [0], [1], [0, 0, 1, 1], [], []>, transpose_lhs_hint = false} : vector<2000x64xbf16>, vector<64x64xbf16>, vector<2000x64xf32> -> vector<2000x64xf32>
    %get3A_82 = arith.constant 0 : index
    %get3A_83 = arith.constant 0 : index
    %get3A_84 = vector.load %arg10[%get3A_82, %get3A_83] : memref<1x64xf32, #tpu.memory_space<vmem>>, vector<1x64xf32>
    %add3A_85 = vector.broadcast %get3A_84 : vector<1x64xf32> to vector<2000x64xf32>
    %add3A_86 = arith.addf %dot_general3A_81, %add3A_85 : vector<2000x64xf32>
    %max3A_87 = arith.constant 0.000000e+00 : f32
    %max3A_88 = vector.broadcast %max3A_87 : f32 to vector<2000x64xf32>
    %max3A_89 = arith.maximumf %add3A_86, %max3A_88 : vector<2000x64xf32>
    %add3A_90 = arith.addf %max3A_89, %get3A_25 : vector<2000x64xf32>
    %swap3A = arith.constant 0 : index
    %swap3A_91 = arith.constant 0 : index
    %swap3A_92 = vector.load %arg20[%swap3A, %swap3A_91] : memref<2000x64xf32, #tpu.memory_space<vmem>>, vector<2000x64xf32>
    tpu.vector_store %arg20[%swap3A, %swap3A_91], %add3A_90 {strides = array<i32>} : memref<2000x64xf32, #tpu.memory_space<vmem>>, vector<2000x64xf32>,
    %eq3A_93 = arith.constant 0 : i32
    %eq3A_94 = arith.cmpi eq, %arg0, %eq3A_93 : i32
    %convert_element_type3A_95 = arith.extui %eq3A_94 : i1 to i32
    %cond3A = arith.constant 0 : i32
    %cond3A_96 = arith.cmpi ne, %convert_element_type3A_95, %cond3A : i32
    scf.if %cond3A_96 {
      %broadcast_in_dim3A_126 = arith.constant 0.000000e+00 : f32
      %broadcast_in_dim3A_127 = vector.broadcast %broadcast_in_dim3A_126 : f32 to vector<256x64xf32>
      %swap3A_128 = arith.constant 0 : index
      %swap3A_129 = arith.constant 0 : index
      %swap3A_130 = vector.load %arg21[%swap3A_128, %swap3A_129] : memref<256x64xf32, #tpu.memory_space<vmem>>, vector<256x64xf32>
      tpu.vector_store %arg21[%swap3A_128, %swap3A_129], %broadcast_in_dim3A_127 {strides = array<i32>} : memref<256x64xf32, #tpu.memory_space<vmem>>, vector<256x64xf32>,
      %broadcast_in_dim3A_131 = arith.constant 0.000000e+00 : f32
      %broadcast_in_dim3A_132 = vector.broadcast %broadcast_in_dim3A_131 : f32 to vector<256x1xf32>
      %swap3A_133 = arith.constant 0 : index
      %swap3A_134 = arith.constant 0 : index
      %swap3A_135 = vector.load %arg22[%swap3A_133, %swap3A_134] : memref<256x1xf32, #tpu.memory_space<vmem>>, vector<256x1xf32>
      tpu.vector_store %arg22[%swap3A_133, %swap3A_134], %broadcast_in_dim3A_132 {strides = array<i32>} : memref<256x1xf32, #tpu.memory_space<vmem>>, vector<256x1xf32>,
    } else {
    }
    %get3A_97 = arith.constant 0 : index
    %get3A_98 = arith.constant 0 : index
    %get3A_99 = vector.load %arg21[%get3A_97, %get3A_98] : memref<256x64xf32, #tpu.memory_space<vmem>>, vector<256x64xf32>
    %convert_element_type3A_100 = arith.extui %eq3A_37 : vector<256x2000xi1> to vector<256x2000xi32>
    %convert_element_type3A_101 = arith.sitofp %convert_element_type3A_100 : vector<256x2000xi32> to vector<256x2000xf32>
    %convert_element_type3A_102 = arith.truncf %convert_element_type3A_101 : vector<256x2000xf32> to vector<256x2000xbf16>
    %convert_element_type3A_103 = arith.truncf %max3A_89 : vector<2000x64xf32> to vector<2000x64xbf16>
    %dot_general3A_104 = arith.constant dense<0.000000e+00> : vector<256x64xf32>
    %dot_general3A_105 = tpu.matmul %convert_element_type3A_102, %convert_element_type3A_103, %dot_general3A_104 {dimension_numbers = #tpu.dot_dimension_numbers<[1], [0], [0], [1], [0, 0, 1, 1], [], []>, transpose_lhs_hint = false} : vector<256x2000xbf16>, vector<2000x64xbf16>, vector<256x64xf32> -> vector<256x64xf32>
    %add3A_106 = arith.addf %get3A_99, %dot_general3A_105 : vector<256x64xf32>
    %swap3A_107 = arith.constant 0 : index
    %swap3A_108 = arith.constant 0 : index
    %swap3A_109 = vector.load %arg21[%swap3A_107, %swap3A_108] : memref<256x64xf32, #tpu.memory_space<vmem>>, vector<256x64xf32>
    tpu.vector_store %arg21[%swap3A_107, %swap3A_108], %add3A_106 {strides = array<i32>} : memref<256x64xf32, #tpu.memory_space<vmem>>, vector<256x64xf32>,
    %get3A_110 = arith.constant 0 : index
    %get3A_111 = arith.constant 0 : index
    %get3A_112 = vector.load %arg22[%get3A_110, %get3A_111] : memref<256x1xf32, #tpu.memory_space<vmem>>, vector<256x1xf32>
    %convert_element_type3A_113 = arith.extui %eq3A_37 : vector<256x2000xi1> to vector<256x2000xi32>
    %convert_element_type3A_114 = arith.sitofp %convert_element_type3A_113 : vector<256x2000xi32> to vector<256x2000xf32>
    %reduce_sum3A = arith.constant dense<0.000000e+00> : vector<256xf32>
    %reduce_sum3A_115 = vector.multi_reduction <add>, %convert_element_type3A_114, %reduce_sum3A [1] : vector<256x2000xf32> to vector<256xf32>
    %broadcast_in_dim3A_116 = vector.shape_cast %reduce_sum3A_115 : vector<256xf32> to vector<256x1xf32>
    %add3A_117 = arith.addf %get3A_112, %broadcast_in_dim3A_116 : vector<256x1xf32>
    %swap3A_118 = arith.constant 0 : index
    %swap3A_119 = arith.constant 0 : index
    %swap3A_120 = vector.load %arg22[%swap3A_118, %swap3A_119] : memref<256x1xf32, #tpu.memory_space<vmem>>, vector<256x1xf32>
    tpu.vector_store %arg22[%swap3A_118, %swap3A_119], %add3A_117 {strides = array<i32>} : memref<256x1xf32, #tpu.memory_space<vmem>>, vector<256x1xf32>,
    %eq3A_121 = arith.constant 4 : i32
    %eq3A_122 = arith.cmpi eq, %arg0, %eq3A_121 : i32
    %convert_element_type3A_123 = arith.extui %eq3A_122 : i1 to i32
    %cond3A_124 = arith.constant 0 : i32
    %cond3A_125 = arith.cmpi ne, %convert_element_type3A_123, %cond3A_124 : i32
    scf.if %cond3A_125 {
      %get3A_126 = arith.constant 0 : index
      %get3A_127 = arith.constant 0 : index
      %get3A_128 = vector.load %arg11[%get3A_126, %get3A_127] : memref<256x64xf32, #tpu.memory_space<vmem>>, vector<256x64xf32>
      %get3A_129 = arith.constant 0 : index
      %get3A_130 = arith.constant 0 : index
      %get3A_131 = vector.load %arg12[%get3A_129, %get3A_130] : memref<256x1xf32, #tpu.memory_space<vmem>>, vector<256x1xf32>
      %max3A_132 = arith.constant 1.000000e+00 : f32
      %max3A_133 = vector.broadcast %max3A_132 : f32 to vector<256x1xf32>
      %max3A_134 = arith.maximumf %get3A_131, %max3A_133 : vector<256x1xf32>
      %div3A_135 = vector.broadcast %max3A_134 : vector<256x1xf32> to vector<256x64xf32>
      %div3A_136 = arith.divf %get3A_128, %div3A_135 : vector<256x64xf32>
      %get3A_137 = arith.constant 0 : index
      %get3A_138 = arith.constant 0 : index
      %get3A_139 = vector.load %arg21[%get3A_137, %get3A_138] : memref<256x64xf32, #tpu.memory_space<vmem>>, vector<256x64xf32>
      %get3A_140 = arith.constant 0 : index
      %get3A_141 = arith.constant 0 : index
      %get3A_142 = vector.load %arg22[%get3A_140, %get3A_141] : memref<256x1xf32, #tpu.memory_space<vmem>>, vector<256x1xf32>
      %max3A_143 = arith.constant 1.000000e+00 : f32
      %max3A_144 = vector.broadcast %max3A_143 : f32 to vector<256x1xf32>
      %max3A_145 = arith.maximumf %get3A_142, %max3A_144 : vector<256x1xf32>
      %div3A_146 = vector.broadcast %max3A_145 : vector<256x1xf32> to vector<256x64xf32>
      %div3A_147 = arith.divf %get3A_139, %div3A_146 : vector<256x64xf32>
      %get3A_148 = arith.constant 0 : index
      %get3A_149 = arith.constant 0 : index
      %get3A_150 = vector.load %arg13[%get3A_148, %get3A_149] : memref<256x64xf32, #tpu.memory_space<vmem>>, vector<256x64xf32>
      %get3A_151 = arith.constant 0 : index
      %get3A_152 = arith.constant 0 : index
      %get3A_153 = vector.load %arg14[%get3A_151, %get3A_152] : memref<192x64xf32, #tpu.memory_space<vmem>>, vector<192x64xf32>
      %slice3A_154 = vector.extract_strided_slice %get3A_153 {offsets = [0, 0], sizes = [64, 64], strides = [1, 1]} : vector<192x64xf32> to vector<64x64xf32>
      %convert_element_type3A_155 = arith.truncf %div3A_136 : vector<256x64xf32> to vector<256x64xbf16>
      %convert_element_type3A_156 = arith.truncf %slice3A_154 : vector<64x64xf32> to vector<64x64xbf16>
      %dot_general3A_157 = arith.constant dense<0.000000e+00> : vector<256x64xf32>
      %dot_general3A_158 = tpu.matmul %convert_element_type3A_155, %convert_element_type3A_156, %dot_general3A_157 {dimension_numbers = #tpu.dot_dimension_numbers<[1], [0], [0], [1], [0, 0, 1, 1], [], []>, transpose_lhs_hint = false} : vector<256x64xbf16>, vector<64x64xbf16>, vector<256x64xf32> -> vector<256x64xf32>
      %slice3A_159 = vector.extract_strided_slice %get3A_153 {offsets = [64, 0], sizes = [64, 64], strides = [1, 1]} : vector<192x64xf32> to vector<64x64xf32>
      %convert_element_type3A_160 = arith.truncf %div3A_147 : vector<256x64xf32> to vector<256x64xbf16>
      %convert_element_type3A_161 = arith.truncf %slice3A_159 : vector<64x64xf32> to vector<64x64xbf16>
      %dot_general3A_162 = arith.constant dense<0.000000e+00> : vector<256x64xf32>
      %dot_general3A_163 = tpu.matmul %convert_element_type3A_160, %convert_element_type3A_161, %dot_general3A_162 {dimension_numbers = #tpu.dot_dimension_numbers<[1], [0], [0], [1], [0, 0, 1, 1], [], []>, transpose_lhs_hint = false} : vector<256x64xbf16>, vector<64x64xbf16>, vector<256x64xf32> -> vector<256x64xf32>
      %add3A_164 = arith.addf %dot_general3A_158, %dot_general3A_163 : vector<256x64xf32>
      %slice3A_165 = vector.extract_strided_slice %get3A_153 {offsets = [128, 0], sizes = [64, 64], strides = [1, 1]} : vector<192x64xf32> to vector<64x64xf32>
      %convert_element_type3A_166 = arith.truncf %get3A_150 : vector<256x64xf32> to vector<256x64xbf16>
      %convert_element_type3A_167 = arith.truncf %slice3A_165 : vector<64x64xf32> to vector<64x64xbf16>
      %dot_general3A_168 = arith.constant dense<0.000000e+00> : vector<256x64xf32>
      %dot_general3A_169 = tpu.matmul %convert_element_type3A_166, %convert_element_type3A_167, %dot_general3A_168 {dimension_numbers = #tpu.dot_dimension_numbers<[1], [0], [0], [1], [0, 0, 1, 1], [], []>, transpose_lhs_hint = false} : vector<256x64xbf16>, vector<64x64xbf16>, vector<256x64xf32> -> vector<256x64xf32>
      %add3A_170 = arith.addf %add3A_164, %dot_general3A_169 : vector<256x64xf32>
      %get3A_171 = arith.constant 0 : index
      %get3A_172 = arith.constant 0 : index
      %get3A_173 = vector.load %arg15[%get3A_171, %get3A_172] : memref<1x64xf32, #tpu.memory_space<vmem>>, vector<1x64xf32>
      %add3A_174 = vector.broadcast %get3A_173 : vector<1x64xf32> to vector<256x64xf32>
      %add3A_175 = arith.addf %add3A_170, %add3A_174 : vector<256x64xf32>
      %max3A_176 = arith.constant 0.000000e+00 : f32
      %max3A_177 = vector.broadcast %max3A_176 : f32 to vector<256x64xf32>
      %max3A_178 = arith.maximumf %add3A_175, %max3A_177 : vector<256x64xf32>
      %get3A_179 = arith.constant 0 : index
      %get3A_180 = arith.constant 0 : index
      %get3A_181 = vector.load %arg16[%get3A_179, %get3A_180] : memref<64x64xf32, #tpu.memory_space<vmem>>, vector<64x64xf32>
      %convert_element_type3A_182 = arith.truncf %max3A_178 : vector<256x64xf32> to vector<256x64xbf16>
      %convert_element_type3A_183 = arith.truncf %get3A_181 : vector<64x64xf32> to vector<64x64xbf16>
      %dot_general3A_184 = arith.constant dense<0.000000e+00> : vector<256x64xf32>
      %dot_general3A_185 = tpu.matmul %convert_element_type3A_182, %convert_element_type3A_183, %dot_general3A_184 {dimension_numbers = #tpu.dot_dimension_numbers<[1], [0], [0], [1], [0, 0, 1, 1], [], []>, transpose_lhs_hint = false} : vector<256x64xbf16>, vector<64x64xbf16>, vector<256x64xf32> -> vector<256x64xf32>
      %get3A_186 = arith.constant 0 : index
      %get3A_187 = arith.constant 0 : index
      %get3A_188 = vector.load %arg17[%get3A_186, %get3A_187] : memref<1x64xf32, #tpu.memory_space<vmem>>, vector<1x64xf32>
      %add3A_189 = vector.broadcast %get3A_188 : vector<1x64xf32> to vector<256x64xf32>
      %add3A_190 = arith.addf %dot_general3A_185, %add3A_189 : vector<256x64xf32>
      %max3A_191 = arith.constant 0.000000e+00 : f32
      %max3A_192 = vector.broadcast %max3A_191 : f32 to vector<256x64xf32>
      %max3A_193 = arith.maximumf %add3A_190, %max3A_192 : vector<256x64xf32>
      %get3A_194 = arith.constant 0 : index
      %get3A_195 = arith.constant 0 : index
      %get3A_196 = vector.load %arg18[%get3A_194, %get3A_195] : memref<64x64xf32, #tpu.memory_space<vmem>>, vector<64x64xf32>
      %convert_element_type3A_197 = arith.truncf %max3A_193 : vector<256x64xf32> to vector<256x64xbf16>
      %convert_element_type3A_198 = arith.truncf %get3A_196 : vector<64x64xf32> to vector<64x64xbf16>
      %dot_general3A_199 = arith.constant dense<0.000000e+00> : vector<256x64xf32>
      %dot_general3A_200 = tpu.matmul %convert_element_type3A_197, %convert_element_type3A_198, %dot_general3A_199 {dimension_numbers = #tpu.dot_dimension_numbers<[1], [0], [0], [1], [0, 0, 1, 1], [], []>, transpose_lhs_hint = false} : vector<256x64xbf16>, vector<64x64xbf16>, vector<256x64xf32> -> vector<256x64xf32>
      %get3A_201 = arith.constant 0 : index
      %get3A_202 = arith.constant 0 : index
      %get3A_203 = vector.load %arg19[%get3A_201, %get3A_202] : memref<1x64xf32, #tpu.memory_space<vmem>>, vector<1x64xf32>
      %add3A_204 = vector.broadcast %get3A_203 : vector<1x64xf32> to vector<256x64xf32>
      %add3A_205 = arith.addf %dot_general3A_200, %add3A_204 : vector<256x64xf32>
      %max3A_206 = arith.constant 0.000000e+00 : f32
      %max3A_207 = vector.broadcast %max3A_206 : f32 to vector<256x64xf32>
      %max3A_208 = arith.maximumf %add3A_205, %max3A_207 : vector<256x64xf32>
      %add3A_209 = arith.addf %max3A_208, %get3A_150 : vector<256x64xf32>
      %swap3A_210 = arith.constant 0 : index
      %swap3A_211 = arith.constant 0 : index
      %swap3A_212 = vector.load %arg23[%swap3A_210, %swap3A_211] : memref<256x64xf32, #tpu.memory_space<vmem>>, vector<256x64xf32>
      tpu.vector_store %arg23[%swap3A_210, %swap3A_211], %add3A_209 {strides = array<i32>} : memref<256x64xf32, #tpu.memory_space<vmem>>, vector<256x64xf32>,
    } else {
    }
    return
  }
  func.func @transform_0(%arg0: i32) -> (i32, i32, i32) {
    %c0_i32 = arith.constant 0 : i32
    %c0_i32_0 = arith.constant 0 : i32
    %c0_i32_1 = arith.constant 0 : i32
    return %c0_i32, %arg0, %c0_i32_0 : i32, i32, i32
  }
  func.func @transform_1(%arg0: i32) -> (i32, i32, i32) {
    %c0_i32 = arith.constant 0 : i32
    %c0_i32_0 = arith.constant 0 : i32
    %c0_i32_1 = arith.constant 0 : i32
    return %c0_i32, %arg0, %c0_i32_0 : i32, i32, i32
  }
  func.func @transform_2(%arg0: i32) -> (i32, i32) {
    %c0_i32 = arith.constant 0 : i32
    %c0_i32_0 = arith.constant 0 : i32
    return %arg0, %c0_i32 : i32, i32
  }
  func.func @transform_3(%arg0: i32) -> (i32, i32, i32) {
    %c0_i32 = arith.constant 0 : i32
    %c0_i32_0 = arith.constant 0 : i32
    %c0_i32_1 = arith.constant 0 : i32
    return %arg0, %c0_i32, %c0_i32_0 : i32, i32, i32
  }
  func.func @transform_4(%arg0: i32) -> (i32, i32) {
    %c0_i32 = arith.constant 0 : i32
    %c0_i32_0 = arith.constant 0 : i32
    %c0_i32_1 = arith.constant 0 : i32
    return %c0_i32, %c0_i32_0 : i32, i32
  }
  func.func @transform_5(%arg0: i32) -> (i32, i32) {
    %c0_i32 = arith.constant 0 : i32
    %c0_i32_0 = arith.constant 0 : i32
    %c0_i32_1 = arith.constant 0 : i32
    return %c0_i32, %c0_i32_0 : i32, i32
  }
  func.func @transform_6(%arg0: i32) -> (i32, i32) {
    %c0_i32 = arith.constant 0 : i32
    %c0_i32_0 = arith.constant 0 : i32
    %c0_i32_1 = arith.constant 0 : i32
    return %c0_i32, %c0_i32_0 : i32, i32
  }
  func.func @transform_7(%arg0: i32) -> (i32, i32) {
    %c0_i32 = arith.constant 0 : i32
    %c0_i32_0 = arith.constant 0 : i32
    %c0_i32_1 = arith.constant 0 : i32
    return %c0_i32, %c0_i32_0 : i32, i32
  }
  func.func @transform_8(%arg0: i32) -> (i32, i32) {
    %c0_i32 = arith.constant 0 : i32
    %c0_i32_0 = arith.constant 0 : i32
    %c0_i32_1 = arith.constant 0 : i32
    return %c0_i32, %c0_i32_0 : i32, i32
  }
  func.func @transform_9(%arg0: i32) -> (i32, i32) {
    %c0_i32 = arith.constant 0 : i32
    %c0_i32_0 = arith.constant 0 : i32
    %c0_i32_1 = arith.constant 0 : i32
    return %c0_i32, %c0_i32_0 : i32, i32
  }
  func.func @transform_10(%arg0: i32) -> (i32, i32) {
    %c0_i32 = arith.constant 0 : i32
    %c0_i32_0 = arith.constant 0 : i32
    %c0_i32_1 = arith.constant 0 : i32
    return %c0_i32, %c0_i32_0 : i32, i32
  }
  func.func @transform_11(%arg0: i32) -> (i32, i32) {
    %c0_i32 = arith.constant 0 : i32
    %c0_i32_0 = arith.constant 0 : i32
    %c0_i32_1 = arith.constant 0 : i32
    return %c0_i32, %c0_i32_0 : i32, i32
  }
  func.func @transform_12(%arg0: i32) -> (i32, i32) {
    %c0_i32 = arith.constant 0 : i32
    %c0_i32_0 = arith.constant 0 : i32
    %c0_i32_1 = arith.constant 0 : i32
    return %c0_i32, %c0_i32_0 : i32, i32
  }
  func.func @transform_13(%arg0: i32) -> (i32, i32) {
    %c0_i32 = arith.constant 0 : i32
    %c0_i32_0 = arith.constant 0 : i32
    %c0_i32_1 = arith.constant 0 : i32
    return %c0_i32, %c0_i32_0 : i32, i32
  }
  func.func @transform_14(%arg0: i32) -> (i32, i32) {
    %c0_i32 = arith.constant 0 : i32
    %c0_i32_0 = arith.constant 0 : i32
    %c0_i32_1 = arith.constant 0 : i32
    return %c0_i32, %c0_i32_0 : i32, i32
  }
  func.func @transform_15(%arg0: i32) -> (i32, i32) {
    %c0_i32 = arith.constant 0 : i32
    %c0_i32_0 = arith.constant 0 : i32
    %c0_i32_1 = arith.constant 0 : i32
    return %c0_i32, %c0_i32_0 : i32, i32
  }
  func.func @transform_16(%arg0: i32) -> (i32, i32) {
    %c0_i32 = arith.constant 0 : i32
    %c0_i32_0 = arith.constant 0 : i32
    %c0_i32_1 = arith.constant 0 : i32
    return %c0_i32, %c0_i32_0 : i32, i32
  }
  func.func @transform_17(%arg0: i32) -> (i32, i32) {
    %c0_i32 = arith.constant 0 : i32
    %c0_i32_0 = arith.constant 0 : i32
    %c0_i32_1 = arith.constant 0 : i32
    return %c0_i32, %c0_i32_0 : i32, i32
  }
  func.func @transform_18(%arg0: i32) -> (i32, i32) {
    %c0_i32 = arith.constant 0 : i32
    %c0_i32_0 = arith.constant 0 : i32
    %c0_i32_1 = arith.constant 0 : i32
    return %c0_i32, %c0_i32_0 : i32, i32
  }
  func.func @transform_19(%arg0: i32) -> (i32, i32) {
    %c0_i32 = arith.constant 0 : i32
    %c0_i32_0 = arith.constant 0 : i32
    return %arg0, %c0_i32 : i32, i32
  }
  func.func @transform_20(%arg0: i32) -> (i32, i32) {
    %c0_i32 = arith.constant 0 : i32
    %c0_i32_0 = arith.constant 0 : i32
    %c0_i32_1 = arith.constant 0 : i32
    return %c0_i32, %c0_i32_0 : i32, i32
  }
  func.func @transform_21(%arg0: i32) -> (i32, i32) {
    %c0_i32 = arith.constant 0 : i32
    %c0_i32_0 = arith.constant 0 : i32
    %c0_i32_1 = arith.constant 0 : i32
    return %c0_i32, %c0_i32_0 : i32, i32
  }
  func.func @transform_22(%arg0: i32) -> (i32, i32) {
    %c0_i32 = arith.constant 0 : i32
    %c0_i32_0 = arith.constant 0 : i32
    %c0_i32_1 = arith.constant 0 : i32
    return %c0_i32, %c0_i32_0 : i32, i32
  }
}

</mosaic_0001>

<sc_bundles>
// kernel: kernel.11.cloned.1.call-start
scs
__scs_entry_jumppad:
0x0: {  	(pc) =	sbr.rel $0x88, $3  }
0x1: {  	(tag) =	ssettag $0x0;
	lr =	simm.s32 $0x1  }
0x2: {  	[smem:$0x3F7C] =	sst lr;
	_ =	strace $0xD0000000  }
0x3: {  	_ = 	snop  }
0x4: {  	_ = 	snop  }
0x5: {  	_ = 	snop  }
0x6: {  	_ = 	snop  }
0x7: {  	_ = 	snop  }
__scs_overlays_trampoline_lowered:
0x8: {  	[smem:$0x3F8B] =	sst s0  }
0x9: {  	[smem:$0x3F8C] =	sst s1  }
0xa: {  	[smem:$0x3F8D] =	sst s2  }
0xb: {  	[smem:$0x3F8E] =	sst s3  }
0xc: {  	[smem:$0x3F8F] =	sst s4  }
0xd: {  	[smem:$0x3F90] =	sst s5  }
0xe: {  	[smem:$0x3F91] =	sst s6  }
0xf: {  	[smem:$0x3F92] =	sst s7  }
0x10: {  	[smem:$0x3F93] =	sst s8  }
0x11: {  	[smem:$0x3F94] =	sst s9;
	s0 =	simm.s32 @!p0 $0x0  }
0x12: {  	s1 =	sld [smem:$0x3F7A];
	s0 =	simm.s32 @p0 $0x1  }
0x13: {  	[smem:$0x3F95] =	sst s0;
	s0 =	simm.s32 @!p1 $0x0  }
0x14: {  	s2 =	sld [smem:$0x3F79];
	s0 =	simm.s32 @p1 $0x1  }
0x15: {  	[smem:$0x3F96] =	sst s0;
	s0 =	simm.s32 @!p2 $0x0  }
0x16: {  	s3 =	sld [smem:$0x3FDB];
	s0 =	simm.s32 @p2 $0x1  }
0x17: {  	s4 =	simm.s32 $0x1BF5;
	[smem:$0x3F98] =	sst s0  }
0x18: {  	s0 =	sld [smem:$0x3F7B];
	_ =	swait.ge [sflag:s4], $0x0  }
0x19: {  	s7 =	sld [smem:$0x3F7C]  }
0x1a: {  	s8 =	sadd.s32 $0xFFFFE003, lr  }
0x1b: {  	s9 =	sadd.s32 $0xFFFFFEF7, lr;
	s5 =	simm.s32 $0xFFFFFFFF;
	p2 =	slt.u32 s8, $0xFFFFF086  }
0x1c: {  	p1 =	slt.u32 s9, $0xF7A;
	s5 =	simm.s32 @!p2 $0x0  }
0x1d: {  	s5 =	simm.s32 @p1 $0x1;
	p0 =	seq.s32 s7, s2  }
0x1e: {  	s7 =	smul.u32 @!p0 $0xF7A, s2;
	p2 =	seq.s32 @!p0 s5, $0x0  }
0x1f: {  	s9 =	smul.u32 $0xF7A, s1;
	s8 =	simm.s32 @!p0 $0x1BF5;
	p2 =	por !p2, p0  }
0x20: {  	[sflag:s8] =	ssyncset.s32 @!p0 $0xFFFFF086;
	s6 =	sadd.s32 @!p0 s3, s7;
	s7 =	simm.s32 @!p0 $0x108  }
0x21: {  	s3 =	sadd.s32 s3, s9;
	s6 =	sadd.s32 @!p0 $0x88, s6;
	s7 =	simm.s32 @p2 $0x1082  }
0x22: {  	[simem:s7], [sflag:s8] =	dma.local @!p0 [hbm:s6], $0xF7A  }
0x23: {  	s9 =	sor.u32 $0xD0000000, s2;
	s6 =	simm.s32 $0x108;
	_ =	swait.ge @!p0 [sflag:s8], $0x0  }
0x24: {  	s3 =	sadd.s32 $0x88, s3;
	s6 =	simm.s32 @!p1 $0x1082;
	[sflag:s4] =	ssyncset.s32 $0xFFFFF086  }
0x25: {  	[simem:s6], [sflag:s4] =	dma.local [hbm:s3], $0xF7A  }
0x26: {  	[smem:$0x3F7C] =	sst s1;
	(tag) =	ssettag s2;
	_ =	strace s9  }
0x27: {  	s1 =	sld [smem:$0x3F8C]  }
0x28: {  	s2 =	sld [smem:$0x3F8D]  }
0x29: {  	s4 =	sld [smem:$0x3F8F]  }
0x2a: {  	p0 =	seq.s32 s5, $0x0;
	s5 =	sld [smem:$0x3F90]  }
0x2b: {  	s6 =	sld [smem:$0x3F91]  }
0x2c: {  	s7 =	sld [smem:$0x3F92]  }
0x2d: {  	s3 =	simm.s32 $0x108;
	s8 =	sld [smem:$0x3F93]  }
0x2e: {  	s3 =	simm.s32 @!p0 $0x1082;
	s9 =	sld [smem:$0x3F94]  }
0x2f: {  	lr =	sadd.s32 s0, s3;
	s0 =	sld [smem:$0x3F8B]  }
0x30: {  	s3 =	sld [smem:$0x3F8E]  }
0x31: {  	[smem:$0x3F97] =	sst s10  }
0x32: {  	s10 =	sld [smem:$0x3F95];
	_ =	sdelay $0x3  }
0x33: {  	p0 =	seq.s32 s10, $0x1;
	s10 =	sld [smem:$0x3F97];
	_ =	sdelay $0x3  }
0x34: {  	[smem:$0x3F97] =	sst s10  }
0x35: {  	s10 =	sld [smem:$0x3F96];
	_ =	sdelay $0x3  }
0x36: {  	p1 =	seq.s32 s10, $0x1;
	s10 =	sld [smem:$0x3F97];
	_ =	sdelay $0x3  }
0x37: {  	[smem:$0x3F97] =	sst s10  }
0x38: {  	s10 =	sld [smem:$0x3F98]  }
0x39: {  	_ = 	snop;
	(pc) =	sbr.ind lr, $3  }
0x3a: {  	_ = 	snop  }
0x3b: {  	_ = 	snop  }
0x3c: {  	p2 =	seq.s32 s10, $0x1;
	s10 =	sld [smem:$0x3F97]  }
0x3d: {  	_ =	shalt  }
0x3e: {  	_ =	shalt  }
0x3f: {  	_ =	shalt  }
0x40: {  	_ =	shalt  }
0x41: {  	_ =	shalt  }
0x42: {  	_ =	shalt  }
0x43: {  	_ =	shalt  }
0x44: {  	_ =	shalt  }
0x45: {  	_ =	shalt  }
0x46: {  	_ =	shalt  }
0x47: {  	_ =	shalt  }
0x48: {  	_ =	shalt  }
0x49: {  	_ =	shalt  }
0x4a: {  	_ =	shalt  }
0x4b: {  	_ =	shalt  }
0x4c: {  	_ =	shalt  }
0x4d: {  	_ =	shalt  }
0x4e: {  	_ =	shalt  }
0x4f: {  	_ =	shalt  }
0x50: {  	_ =	shalt  }
0x51: {  	_ =	shalt  }
0x52: {  	_ =	shalt  }
0x53: {  	_ =	shalt  }
0x54: {  	_ =	shalt  }
0x55: {  	_ =	shalt  }
0x56: {  	_ =	shalt  }
0x57: {  	_ =	shalt  }
0x58: {  	_ =	shalt  }
0x59: {  	_ =	shalt  }
0x5a: {  	_ =	shalt  }
0x5b: {  	_ =	shalt  }
0x5c: {  	_ =	shalt  }
0x5d: {  	_ =	shalt  }
0x5e: {  	_ =	shalt  }
0x5f: {  	_ =	shalt  }
0x60: {  	_ =	shalt  }
0x61: {  	_ =	shalt  }
0x62: {  	_ =	shalt  }
0x63: {  	_ =	shalt  }
0x64: {  	_ =	shalt  }
0x65: {  	_ =	shalt  }
0x66: {  	_ =	shalt  }
0x67: {  	_ =	shalt  }
0x68: {  	_ =	shalt  }
0x69: {  	_ =	shalt  }
0x6a: {  	_ =	shalt  }
0x6b: {  	_ =	shalt  }
0x6c: {  	_ =	shalt  }
0x6d: {  	_ =	shalt  }
0x6e: {  	_ =	shalt  }
0x6f: {  	_ =	shalt  }
0x70: {  	_ =	shalt  }
0x71: {  	_ =	shalt  }
0x72: {  	_ =	shalt  }
0x73: {  	_ =	shalt  }
0x74: {  	_ =	shalt  }
0x75: {  	_ =	shalt  }
0x76: {  	_ =	shalt  }
0x77: {  	_ =	shalt  }
0x78: {  	_ =	shalt  }
0x79: {  	_ =	shalt  }
0x7a: {  	_ =	shalt  }
0x7b: {  	_ =	shalt  }
0x7c: {  	_ =	shalt  }
0x7d: {  	_ =	shalt  }
0x7e: {  	_ =	shalt  }
0x7f: {  	_ =	shalt  }
0x80: {  	_ =	shalt  }
0x81: {  	_ =	shalt  }
0x82: {  	_ =	shalt  }
0x83: {  	_ =	shalt  }
0x84: {  	_ =	shalt  }
0x85: {  	_ =	shalt  }
0x86: {  	_ =	shalt  }
0x87: {  	_ =	shalt  }
.Lfunc_end0:
.L_simem_size_0:
called_computation.1_lowered:
.L_overlay_start_0:
0x88: {  	s2 =	sld [smem:$0x3FD9]  }
0x89: {  	s3 =	sld [smem:$0x3FFE];
	_ =	sdelay $0x1  }
0x8a: {  	s1 =	srdreg.scid  }
0x8b: {  	s0 =	sand.u32 $0x1, s1  }
0x8c: {  	s14 =	sshll.u32 s0, $0xA;
	s2 =	sadd.s32 s3, s2  }
0x8d: {  	s2 =	sadd.s32 s2, s14  }
0x8e: {  	[smem:$0x3FA3] =	sst s2  }
0x8f: {  	_ = 	snop  }
0x90: {  	s2 =	sld [smem:$0x3FD0];
	_ =	sdelay $0x2  }
0x91: {  	s15 =	simm.s32 $0xA;
	s4 =	simm.s32 $0x10  }
0x92: {  	[smem:s4], [sflag:s15] =	dma.local [hbm:s2], $0x1  }
0x93: {  	_ =	swait.eq [sflag:s15], $0x1  }
0x94: {  	[sflag:s15] =	ssyncset.done $0x0  }
0x95: {  	[sflag:s15] =	ssyncadd.s32 $0xFFFFFFFF  }
0x96: {  	s16 =	sld [smem:$0x10];
	(tm) =	ssettm $0x1  }
0x97: {  	s17 =	sld [smem:$0x3FFB];
	_ =	sdelay $0x3  }
0x98: {  	_ =	strace s17  }
0x99: {  	s3 =	sld [smem:$0x3FFC];
	_ =	sdelay $0x3  }
0x9a: {  	_ =	strace s3  }
0x9b: {  	s3 =	sld [smem:$0x3FFD];
	_ =	sdelay $0x3  }
0x9c: {  	_ =	strace s3  }
0x9d: {  	_ =	strace $0x8FFFFFFF  }
0x9e: {  	s18 =	sld [smem:$0x3FDB];
	_ =	sdelay $0x1  }
0x9f: {  	s19 =	simm.s32 $_scs_section_size  }
0xa0: {  	s5 =	simm.s32 $_size__tile_overlayer_lowered;
	s6 =	simm.s32 $_tile_overlayer_lowered  }
0xa1: {  	s22 =	simm.s32 $0x1BFF;
	s21 =	sshll.u32 s6, $0x1;
	s3 =	sadd.s32 s19, s18  }
0xa2: {  	s7 =	simm.s32 $0x0;
	s20 =	sshll.u32 s5, $0x1;
	s5 =	sadd.s32 s21, s3  }
0xa3: {  	[timem:s7], [sflag:s22] =	dma.local [hbm:s5], s20  }
0xa4: {  	_ =	swait.ge [sflag:s22], s20  }
0xa5: {  	s4 =	ssub.s32 $0x0, s20;
	[sflag:s22] =	ssyncset.done $0x0  }
0xa6: {  	[sflag:s22] =	ssyncadd.s32 s4;
	_ =	sdelay $0x1  }
0xa7: {  	s23 =	simm.s32 $0x1B8B  }
0xa8: {  	_ =	swait.ge [sflag:s23], $0x1  }
0xa9: {  	[sflag:s23] =	ssyncset.done $0x0  }
0xaa: {  	s25 =	simm.s32 $0x1B8E;
	s24 =	sld [smem:$0x3FFE];
	[sflag:s23] =	ssyncadd.s32 $0xFFFFFFFF  }
0xab: {  	s26 =	simm.s32 $execute0_lowered;
	[smem:$0x3FD2] =	sst s25  }
0xac: {  	s5 =	sshll.u32 s26, $0x1;
	_ =	strace $0x80000050;
	[dreg:$0x1] =	wrdreg $0xFFFFFFFF  }
0xad: {  	s28 =	simm.s32 $_size_execute0_lowered;
	s3 =	sadd.s32 s3, s5;
	[dreg:$0x0] =	wrdreg $0x0  }
0xae: {  	s5 =	sshll.u32 s28, $0x1;
	[dreg:$0x2] =	wrdreg s3  }
0xaf: {  	[dreg:$0x3] =	wrdreg s5  }
0xb0: {  	[dreg:$0x4] =	wrdreg $0xC0  }
0xb1: {  	_ =	task [dreg:s7], $0x5FFFF  }
0xb2: {  	[dreg:$0x1] =	wrdreg $0xFFFFFFFF  }
0xb3: {  	[dreg:$0x0] =	wrdreg $0x60  }
0xb4: {  	[dreg:$0x2] =	wrdreg s24  }
0xb5: {  	[dreg:$0x3] =	wrdreg s16  }
0xb6: {  	[dreg:$0x4] =	wrdreg $0x0  }
0xb7: {  	[dreg:$0x5] =	wrdreg $0x9C400  }
0xb8: {  	[dreg:$0x6] =	wrdreg $0x9  }
0xb9: {  	_ =	task.clear_ibuf [dreg:s7], $0x7FFFF;
	_ =	strace $0x90000050  }
0xba: {  	s29 =	simm.s32 $0x9;
	_ =	strace $0x80000058  }
0xbb: {  	_ =	swait.ge [sflag:s29], $0x1  }
0xbc: {  	[sflag:s29] =	ssyncadd.s32 $0xFFFFFFFF  }
0xbd: {  	_ =	strace $0x90000058  }
0xbe: {  	_ =	sfence  }
0xbf: {  	s30 =	sld [smem:$0x0];
	_ =	sdelay $0x2  }
0xc0: {  	s31 =	sshll.u32 s1, $0xD;
	s1 =	sshrl.u32 s1, $0x2  }
0xc1: {  	s3 =	sand.u32 $0x4000, s31;
	s1 =	sadd.s32 s1, s30  }
0xc2: {  	s0 =	sor.u32 s3, s0;
	s1 =	sshll.u32 s1, $0x11  }
0xc3: {  	s0 =	sor.u32 s1, s0  }
0xc4: {  	s0 =	sadd.s32 $0x8F2B, s0  }
0xc5: {  	[sflag:s0] =	ssyncadd.remote.s32 $0x1  }
0xc6: {  	_ =	sfence.sel $0xFFFF  }
0xc7: {  	[dreg:$0x0] =	wrdreg $0xFFFFFFFF;
	(pc) =	sbr.abs _section_cstart, $3  }
0xc8: {  	[dreg:$0x1] =	wrdreg $0xFFFFFFFF  }
0xc9: {  	_ =	task.clear_ibuf [dreg:s7], $0x2FFFF;
	_ =	strace $0x9FFFFFFF  }
0xca: {  	(tm) =	ssettm $0x7FFFFFFF  }
0xcb: {  	_ =	shalt  }
tec
execute0_lowered:
.L_overlay_start_1:
0x0: {  	(tag) =	ssettag $0x1  }
0x1: {  	s0 =	rddreg [dreg:$0x0]  }
0x2: {  	s4 =	rddreg [dreg:$0x1]  }
0x3: {  	s1 =	rddreg [dreg:$0x2]  }
0x4: {  	s2 =	rddreg [dreg:$0x3];
	s3 =	simm.s32 $0x0;
	s5 =	srdreg.scid  }
0x5: {  	s16 =	stileid.u32;
	s29 =	simm.s32 $0x3;
	s30 =	simm.s32 $0xEA90  }
0x6: {  	s31 =	simm.s32 $0x80;
	[smem:$0x7FF] =	sst s3;
	s14 =	smul.u32 $0x9C40, s16  }
0x7: {  	s9 =	sand.u32 $0x1, s5;
	s5 =	sadd.s32 $0x7B7800, s0;
	s20 =	smul.u32 $0x2710, s16  }
0x8: {  	_ =	strace $0x80000051;
	s6 =	sshll.u32 s9, $0x4;
	s7 =	smul.u32 $0x13880, s9  }
0x9: {  	s11 =	ssub.s32 $0x2, s9;
	s9 =	smul.u32 $0x4E20, s9;
	s8 =	sor.u32 s16, s6  }
0xa: {  	s6 =	sadd.s32 $0x53CA00, s0;
	s13 =	sshrl.u32 s11, $0x1;
	s21 =	sshrl.u32 s14, $0x3  }
0xb: {  	s15 =	sadd.s32 s14, s1;
	s22 =	sshrl.u32 s20, $0x3;
	s10 =	smul.u32 $0x4E, s8  }
0xc: {  	s14 =	sshrl.u32 s14, $0x2;
	s0 =	sadd.s32 s7, s0;
	s12 =	smul.u32 $0x4F, s8  }
0xd: {  	p0 =	slt.u32 s8, $0x4;
	s17 =	ssub.s32 s11, s13;
	s11 =	smul.u32 $0x271, s16  }
0xe: {  	s8 =	simm.s32 $0x4F;
	s16 =	smul.u32 $0x27100, s16;
	s4 =	sadd.s32 s4, s9  }
0xf: {  	s24 =	sadd.s32 s14, s2;
	s9 =	simm.s32 $0x2;
	s0 =	sadd.s32 $0x9600, s0  }
0x10: {  	[dreg:$0x9] =	wrdreg s24;
	s4 =	sadd.s32 s22, s4;
	s7 =	sadd.s32 $0x4, s10  }
0x11: {  	s10 =	smax.u32 s17, $0x1;
	s23 =	sshrl.u32 s16, $0x2;
	s25 =	sadd.s32 $0x7D, s11  }
0x12: {  	s28 =	sadd.s32 $0xFA, s11;
	s0 =	sadd.s32 s21, s0;
	[dreg:$0x10] =	wrdreg s4  }
0x13: {  	s21 =	sadd.s32 $0x1F4, s11;
	s7 =	smov.u32 @p0 s12;
	[dreg:$0x7] =	wrdreg s10  }
0x14: {  	s10 =	sadd.s32 s23, s1;
	s26 =	sshll.u32 s25, $0x6;
	s17 =	sshll.u32 s28, $0x4  }
0x15: {  	[dreg:$0xe] =	wrdreg s0;
	s22 =	sshll.u32 s21, $0x6;
	s23 =	sshll.u32 s21, $0x4  }
0x16: {  	s12 =	sshll.u32 s7, $0xA;
	[dreg:$0x8] =	wrdreg s10;
	s14 =	sadd.s32 s26, s1  }
0x17: {  	s18 =	sshll.u32 s7, $0x4;
	s24 =	sadd.s32 s22, s1;
	[dreg:$0xa] =	wrdreg s14  }
0x18: {  	s10 =	sshll.u32 s25, $0x4;
	s25 =	sadd.s32 s23, s2;
	[dreg:$0x12] =	wrdreg s24  }
0x19: {  	s26 =	sshrl.u32 s15, $0x3;
	s12 =	sand.u32 $0x1FFFFC00, s12;
	[dreg:$0x13] =	wrdreg s25  }
0x1a: {  	s19 =	sand.u32 $0x1FFFFFF0, s18;
	s10 =	sadd.s32 s10, s2;
	[dreg:$0x14] =	wrdreg s26  }
0x1b: {  	s14 =	sshll.u32 s28, $0x6;
	s12 =	sadd.s32 s5, s12;
	[dreg:$0xb] =	wrdreg s10  }
0x1c: {  	s18 =	sadd.s32 $0x177, s11;
	s10 =	sadd.s32 s14, s1;
	[dreg:$0x5] =	wrdreg s12  }
0x1d: {  	s12 =	sadd.s32 s6, s19;
	[dreg:$0xc] =	wrdreg s10;
	s10 =	sadd.s32 s17, s2  }
0x1e: {  	s19 =	sshll.u32 s18, $0x6;
	[dreg:$0x6] =	wrdreg s12;
	s12 =	sadd.s32 s20, s2  }
0x1f: {  	[dreg:$0xd] =	wrdreg s10;
	s0 =	sadd.s32 s19, s1;
	s20 =	sshll.u32 s18, $0x4  }
0x20: {  	s8 =	simm.s32 @!p0 $0x4E;
	[dreg:$0xf] =	wrdreg s0;
	s0 =	sadd.s32 s20, s2  }
0x21: {  	s4 =	simm.s32 $0x1;
	s28 =	sshrl.u32 s12, $0x3;
	[dreg:$0x11] =	wrdreg s0  }
0x22: {  	v0 =	vimm.f32 $1.000000000e+00;
	v1 =	vimm.f32 $0.0e+00;
	s26 =	sadd.s32 $0xFFFFFFFF, s8;
	[dreg:$0x15] =	wrdreg s28;
	s0 =	simm.s32 $0xC350  }
.LBB2_1:
0x23: {  	s10 =	simm.s32 $0x0  }
.LBB2_2:
0x24: {  	p0 =	sne.s32 s10, $0x1FC0  }
.Ltmp0:
0x25: {  	_ = 	snop;
	(pc) =	sbr.rel @p0 .LBB2_2-.Ltmp0, $3  }
0x26: {  	_ =	sdelay $0x1  }
0x27: {  	s11 =	sshra.s32 s10, $0x2  }
0x28: {  	s10 =	sadd.s32 $0x40, s10;
	[tilespmem:s11+$0xC350] =	vst v0  }
0x29: {  	s10 =	simm.s32 $0xCB70  }
0x2a: {  	[tilespmem:s10+$0x0] =	vst v1  }
0x2b: {  	[tilespmem:s10+$0xFFFFFFE0] =	vst v1  }
0x2c: {  	[tilespmem:s10+$0x10] =	vst v1  }
0x2d: {  	s11 =	simm.s32 $0x40;
	s12 =	simm.s32 $0x0;
	[tilespmem:s10+$0xFFFFFFF0] =	vst v1  }
.LBB2_4:
0x2e: {  	p0 =	sne.s32 s11, $0x1F00  }
0x2f: {  	[tilespmem:s12+$0xEA90] =	vst v1;
	s10 =	sadd.s32 $0x40, s10;
	s12 =	smov.u32 s11;
	s11 =	sadd.s32 $0x40, s11  }
.Ltmp1:
0x30: {  	[tilespmem:s10+$0x0] =	vst v1;
	(pc) =	sbr.rel @p0 .LBB2_4-.Ltmp1, $4  }
0x31: {  	_ = 	snop  }
0x32: {  	[tilespmem:s10+$0xFFFFFFE0] =	vst v1  }
0x33: {  	[tilespmem:s10+$0x10] =	vst v1  }
0x34: {  	s12 =	sshra.s32 s12, $0x2;
	[tilespmem:s10+$0xFFFFFFF0] =	vst v1  }
0x35: {  	[tilespmem:s12+$0xEA90] =	vst v1;
	s10 =	rddreg [dreg:$0x8];
	s11 =	simm.s32 $0xCB50  }
0x36: {  	[spmem:s10] =	stream.linear.scatter [tilespmem:s11], [sflag:$0x3], $0x1F40, $0x38;
	[tilespmem:$0x13360] =	vst v63  }
0x37: {  	_ =	swait.ge [sflag:s29], $0x1F40  }
0x38: {  	[sflag:s29] =	ssyncset.done $0x0  }
0x39: {  	s14 =	rddreg [dreg:$0x9];
	[sflag:s29] =	ssyncadd.s32 $0xFFFFE0C0  }
0x3a: {  	[spmem:s14] =	stream.linear.scatter [tilespmem:s30], [sflag:$0x3], $0x7D0, $0x38;
	[tilespmem:$0x13360] =	vst v63  }
0x3b: {  	_ =	swait.ge [sflag:s29], $0x7D0  }
0x3c: {  	[sflag:s29] =	ssyncset.done $0x0  }
0x3d: {  	s15 =	rddreg [dreg:$0xa];
	[sflag:s29] =	ssyncadd.s32 $0xFFFFF830  }
0x3e: {  	[spmem:s15] =	stream.linear.scatter [tilespmem:s11], [sflag:$0x3], $0x1F40, $0x38;
	[tilespmem:$0x13360] =	vst v63  }
0x3f: {  	_ =	swait.ge [sflag:s29], $0x1F40  }
0x40: {  	[sflag:s29] =	ssyncset.done $0x0  }
0x41: {  	s16 =	rddreg [dreg:$0xb];
	[sflag:s29] =	ssyncadd.s32 $0xFFFFE0C0  }
0x42: {  	[spmem:s16] =	stream.linear.scatter [tilespmem:s30], [sflag:$0x3], $0x7D0, $0x38;
	[tilespmem:$0x13360] =	vst v63  }
0x43: {  	_ =	swait.ge [sflag:s29], $0x7D0  }
0x44: {  	[sflag:s29] =	ssyncset.done $0x0  }
0x45: {  	s17 =	rddreg [dreg:$0xc];
	[sflag:s29] =	ssyncadd.s32 $0xFFFFF830  }
0x46: {  	[spmem:s17] =	stream.linear.scatter [tilespmem:s11], [sflag:$0x3], $0x1F40, $0x38;
	[tilespmem:$0x13360] =	vst v63  }
0x47: {  	_ =	swait.ge [sflag:s29], $0x1F40  }
0x48: {  	[sflag:s29] =	ssyncset.done $0x0  }
0x49: {  	s18 =	rddreg [dreg:$0xd];
	[sflag:s29] =	ssyncadd.s32 $0xFFFFE0C0  }
0x4a: {  	[spmem:s18] =	stream.linear.scatter [tilespmem:s30], [sflag:$0x3], $0x7D0, $0x38;
	[tilespmem:$0x13360] =	vst v63  }
0x4b: {  	_ =	swait.ge [sflag:s29], $0x7D0  }
0x4c: {  	[sflag:s29] =	ssyncset.done $0x0  }
0x4d: {  	s19 =	rddreg [dreg:$0xf];
	[sflag:s29] =	ssyncadd.s32 $0xFFFFF830  }
0x4e: {  	[spmem:s19] =	stream.linear.scatter [tilespmem:s11], [sflag:$0x3], $0x1F40, $0x38;
	[tilespmem:$0x13360] =	vst v63  }
0x4f: {  	_ =	swait.ge [sflag:s29], $0x1F40  }
0x50: {  	[sflag:s29] =	ssyncset.done $0x0  }
0x51: {  	s20 =	rddreg [dreg:$0x11];
	[sflag:s29] =	ssyncadd.s32 $0xFFFFE0C0  }
0x52: {  	[spmem:s20] =	stream.linear.scatter [tilespmem:s30], [sflag:$0x3], $0x7D0, $0x38;
	[tilespmem:$0x13360] =	vst v63  }
0x53: {  	_ =	swait.ge [sflag:s29], $0x7D0  }
0x54: {  	[sflag:s29] =	ssyncset.done $0x0  }
0x55: {  	s21 =	rddreg [dreg:$0x12];
	[sflag:s29] =	ssyncadd.s32 $0xFFFFF830  }
0x56: {  	[spmem:s21] =	stream.linear.scatter [tilespmem:s11], [sflag:$0x3], $0x1F40, $0x38;
	[tilespmem:$0x13360] =	vst v63  }
0x57: {  	_ =	swait.ge [sflag:s29], $0x1F40  }
0x58: {  	[sflag:s29] =	ssyncset.done $0x0  }
0x59: {  	s22 =	rddreg [dreg:$0x13];
	[sflag:s29] =	ssyncadd.s32 $0xFFFFE0C0  }
0x5a: {  	[spmem:s22] =	stream.linear.scatter [tilespmem:s30], [sflag:$0x3], $0x7D0, $0x38;
	[tilespmem:$0x13360] =	vst v63  }
0x5b: {  	s24 =	simm.s32 $0xF260;
	_ =	swait.ge [sflag:s29], $0x7D0  }
0x5c: {  	s28 =	simm.s32 $0x13260;
	p0 =	seq.s32 s8, $0x1;
	[sflag:s29] =	ssyncset.done $0x0  }
0x5d: {  	s13 =	simm.s32 $0x1;
	p3 =	sne.s32 s26, $0x1;
	[sflag:s29] =	ssyncadd.s32 $0xFFFFF830  }
0x5e: {  	p2 =	por $0x0, $0x0;
	s17 =	simm.s32 $0x1;
	[bflag:$0x0] =	sbarrier.arrive $0xFFFF  }
0x5f: {  	s10 =	simm.s32 $0x0;
	s17 =	simm.s32 @p0 $0x0;
	_ =	strace $0x80000052  }
.Ltmp2:
0x60: {  	p1 =	seq.s32 s17, $0x0;
	s23 =	rddreg [dreg:$0x5];
	(pc) =	sbr.rel @!p3 .LBB2_6-.Ltmp2, $4  }
0x61: {  	[tilespmem:s24], [sflag:$0x3] =	stream.linear.gather [hbm4b:s23+s10], $0x2000, $0x200038;
	[tilespmem:$0x13360] =	vst v63  }
0x62: {  	p0 =	sne.s32 s17, $0x0;
	s18 =	simm.s32 $0x1;
	s25 =	rddreg [dreg:$0x6]  }
0x63: {  	[tilespmem:s28], [sflag:$0x5] =	stream.linear.gather [hbm4b:s25+s10], $0x80, $0x200038;
	[tilespmem:$0x13360] =	vst v63  }
0x64: {  	s15 =	sand.u32 @!p1 $0x1, s18;
	s21 =	sadd.s32 @!p1 s7, s17;
	_ =	strace $0x90000052  }
0x65: {  	s11 =	sshll.u32 @!p1 s21, $0xA;
	s12 =	sshll.u32 @!p1 s15, $0xD  }
0x66: {  	s13 =	sshll.u32 @!p1 s21, $0x4;
	s14 =	sadd.s32 @!p1 $0x3, s15;
	s19 =	simm.s32 @!p1 $0x1  }
0x67: {  	s16 =	simm.s32 @!p1 $0x2;
	_ =	strace @!p1 $0x80000053;
	s20 =	simm.s32 @!p1 $0x0  }
0x68: {  	s10 =	sand.u32 $0x1, s10;
	s23 =	simm.s32 $0x0;
	s25 =	simm.s32 $0x0  }
0x69: {  	p3 =	sne.s32 s26, $0x2;
	p2 =	por $0x1, $0x1;
	s11 =	sand.u32 @!p1 $0x1FFFFC00, s11  }
0x6a: {  	s12 =	sadd.s32 @!p1 $0xF260, s12;
	s13 =	sand.u32 @!p1 $0x1FFFFFF0, s13;
	s11 =	sadd.s32 @!p1 s5, s11  }
0x6b: {  	[tilespmem:s12], [sflag:s14] =	stream.linear.gather @!p1 [hbm4b:s11+s20], $0x2000, $0x200038;
	[tilespmem:$0x13360] =	vst v63  }
0x6c: {  	s13 =	sadd.s32 @!p1 s6, s13;
	s11 =	sshll.u32 @!p1 s15, $0x7;
	_ =	strace @!p1 $0x90000053  }
0x6d: {  	s12 =	sadd.s32 @!p1 $0x5, s15;
	s11 =	sor.u32 @!p1 $0x13260, s11;
	_ =	strace @!p1 $0x80000054  }
0x6e: {  	[tilespmem:s11], [sflag:s12] =	stream.linear.gather @!p1 [hbm4b:s13+s20], $0x80, $0x200038;
	[tilespmem:$0x13360] =	vst v63  }
0x6f: {  	s19 =	simm.s32 @p1 $0x0;
	s24 =	sadd.s32 $0x3, s10;
	_ =	strace @!p1 $0x90000054  }
0x70: {  	s16 =	smov.u32 @p1 s18;
	s15 =	simm.s32 $0x1;
	_ =	strace $0x80000055  }
0x71: {  	s28 =	sadd.s32 $0x5, s10;
	s15 =	simm.s32 @!p0 $0x0;
	_ =	swait.ge [sflag:s24], $0x2000  }
0x72: {  	s14 =	sand.u32 $0x2000, s25;
	s10 =	sadd.s32 $0x0, s15;
	[sflag:s24] =	ssyncset.done $0x0  }
0x73: {  	s11 =	sadd.s32 $0x1, s19;
	s12 =	sand.u32 $0x80, s23;
	[sflag:s24] =	ssyncadd.s32 $0xFFFFE000  }
0x74: {  	s20 =	sadd.s32 $0xF260, s14;
	s13 =	simm.s32 $0x2;
	_ =	strace $0x90000055  }
.Ltmp3:
0x75: {  	s14 =	sadd.s32 $0x1, s17;
	_ =	strace $0x80000056;
	(pc) =	sbr.rel @!p3 .LBB2_8-.Ltmp3, $4  }
0x76: {  	s19 =	sor.u32 $0x13260, s12;
	p0 =	seq.s32 s14, s8;
	_ =	swait.ge [sflag:s28], $0x80  }
0x77: {  	s12 =	sadd.s32 $0x0, s15;
	s14 =	simm.s32 @p0 $0x0;
	[sflag:s28] =	ssyncset.done $0x0  }
0x78: {  	p1 =	seq.s32 s17, s14;
	p0 =	sne.s32 s17, s14;
	[sflag:s28] =	ssyncadd.s32 $0xFFFFFF80  }
0x79: {  	s21 =	sadd.s32 @!p1 s7, s14;
	s15 =	sand.u32 @!p1 $0x1, s11;
	_ =	strace $0x90000056  }
.LBB2_9:
0x7a: {  	s17 =	smov.u32 s16  }
0x7b: {  	s16 =	sand.u32 @!p1 $0x1, s16;
	s18 =	sshll.u32 @!p1 s21, $0xA;
	_ =	strace $0x80000057  }
0x7c: {  	[spmem:s1] =	stream.indirect.scatter.add.f32 [tilespmem:s20], [sflag:$0x1], $0x40, s19, s31, $0x2000b8;
	[tilespmem:$0x13360] =	vst v63  }
0x7d: {  	s21 =	sshll.u32 @!p1 s21, $0x4;
	s18 =	sand.u32 @!p1 $0x1FFFFC00, s18;
	s20 =	sshll.u32 @!p1 s16, $0xD  }
0x7e: {  	[spmem:s2] =	stream.indirect.scatter.add.f32 [tilespmem:s0], [sflag:$0x2], $0x10, s19, s31, $0x2000b8;
	[tilespmem:$0x13360] =	vst v63  }
0x7f: {  	s19 =	sadd.s32 @!p1 $0xF260, s20;
	s20 =	sand.u32 @!p1 $0x1FFFFFF0, s21;
	_ =	swait.ge [sflag:s4], $0x2000  }
0x80: {  	s18 =	sadd.s32 @!p1 s5, s18;
	s20 =	sadd.s32 @!p1 s6, s20;
	[sflag:s4] =	ssyncset.done $0x0  }
0x81: {  	s22 =	simm.s32 @!p1 $0x1;
	s21 =	sadd.s32 @!p1 $0x3, s16;
	[sflag:s4] =	ssyncadd.s32 $0xFFFFE000  }
0x82: {  	s22 =	simm.s32 @p1 $0x0;
	s16 =	sadd.s32 @!p1 $0x1, s17;
	_ =	swait.ge [sflag:s9], $0x800  }
0x83: {  	s11 =	sadd.s32 s11, s22;
	s22 =	sand.u32 $0x1, s10;
	[sflag:s9] =	ssyncset.done $0x0  }
0x84: {  	s23 =	sand.u32 $0x1, s12;
	s24 =	sshll.u32 s10, $0xD;
	[sflag:s9] =	ssyncadd.s32 $0xFFFFF800  }
0x85: {  	s25 =	sshll.u32 s12, $0x7;
	s24 =	sand.u32 $0x2000, s24;
	_ =	strace $0x90000057  }
0x86: {  	s28 =	simm.s32 @!p1 $0x0;
	s25 =	sand.u32 $0x80, s25;
	_ =	strace @!p1 $0x80000053  }
0x87: {  	[tilespmem:s19], [sflag:s21] =	stream.linear.gather @!p1 [hbm4b:s18+s28], $0x2000, $0x200038;
	[tilespmem:$0x13360] =	vst v63  }
0x88: {  	s18 =	sshll.u32 @!p1 s15, $0x7;
	s19 =	sor.u32 $0x13260, s25;
	_ =	strace @!p1 $0x90000053  }
0x89: {  	s15 =	sadd.s32 @!p1 $0x5, s15;
	s18 =	sor.u32 @!p1 $0x13260, s18;
	_ =	strace @!p1 $0x80000054  }
0x8a: {  	[tilespmem:s18], [sflag:s15] =	stream.linear.gather @!p1 [hbm4b:s20+s28], $0x80, $0x200038;
	[tilespmem:$0x13360] =	vst v63  }
0x8b: {  	s16 =	smov.u32 @p1 s17;
	s20 =	sadd.s32 $0xF260, s24;
	_ =	strace @!p1 $0x90000054  }
0x8c: {  	s13 =	sadd.s32 $0x1, s13;
	s15 =	sadd.s32 $0x3, s22;
	_ =	strace $0x80000055  }
0x8d: {  	p3 =	sne.s32 s26, s13;
	s17 =	smov.u32 s14;
	_ =	swait.ge [sflag:s15], $0x2000  }
0x8e: {  	[sflag:s15] =	ssyncset.done $0x0  }
0x8f: {  	[sflag:s15] =	ssyncadd.s32 $0xFFFFE000  }
0x90: {  	_ =	strace $0x90000055  }
0x91: {  	s14 =	sadd.s32 $0x1, s14;
	s18 =	simm.s32 $0x1;
	_ =	strace $0x80000056  }
.Ltmp4:
0x92: {  	s18 =	simm.s32 @!p0 $0x0;
	s15 =	sadd.s32 $0x5, s23;
	(pc) =	sbr.rel @p3 .LBB2_9-.Ltmp4, $4  }
0x93: {  	p0 =	seq.s32 s14, s8;
	s12 =	sadd.s32 s18, s12;
	_ =	swait.ge [sflag:s15], $0x80  }
0x94: {  	s14 =	simm.s32 @p0 $0x0;
	s10 =	sadd.s32 s18, s10;
	[sflag:s15] =	ssyncset.done $0x0  }
0x95: {  	p1 =	seq.s32 s17, s14;
	p0 =	sne.s32 s17, s14;
	[sflag:s15] =	ssyncadd.s32 $0xFFFFFF80  }
0x96: {  	s21 =	sadd.s32 @!p1 s7, s14;
	s15 =	sand.u32 @!p1 $0x1, s11;
	_ =	strace $0x90000056  }
0x97: {  	s18 =	smov.u32 s16;
	s17 =	smov.u32 s14  }
.LBB2_11:
0x98: {  	_ =	strace @p2 $0x80000057  }
0x99: {  	[spmem:s1] =	stream.indirect.scatter.add.f32 @p2 [tilespmem:s20], [sflag:$0x1], $0x40, s19, s31, $0x2000b8;
	[tilespmem:$0x13360] =	vst v63  }
0x9a: {  	_ = 	snop  }
0x9b: {  	[spmem:s2] =	stream.indirect.scatter.add.f32 @p2 [tilespmem:s0], [sflag:$0x2], $0x10, s19, s31, $0x2000b8;
	[tilespmem:$0x13360] =	vst v63  }
0x9c: {  	_ =	swait.ge @p2 [sflag:s4], $0x2000  }
0x9d: {  	[sflag:s4] =	ssyncset.done @p2 $0x0  }
0x9e: {  	[sflag:s4] =	ssyncadd.s32 @p2 $0xFFFFE000  }
0x9f: {  	_ =	swait.ge @p2 [sflag:s9], $0x800  }
0xa0: {  	s14 =	sand.u32 @!p1 $0x1, s18;
	s16 =	sshll.u32 @!p1 s21, $0xA;
	[sflag:s9] =	ssyncset.done @p2 $0x0  }
0xa1: {  	s16 =	sand.u32 @!p1 $0x1FFFFC00, s16;
	s20 =	simm.s32 @!p1 $0x0;
	[sflag:s9] =	ssyncadd.s32 @p2 $0xFFFFF800  }
0xa2: {  	s16 =	sadd.s32 @!p1 s5, s16;
	s19 =	sshll.u32 @!p1 s14, $0xD;
	_ =	strace @p2 $0x90000057  }
0xa3: {  	s14 =	sadd.s32 @!p1 $0x3, s14;
	s19 =	sadd.s32 @!p1 $0xF260, s19;
	_ =	strace @!p1 $0x80000053  }
0xa4: {  	[tilespmem:s19], [sflag:s14] =	stream.linear.gather @!p1 [hbm4b:s16+s20], $0x2000, $0x200038;
	[tilespmem:$0x13360] =	vst v63  }
0xa5: {  	s14 =	sshll.u32 @!p1 s21, $0x4;
	s16 =	sshll.u32 @!p1 s15, $0x7  }
0xa6: {  	s15 =	sadd.s32 @!p1 $0x5, s15;
	s14 =	sand.u32 @!p1 $0x1FFFFFF0, s14;
	_ =	strace @!p1 $0x90000053  }
0xa7: {  	s16 =	sor.u32 @!p1 $0x13260, s16;
	s14 =	sadd.s32 @!p1 s6, s14;
	_ =	strace @!p1 $0x80000054  }
0xa8: {  	[tilespmem:s16], [sflag:s15] =	stream.linear.gather @!p1 [hbm4b:s14+s20], $0x80, $0x200038;
	[tilespmem:$0x13360] =	vst v63  }
0xa9: {  	s24 =	sand.u32 $0x1, s10;
	_ =	strace @!p1 $0x90000054  }
0xaa: {  	s14 =	sadd.s32 $0x3, s24;
	_ =	strace $0x80000055  }
0xab: {  	_ =	swait.ge [sflag:s14], $0x2000  }
0xac: {  	[sflag:s14] =	ssyncset.done $0x0  }
0xad: {  	[sflag:s14] =	ssyncadd.s32 $0xFFFFE000  }
0xae: {  	s25 =	sand.u32 $0x1, s12;
	_ =	strace $0x90000055  }
0xaf: {  	s14 =	sadd.s32 $0x5, s25;
	_ =	strace $0x80000056  }
0xb0: {  	_ =	swait.ge [sflag:s14], $0x80  }
0xb1: {  	[sflag:s14] =	ssyncset.done $0x0  }
0xb2: {  	s28 =	sshll.u32 s10, $0xD;
	s16 =	sshll.u32 s12, $0x7;
	[sflag:s14] =	ssyncadd.s32 $0xFFFFFF80  }
0xb3: {  	s15 =	sand.u32 $0x2000, s28;
	s14 =	sand.u32 $0x80, s16;
	_ =	strace $0x90000056  }
0xb4: {  	s15 =	sadd.s32 $0xF260, s15;
	s14 =	sor.u32 $0x13260, s14;
	_ =	strace $0x80000057  }
0xb5: {  	[spmem:s1] =	stream.indirect.scatter.add.f32 [tilespmem:s15], [sflag:$0x1], $0x40, s14, s31, $0x2000b8;
	[tilespmem:$0x13360] =	vst v63  }
0xb6: {  	_ = 	snop  }
0xb7: {  	[spmem:s2] =	stream.indirect.scatter.add.f32 [tilespmem:s0], [sflag:$0x2], $0x10, s14, s31, $0x2000b8;
	[tilespmem:$0x13360] =	vst v63  }
0xb8: {  	s14 =	sadd.s32 $0x1, s17;
	_ =	swait.ge [sflag:s4], $0x2000  }
0xb9: {  	p2 =	seq.s32 s14, s8;
	[sflag:s4] =	ssyncset.done $0x0  }
0xba: {  	s14 =	simm.s32 @p2 $0x0;
	p2 =	sge.u32 s13, s26;
	[sflag:s4] =	ssyncadd.s32 $0xFFFFE000  }
0xbb: {  	s13 =	sadd.s32 @!p1 $0x1, s18;
	p3 =	seq.s32 @!p2 s17, s14;
	_ =	swait.ge [sflag:s9], $0x800  }
0xbc: {  	s13 =	smov.u32 @p1 s18;
	p2 =	por p3, p2;
	[sflag:s9] =	ssyncset.done $0x0  }
0xbd: {  	s14 =	sadd.s32 @!p2 s7, s14;
	s13 =	sand.u32 @!p2 $0x1, s13;
	s17 =	simm.s32 @!p2 $0x0  }
0xbe: {  	[sflag:s9] =	ssyncadd.s32 $0xFFFFF800;
	s15 =	sshll.u32 @!p2 s13, $0xD;
	s16 =	sshll.u32 @!p2 s14, $0xA  }
0xbf: {  	s13 =	sadd.s32 @!p2 $0x3, s13;
	_ =	strace $0x90000057;
	s16 =	sand.u32 @!p2 $0x1FFFFC00, s16  }
0xc0: {  	s15 =	sadd.s32 @!p2 $0xF260, s15;
	_ =	strace @!p2 $0x80000053;
	s16 =	sadd.s32 @!p2 s5, s16  }
0xc1: {  	[tilespmem:s15], [sflag:s13] =	stream.linear.gather @!p2 [hbm4b:s16+s17], $0x2000, $0x200038;
	[tilespmem:$0x13360] =	vst v63  }
0xc2: {  	s13 =	simm.s32 @!p1 $0x1  }
0xc3: {  	s13 =	simm.s32 @p1 $0x0  }
0xc4: {  	s11 =	sadd.s32 s11, s13  }
0xc5: {  	_ =	strace @!p2 $0x90000053;
	s13 =	sshll.u32 @!p2 s14, $0x4;
	s11 =	sand.u32 @!p2 $0x1, s11  }
0xc6: {  	_ =	strace @!p2 $0x80000054;
	s13 =	sand.u32 @!p2 $0x1FFFFFF0, s13;
	s14 =	sshll.u32 @!p2 s11, $0x7  }
0xc7: {  	s11 =	sadd.s32 @!p2 $0x5, s11;
	s13 =	sadd.s32 @!p2 s6, s13;
	s14 =	sor.u32 @!p2 $0x13260, s14  }
0xc8: {  	[tilespmem:s14], [sflag:s11] =	stream.linear.gather @!p2 [hbm4b:s13+s17], $0x80, $0x200038;
	[tilespmem:$0x13360] =	vst v63  }
0xc9: {  	s11 =	simm.s32 $0x1  }
0xca: {  	s11 =	simm.s32 @!p0 $0x0  }
0xcb: {  	s19 =	sadd.s32 s11, s10  }
0xcc: {  	_ =	strace @!p2 $0x90000054;
	s20 =	sand.u32 $0x1, s19  }
0xcd: {  	_ =	strace $0x80000055;
	s13 =	sadd.s32 $0x3, s20  }
0xce: {  	_ =	swait.ge [sflag:s13], $0x2000  }
0xcf: {  	[sflag:s13] =	ssyncset.done $0x0  }
0xd0: {  	s11 =	sadd.s32 s11, s12;
	[sflag:s13] =	ssyncadd.s32 $0xFFFFE000  }
0xd1: {  	s12 =	sand.u32 $0x1, s11;
	_ =	strace $0x90000055  }
0xd2: {  	s12 =	sadd.s32 $0x5, s12;
	_ =	strace $0x80000056  }
0xd3: {  	_ =	swait.ge [sflag:s12], $0x80  }
0xd4: {  	[sflag:s12] =	ssyncset.done $0x0  }
0xd5: {  	s10 =	sshll.u32 s19, $0xD;
	s11 =	sshll.u32 s11, $0x7;
	[sflag:s12] =	ssyncadd.s32 $0xFFFFFF80  }
0xd6: {  	s10 =	sand.u32 $0x2000, s10;
	s11 =	sand.u32 $0x80, s11;
	_ =	strace $0x90000056  }
0xd7: {  	s10 =	sadd.s32 $0xF260, s10;
	s11 =	sor.u32 $0x13260, s11;
	_ =	strace $0x80000057  }
0xd8: {  	[spmem:s1] =	stream.indirect.scatter.add.f32 [tilespmem:s10], [sflag:$0x1], $0x40, s11, s31, $0x2000b8;
	[tilespmem:$0x13360] =	vst v63  }
0xd9: {  	_ = 	snop  }
0xda: {  	[spmem:s2] =	stream.indirect.scatter.add.f32 [tilespmem:s0], [sflag:$0x2], $0x10, s11, s31, $0x2000b8;
	[tilespmem:$0x13360] =	vst v63  }
0xdb: {  	_ =	swait.ge [sflag:s4], $0x2000  }
0xdc: {  	[sflag:s4] =	ssyncset.done $0x0  }
0xdd: {  	[sflag:s4] =	ssyncadd.s32 $0xFFFFE000  }
0xde: {  	_ =	swait.ge [sflag:s9], $0x800  }
0xdf: {  	[sflag:s9] =	ssyncset.done $0x0  }
0xe0: {  	[sflag:s9] =	ssyncadd.s32 $0xFFFFF800  }
0xe1: {  	_ =	strace $0x90000057  }
0xe2: {  	s21 =	stileid.u32;
	[bflag:$0x0] =	sbarrier.arrive $0xFFFF  }
0xe3: {  	s10 =	sshll.u32 s21, $0x6;
	s22 =	rddreg [dreg:$0xe]  }
0xe4: {  	s10 =	sor.u32 $0x1C03, s10;
	s23 =	rddreg [dreg:$0x14]  }
0xe5: {  	[hbm:s22], [sflag:s10] =	dma.local [spmem:s23], $0x1388  }
0xe6: {  	_ =	swait.ge [sflag:s29], $0x1388  }
0xe7: {  	[sflag:s29] =	ssyncset.done $0x0;
	s24 =	rddreg [dreg:$0x10]  }
0xe8: {  	s25 =	rddreg [dreg:$0x15];
	[sflag:s29] =	ssyncadd.s32 $0xFFFFEC78  }
0xe9: {  	[hbm:s24], [sflag:s10] =	dma.local [spmem:s25], $0x4E2  }
0xea: {  	_ =	swait.ge [sflag:s29], $0x4E2  }
0xeb: {  	s3 =	sadd.s32 $0x1, s3;
	s28 =	rddreg [dreg:$0x7]  }
0xec: {  	p0 =	sne.s32 s3, s28  }
.Ltmp5:
0xed: {  	_ = 	snop;
	(pc) =	sbr.rel @p0 .LBB2_1-.Ltmp5, $4  }
.Ltmp6:
0xee: {  	_ = 	snop;
	(pc) =	sbr.rel @!p0 .LBB2_12-.Ltmp6, $4  }
0xef: {  	_ = 	snop  }
0xf0: {  	[sflag:s29] =	ssyncset.done $0x0  }
0xf1: {  	[sflag:s29] =	ssyncadd.s32 $0xFFFFFB1E  }
0xf2: {  	_ = 	snop  }
.LBB2_6:
.Ltmp7:
0xf3: {  	(pc) =	sbr.rel .LBB2_11-.Ltmp7, $2  }
0xf4: {  	_ =	sdelay $0x2  }
0xf5: {  	s11 =	simm.s32 $0x1;
	s12 =	simm.s32 $0x0  }
.LBB2_8:
.Ltmp8:
0xf6: {  	(pc) =	sbr.rel .LBB2_11-.Ltmp8, $2  }
0xf7: {  	_ =	sdelay $0x2  }
0xf8: {  	s18 =	smov.u32 s16;
	s17 =	smov.u32 s14  }
.LBB2_12:
0xf9: {  	_ =	sfence.sel $0x180000  }
0xfa: {  	[bflag:$0x0] =	sbarrier.arrive $0xFFFF  }
0xfb: {  	_ =	strace $0x90000051  }
0xfc: {  	s0 =	stileid.u32;
	[bflag:$0x2] =	sbarrier.arrive $0xFFFF  }
0xfd: {  	p0 =	sne.s32 s0, $0x0;
	s0 =	rddreg [dreg:$0x4]  }
0xfe: {  	s0 =	sadd.s32 @!p0 $0x100000, s0  }
0xff: {  	[sflag:s0] =	ssyncadd.tile.s32 @!p0 $0x1;
	_ =	shalt  }
.Lfunc_end2:
_tile_overlayer_lowered:
.L_overlay_start_2:
0x100: {  	(tag) =	ssettag $0x2  }
0x101: {  	s0 =	rddreg [dreg:$0x0];
	s2 =	stileid.u32  }
0x102: {  	s1 =	rddreg [dreg:$0x1];
	p0 =	sne.s32 s2, $0x0  }
0x103: {  	s3 =	rddreg [dreg:$0x2];
	[bflag:$0x3] =	sbarrier.arrive $0xFFFF;
	s2 =	simm.s32 @!p0 $0x1C03  }
0x104: {  	[timem:s3], [sflag:s2] =	dma.local @!p0 [hbm:s0], s1  }
0x105: {  	s0 =	simm.s32 @!p0 $0x3  }
0x106: {  	_ =	swait.ge @!p0 [sflag:s0], s1  }
0x107: {  	s1 =	ssub.s32 @!p0 $0x0, s1;
	[sflag:s0] =	ssyncset.done @!p0 $0x0  }
0x108: {  	[sflag:s0] =	ssyncadd.s32 @!p0 s1  }
0x109: {  	[bflag:$0x3] =	sbarrier.arrive $0xFFFF  }
0x10a: {  	_ =	shalt  }

// kernel: kernel.8.cloned.1.call-start
scs
__scs_entry_jumppad:
0x0: {  	(pc) =	sbr.rel $0x88, $3  }
0x1: {  	(tag) =	ssettag $0x0;
	lr =	simm.s32 $0x1  }
0x2: {  	[smem:$0x3F7C] =	sst lr;
	_ =	strace $0xD0000000  }
0x3: {  	_ = 	snop  }
0x4: {  	_ = 	snop  }
0x5: {  	_ = 	snop  }
0x6: {  	_ = 	snop  }
0x7: {  	_ = 	snop  }
__scs_overlays_trampoline_lowered:
0x8: {  	[smem:$0x3F8B] =	sst s0  }
0x9: {  	[smem:$0x3F8C] =	sst s1  }
0xa: {  	[smem:$0x3F8D] =	sst s2  }
0xb: {  	[smem:$0x3F8E] =	sst s3  }
0xc: {  	[smem:$0x3F8F] =	sst s4  }
0xd: {  	[smem:$0x3F90] =	sst s5  }
0xe: {  	[smem:$0x3F91] =	sst s6  }
0xf: {  	[smem:$0x3F92] =	sst s7  }
0x10: {  	[smem:$0x3F93] =	sst s8  }
0x11: {  	[smem:$0x3F94] =	sst s9;
	s0 =	simm.s32 @!p0 $0x0  }
0x12: {  	s1 =	sld [smem:$0x3F7A];
	s0 =	simm.s32 @p0 $0x1  }
0x13: {  	[smem:$0x3F95] =	sst s0;
	s0 =	simm.s32 @!p1 $0x0  }
0x14: {  	s2 =	sld [smem:$0x3F79];
	s0 =	simm.s32 @p1 $0x1  }
0x15: {  	[smem:$0x3F96] =	sst s0;
	s0 =	simm.s32 @!p2 $0x0  }
0x16: {  	s3 =	sld [smem:$0x3FDB];
	s0 =	simm.s32 @p2 $0x1  }
0x17: {  	s4 =	simm.s32 $0x1BF5;
	[smem:$0x3F98] =	sst s0  }
0x18: {  	s0 =	sld [smem:$0x3F7B];
	_ =	swait.ge [sflag:s4], $0x0  }
0x19: {  	s7 =	sld [smem:$0x3F7C]  }
0x1a: {  	s8 =	sadd.s32 $0xFFFFE003, lr  }
0x1b: {  	s9 =	sadd.s32 $0xFFFFFEF7, lr;
	s5 =	simm.s32 $0xFFFFFFFF;
	p2 =	slt.u32 s8, $0xFFFFF086  }
0x1c: {  	p1 =	slt.u32 s9, $0xF7A;
	s5 =	simm.s32 @!p2 $0x0  }
0x1d: {  	s5 =	simm.s32 @p1 $0x1;
	p0 =	seq.s32 s7, s2  }
0x1e: {  	s7 =	smul.u32 @!p0 $0xF7A, s2;
	p2 =	seq.s32 @!p0 s5, $0x0  }
0x1f: {  	s9 =	smul.u32 $0xF7A, s1;
	s8 =	simm.s32 @!p0 $0x1BF5;
	p2 =	por !p2, p0  }
0x20: {  	[sflag:s8] =	ssyncset.s32 @!p0 $0xFFFFF086;
	s6 =	sadd.s32 @!p0 s3, s7;
	s7 =	simm.s32 @!p0 $0x108  }
0x21: {  	s3 =	sadd.s32 s3, s9;
	s6 =	sadd.s32 @!p0 $0x88, s6;
	s7 =	simm.s32 @p2 $0x1082  }
0x22: {  	[simem:s7], [sflag:s8] =	dma.local @!p0 [hbm:s6], $0xF7A  }
0x23: {  	s9 =	sor.u32 $0xD0000000, s2;
	s6 =	simm.s32 $0x108;
	_ =	swait.ge @!p0 [sflag:s8], $0x0  }
0x24: {  	s3 =	sadd.s32 $0x88, s3;
	s6 =	simm.s32 @!p1 $0x1082;
	[sflag:s4] =	ssyncset.s32 $0xFFFFF086  }
0x25: {  	[simem:s6], [sflag:s4] =	dma.local [hbm:s3], $0xF7A  }
0x26: {  	[smem:$0x3F7C] =	sst s1;
	(tag) =	ssettag s2;
	_ =	strace s9  }
0x27: {  	s1 =	sld [smem:$0x3F8C]  }
0x28: {  	s2 =	sld [smem:$0x3F8D]  }
0x29: {  	s4 =	sld [smem:$0x3F8F]  }
0x2a: {  	p0 =	seq.s32 s5, $0x0;
	s5 =	sld [smem:$0x3F90]  }
0x2b: {  	s6 =	sld [smem:$0x3F91]  }
0x2c: {  	s7 =	sld [smem:$0x3F92]  }
0x2d: {  	s3 =	simm.s32 $0x108;
	s8 =	sld [smem:$0x3F93]  }
0x2e: {  	s3 =	simm.s32 @!p0 $0x1082;
	s9 =	sld [smem:$0x3F94]  }
0x2f: {  	lr =	sadd.s32 s0, s3;
	s0 =	sld [smem:$0x3F8B]  }
0x30: {  	s3 =	sld [smem:$0x3F8E]  }
0x31: {  	[smem:$0x3F97] =	sst s10  }
0x32: {  	s10 =	sld [smem:$0x3F95];
	_ =	sdelay $0x3  }
0x33: {  	p0 =	seq.s32 s10, $0x1;
	s10 =	sld [smem:$0x3F97];
	_ =	sdelay $0x3  }
0x34: {  	[smem:$0x3F97] =	sst s10  }
0x35: {  	s10 =	sld [smem:$0x3F96];
	_ =	sdelay $0x3  }
0x36: {  	p1 =	seq.s32 s10, $0x1;
	s10 =	sld [smem:$0x3F97];
	_ =	sdelay $0x3  }
0x37: {  	[smem:$0x3F97] =	sst s10  }
0x38: {  	s10 =	sld [smem:$0x3F98]  }
0x39: {  	_ = 	snop;
	(pc) =	sbr.ind lr, $3  }
0x3a: {  	_ = 	snop  }
0x3b: {  	_ = 	snop  }
0x3c: {  	p2 =	seq.s32 s10, $0x1;
	s10 =	sld [smem:$0x3F97]  }
0x3d: {  	_ =	shalt  }
0x3e: {  	_ =	shalt  }
0x3f: {  	_ =	shalt  }
0x40: {  	_ =	shalt  }
0x41: {  	_ =	shalt  }
0x42: {  	_ =	shalt  }
0x43: {  	_ =	shalt  }
0x44: {  	_ =	shalt  }
0x45: {  	_ =	shalt  }
0x46: {  	_ =	shalt  }
0x47: {  	_ =	shalt  }
0x48: {  	_ =	shalt  }
0x49: {  	_ =	shalt  }
0x4a: {  	_ =	shalt  }
0x4b: {  	_ =	shalt  }
0x4c: {  	_ =	shalt  }
0x4d: {  	_ =	shalt  }
0x4e: {  	_ =	shalt  }
0x4f: {  	_ =	shalt  }
0x50: {  	_ =	shalt  }
0x51: {  	_ =	shalt  }
0x52: {  	_ =	shalt  }
0x53: {  	_ =	shalt  }
0x54: {  	_ =	shalt  }
0x55: {  	_ =	shalt  }
0x56: {  	_ =	shalt  }
0x57: {  	_ =	shalt  }
0x58: {  	_ =	shalt  }
0x59: {  	_ =	shalt  }
0x5a: {  	_ =	shalt  }
0x5b: {  	_ =	shalt  }
0x5c: {  	_ =	shalt  }
0x5d: {  	_ =	shalt  }
0x5e: {  	_ =	shalt  }
0x5f: {  	_ =	shalt  }
0x60: {  	_ =	shalt  }
0x61: {  	_ =	shalt  }
0x62: {  	_ =	shalt  }
0x63: {  	_ =	shalt  }
0x64: {  	_ =	shalt  }
0x65: {  	_ =	shalt  }
0x66: {  	_ =	shalt  }
0x67: {  	_ =	shalt  }
0x68: {  	_ =	shalt  }
0x69: {  	_ =	shalt  }
0x6a: {  	_ =	shalt  }
0x6b: {  	_ =	shalt  }
0x6c: {  	_ =	shalt  }
0x6d: {  	_ =	shalt  }
0x6e: {  	_ =	shalt  }
0x6f: {  	_ =	shalt  }
0x70: {  	_ =	shalt  }
0x71: {  	_ =	shalt  }
0x72: {  	_ =	shalt  }
0x73: {  	_ =	shalt  }
0x74: {  	_ =	shalt  }
0x75: {  	_ =	shalt  }
0x76: {  	_ =	shalt  }
0x77: {  	_ =	shalt  }
0x78: {  	_ =	shalt  }
0x79: {  	_ =	shalt  }
0x7a: {  	_ =	shalt  }
0x7b: {  	_ =	shalt  }
0x7c: {  	_ =	shalt  }
0x7d: {  	_ =	shalt  }
0x7e: {  	_ =	shalt  }
0x7f: {  	_ =	shalt  }
0x80: {  	_ =	shalt  }
0x81: {  	_ =	shalt  }
0x82: {  	_ =	shalt  }
0x83: {  	_ =	shalt  }
0x84: {  	_ =	shalt  }
0x85: {  	_ =	shalt  }
0x86: {  	_ =	shalt  }
0x87: {  	_ =	shalt  }
.Lfunc_end0:
.L_simem_size_0:
called_computation_lowered:
.L_overlay_start_0:
0x88: {  	s2 =	sld [smem:$0x3FD9]  }
0x89: {  	s3 =	sld [smem:$0x3FFE];
	_ =	sdelay $0x1  }
0x8a: {  	s1 =	srdreg.scid  }
0x8b: {  	s0 =	sand.u32 $0x1, s1  }
0x8c: {  	s14 =	sshll.u32 s0, $0xA;
	s2 =	sadd.s32 s3, s2  }
0x8d: {  	s2 =	sadd.s32 s2, s14  }
0x8e: {  	[smem:$0x3FA3] =	sst s2  }
0x8f: {  	_ = 	snop  }
0x90: {  	s2 =	sld [smem:$0x3FD0];
	_ =	sdelay $0x2  }
0x91: {  	s15 =	simm.s32 $0xA;
	s4 =	simm.s32 $0x10  }
0x92: {  	[smem:s4], [sflag:s15] =	dma.local [hbm:s2], $0x1  }
0x93: {  	_ =	swait.eq [sflag:s15], $0x1  }
0x94: {  	[sflag:s15] =	ssyncset.done $0x0  }
0x95: {  	[sflag:s15] =	ssyncadd.s32 $0xFFFFFFFF  }
0x96: {  	s16 =	sld [smem:$0x10];
	(tm) =	ssettm $0x1  }
0x97: {  	s17 =	sld [smem:$0x3FFB];
	_ =	sdelay $0x3  }
0x98: {  	_ =	strace s17  }
0x99: {  	s3 =	sld [smem:$0x3FFC];
	_ =	sdelay $0x3  }
0x9a: {  	_ =	strace s3  }
0x9b: {  	s3 =	sld [smem:$0x3FFD];
	_ =	sdelay $0x3  }
0x9c: {  	_ =	strace s3  }
0x9d: {  	_ =	strace $0x8FFFFFFF  }
0x9e: {  	s18 =	sld [smem:$0x3FDB];
	_ =	sdelay $0x1  }
0x9f: {  	s19 =	simm.s32 $_scs_section_size  }
0xa0: {  	s5 =	simm.s32 $_size__tile_overlayer_lowered;
	s6 =	simm.s32 $_tile_overlayer_lowered  }
0xa1: {  	s22 =	simm.s32 $0x1BFF;
	s21 =	sshll.u32 s6, $0x1;
	s3 =	sadd.s32 s19, s18  }
0xa2: {  	s7 =	simm.s32 $0x0;
	s20 =	sshll.u32 s5, $0x1;
	s5 =	sadd.s32 s21, s3  }
0xa3: {  	[timem:s7], [sflag:s22] =	dma.local [hbm:s5], s20  }
0xa4: {  	_ =	swait.ge [sflag:s22], s20  }
0xa5: {  	s4 =	ssub.s32 $0x0, s20;
	[sflag:s22] =	ssyncset.done $0x0  }
0xa6: {  	[sflag:s22] =	ssyncadd.s32 s4;
	_ =	sdelay $0x1  }
0xa7: {  	s23 =	simm.s32 $0x1B8B  }
0xa8: {  	_ =	swait.ge [sflag:s23], $0x1  }
0xa9: {  	[sflag:s23] =	ssyncset.done $0x0  }
0xaa: {  	s25 =	simm.s32 $0x1B8E;
	s24 =	sld [smem:$0x3FFE];
	[sflag:s23] =	ssyncadd.s32 $0xFFFFFFFF  }
0xab: {  	s26 =	simm.s32 $execute0_lowered;
	[smem:$0x3FD2] =	sst s25  }
0xac: {  	s5 =	sshll.u32 s26, $0x1;
	_ =	strace $0x80000046;
	[dreg:$0x1] =	wrdreg $0xFFFFFFFF  }
0xad: {  	s28 =	simm.s32 $_size_execute0_lowered;
	s3 =	sadd.s32 s3, s5;
	[dreg:$0x0] =	wrdreg $0x0  }
0xae: {  	s5 =	sshll.u32 s28, $0x1;
	[dreg:$0x2] =	wrdreg s3  }
0xaf: {  	[dreg:$0x3] =	wrdreg s5  }
0xb0: {  	[dreg:$0x4] =	wrdreg $0xC0  }
0xb1: {  	_ =	task [dreg:s7], $0x5FFFF  }
0xb2: {  	[dreg:$0x1] =	wrdreg $0xFFFFFFFF  }
0xb3: {  	[dreg:$0x0] =	wrdreg $0x60  }
0xb4: {  	[dreg:$0x2] =	wrdreg s24  }
0xb5: {  	[dreg:$0x3] =	wrdreg s16  }
0xb6: {  	[dreg:$0x4] =	wrdreg $0x0  }
0xb7: {  	[dreg:$0x5] =	wrdreg $0x9  }
0xb8: {  	_ =	task.clear_ibuf [dreg:s7], $0x6FFFF;
	_ =	strace $0x90000046  }
0xb9: {  	s29 =	simm.s32 $0x9;
	_ =	strace $0x8000004F  }
0xba: {  	_ =	swait.ge [sflag:s29], $0x1  }
0xbb: {  	[sflag:s29] =	ssyncadd.s32 $0xFFFFFFFF  }
0xbc: {  	_ =	strace $0x9000004F  }
0xbd: {  	_ =	sfence  }
0xbe: {  	s30 =	sld [smem:$0x0];
	_ =	sdelay $0x2  }
0xbf: {  	s31 =	sshll.u32 s1, $0xD;
	s1 =	sshrl.u32 s1, $0x2  }
0xc0: {  	s3 =	sand.u32 $0x4000, s31;
	s1 =	sadd.s32 s1, s30  }
0xc1: {  	s0 =	sor.u32 s3, s0;
	s1 =	sshll.u32 s1, $0x11  }
0xc2: {  	s0 =	sor.u32 s1, s0  }
0xc3: {  	s0 =	sadd.s32 $0x8F2B, s0  }
0xc4: {  	[sflag:s0] =	ssyncadd.remote.s32 $0x1  }
0xc5: {  	_ =	sfence.sel $0xFFFF  }
0xc6: {  	[dreg:$0x0] =	wrdreg $0xFFFFFFFF;
	(pc) =	sbr.abs _section_cstart, $3  }
0xc7: {  	[dreg:$0x1] =	wrdreg $0xFFFFFFFF  }
0xc8: {  	_ =	task.clear_ibuf [dreg:s7], $0x2FFFF;
	_ =	strace $0x9FFFFFFF  }
0xc9: {  	(tm) =	ssettm $0x7FFFFFFF  }
tec
execute0_lowered:
.L_overlay_start_1:
0x0: {  	(tag) =	ssettag $0x1  }
0x1: {  	s0 =	rddreg [dreg:$0x0]  }
0x2: {  	s2 =	rddreg [dreg:$0x1]  }
0x3: {  	s3 =	rddreg [dreg:$0x2]  }
0x4: {  	s11 =	stileid.u32;
	s1 =	srdreg.scid  }
0x5: {  	s4 =	simm.s32 $0x0;
	s19 =	simm.s32 $0x80;
	s7 =	smul.u32 $0x13880, s11  }
0x6: {  	s1 =	sand.u32 $0x1, s1;
	[smem:$0x7FF] =	sst s4;
	s24 =	sshll.u32 s11, $0x6  }
0x7: {  	s5 =	sshll.u32 s1, $0x4;
	_ =	strace $0x80000047;
	s1 =	ssub.s32 $0x2, s1  }
0x8: {  	s6 =	sshrl.u32 s7, $0x3;
	s8 =	sor.u32 s11, s5;
	s5 =	sadd.s32 $0x5AA00, s0  }
0x9: {  	s21 =	sshrl.u32 s1, $0x1;
	s22 =	sadd.s32 s7, s3;
	s20 =	smul.u32 $0x9C, s8  }
0xa: {  	s7 =	sor.u32 $0x1C01, s24;
	s9 =	sadd.s32 s6, s0;
	s10 =	smul.u32 $0x9D, s8  }
0xb: {  	s0 =	ssub.s32 s1, s21;
	p0 =	slt.u32 s8, $0x8;
	s8 =	simm.s32 $0x9D  }
0xc: {  	[dreg:$0x5] =	wrdreg s7;
	s16 =	sshrl.u32 s22, $0x3;
	s21 =	simm.s32 $0x5  }
0xd: {  	s22 =	simm.s32 $0x1;
	s23 =	sadd.s32 $0x9600, s9;
	s6 =	sadd.s32 $0x8, s20  }
0xe: {  	s8 =	simm.s32 @!p0 $0x9C;
	s0 =	smax.u32 s0, $0x1;
	s6 =	smov.u32 @p0 s10  }
0xf: {  	[dreg:$0x4] =	wrdreg s23;
	s30 =	sadd.s32 $0xFFFFFFFF, s8;
	s25 =	sshll.u32 s6, $0x4  }
0x10: {  	[dreg:$0x8] =	wrdreg s0;
	s15 =	sadd.s32 $0xFFFFFFFE, s8;
	s26 =	sand.u32 $0x1FFFFFF0, s25  }
0x11: {  	s20 =	simm.s32 $0x13980;
	s28 =	sadd.s32 $0x10, s25;
	s7 =	sadd.s32 s2, s26  }
0x12: {  	s29 =	sshll.u32 s6, $0xA;
	[dreg:$0x6] =	wrdreg s7;
	s7 =	sand.u32 $0x1FFFFFF0, s28  }
0x13: {  	[dreg:$0x7] =	wrdreg s30;
	s9 =	sand.u32 $0x1FFFFC00, s29;
	s31 =	sadd.s32 s2, s7  }
0x14: {  	s23 =	simm.s32 $0x0;
	s14 =	sadd.s32 s5, s9;
	[dreg:$0x9] =	wrdreg s31  }
.LBB2_1:
0x15: {  	s0 =	rddreg [dreg:$0x4]  }
0x16: {  	s1 =	rddreg [dreg:$0x5]  }
0x17: {  	[spmem:s16], [sflag:s1] =	dma.local [hbm:s0], $0x2710  }
0x18: {  	_ =	swait.ge [sflag:s22], $0x2710  }
0x19: {  	[sflag:s22] =	ssyncset.done $0x0  }
0x1a: {  	[sflag:s22] =	ssyncadd.s32 $0xFFFFD8F0  }
0x1b: {  	[bflag:$0x0] =	sbarrier.arrive $0xFFFF  }
0x1c: {  	_ =	strace $0x80000048  }
0x1d: {  	s25 =	simm.s32 $0x13880;
	s24 =	rddreg [dreg:$0x6]  }
0x1e: {  	[tilespmem:s25], [sflag:$0x1] =	stream.linear.gather [hbm4b:s24+s4], $0x80, $0x200038;
	[tilespmem:$0x17980] =	vst v63  }
0x1f: {  	_ =	strace $0x90000048  }
0x20: {  	_ =	strace $0x80000049  }
0x21: {  	s7 =	simm.s32 $0x13900;
	s26 =	rddreg [dreg:$0x9]  }
0x22: {  	[tilespmem:s7], [sflag:$0x2] =	stream.linear.gather [hbm4b:s26+s4], $0x80, $0x200038;
	[tilespmem:$0x17980] =	vst v63  }
0x23: {  	_ =	strace $0x90000049  }
0x24: {  	_ =	strace $0x8000004A  }
0x25: {  	_ =	swait.ge [sflag:s22], $0x80  }
0x26: {  	[sflag:s22] =	ssyncset.done $0x0  }
0x27: {  	s28 =	simm.s32 $0x80;
	[sflag:s22] =	ssyncadd.s32 $0xFFFFFF80  }
0x28: {  	s29 =	sand.u32 $0x1, s22;
	s18 =	simm.s32 $0x1;
	_ =	strace $0x9000004A  }
0x29: {  	p0 =	seq.s32 s8, $0x2;
	p3 =	sne.s32 s15, $0x1;
	_ =	strace $0x8000004B  }
0x2a: {  	[tilespmem:s20], [sflag:$0x5] =	stream.indirect.gather [spmem:s3], $0x40, s25, s19, $0x2000b8;
	[tilespmem:$0x17980] =	vst v63  }
0x2b: {  	s30 =	sadd.s32 $0x1, s6;
	p1 =	por $0x0, $0x0;
	_ =	swait.ge [sflag:s21], $0x2000  }
0x2c: {  	s0 =	sand.u32 $0x80, s28;
	s1 =	simm.s32 $0x2;
	[sflag:s21] =	ssyncset.done $0x0  }
.Ltmp0:
0x2d: {  	s1 =	simm.s32 @p0 $0x0;
	[sflag:s21] =	ssyncadd.s32 $0xFFFFE000;
	(pc) =	sbr.rel @!p3 .LBB2_2-.Ltmp0, $4  }
0x2e: {  	s31 =	sadd.s32 $0x1, s29;
	p0 =	seq.s32 s1, $0x1;
	_ =	strace $0x9000004B  }
0x2f: {  	p2 =	sne.s32 s1, $0x1;
	s25 =	simm.s32 $0x2;
	_ =	strace $0x8000004C  }
0x30: {  	[hbm4b:s14+s4] =	stream.linear.scatter [tilespmem:s20], [sflag:$0x3], $0x2000, $0x200038;
	[tilespmem:$0x17980] =	vst v63  }
0x31: {  	s11 =	sadd.s32 @!p0 s6, s1;
	s10 =	sand.u32 @!p0 $0x1, s25;
	_ =	strace $0x9000004C  }
0x32: {  	s7 =	sshll.u32 @!p0 s11, $0x4  }
0x33: {  	s9 =	sshll.u32 @!p0 s10, $0x7;
	s11 =	simm.s32 @!p0 $0x0;
	_ =	strace @!p0 $0x80000049  }
0x34: {  	s10 =	sadd.s32 @!p0 $0x1, s10;
	s0 =	sadd.s32 $0x13880, s0;
	s7 =	sand.u32 @!p0 $0x1FFFFFF0, s7  }
0x35: {  	s28 =	sadd.s32 $0x1, s1;
	s9 =	sadd.s32 @!p0 $0x13880, s9;
	s7 =	sadd.s32 @!p0 s2, s7  }
0x36: {  	[tilespmem:s9], [sflag:s10] =	stream.linear.gather @!p0 [hbm4b:s7+s11], $0x80, $0x200038;
	[tilespmem:$0x17980] =	vst v63  }
0x37: {  	s24 =	simm.s32 $0x2;
	p1 =	seq.s32 s28, s8;
	_ =	strace @!p0 $0x90000049  }
0x38: {  	p3 =	sne.s32 s15, $0x2;
	s28 =	simm.s32 @p1 $0x0;
	_ =	strace $0x8000004A  }
0x39: {  	p1 =	por $0x1, $0x1;
	s7 =	simm.s32 $0x1;
	_ =	swait.ge [sflag:s31], $0x80  }
0x3a: {  	s9 =	sshll.u32 @!p0 s30, $0xA;
	s10 =	sand.u32 $0x1, s22;
	[sflag:s31] =	ssyncset.done $0x0  }
0x3b: {  	s30 =	sadd.s32 s6, s1;
	s9 =	sand.u32 @!p0 $0x1FFFFC00, s9;
	[sflag:s31] =	ssyncadd.s32 $0xFFFFFF80  }
0x3c: {  	s7 =	simm.s32 @!p2 $0x0;
	s17 =	sshll.u32 s10, $0xD;
	_ =	strace $0x9000004A  }
0x3d: {  	s10 =	sadd.s32 @!p0 $0x3, s10;
	s17 =	sadd.s32 $0x13980, s17;
	_ =	strace $0x8000004B  }
0x3e: {  	[tilespmem:s17], [sflag:$0x5] =	stream.indirect.gather [spmem:s3], $0x40, s0, s19, $0x2000b8;
	[tilespmem:$0x17980] =	vst v63  }
0x3f: {  	p2 =	sne.s32 s1, s28;
	s25 =	sadd.s32 $0x2, s7;
	_ =	swait.ge [sflag:s21], $0x2000  }
0x40: {  	s7 =	sadd.s32 $0x1, s7;
	s9 =	sadd.s32 @!p0 s5, s9;
	[sflag:s21] =	ssyncset.done $0x0  }
0x41: {  	s13 =	sshll.u32 s7, $0x7;
	s26 =	sand.u32 $0x1, s7;
	[sflag:s21] =	ssyncadd.s32 $0xFFFFE000  }
0x42: {  	s29 =	smov.u32 s7;
	s31 =	sadd.s32 $0x1, s26;
	_ =	strace $0x9000004B  }
.Ltmp1:
0x43: {  	s26 =	smov.u32 s7;
	_ =	strace @!p0 $0x8000004C;
	(pc) =	sbr.rel @!p3 .LBB2_4-.Ltmp1, $4  }
0x44: {  	[hbm4b:s9+s11] =	stream.linear.scatter @!p0 [tilespmem:s17], [sflag:s10], $0x2000, $0x200038;
	[tilespmem:$0x17980] =	vst v63  }
0x45: {  	s0 =	sand.u32 $0x80, s13;
	s17 =	sand.u32 $0x1, s4;
	_ =	strace @!p0 $0x9000004C  }
0x46: {  	s17 =	sadd.s32 $0x3, s17;
	p0 =	seq.s32 s1, s28;
	_ =	strace $0x8000004D  }
0x47: {  	s10 =	sand.u32 @!p0 $0x1, s25;
	s11 =	sadd.s32 @!p0 s6, s28;
	_ =	swait.ge [sflag:s17], $0x2000  }
.LBB2_5:
0x48: {  	s12 =	sshll.u32 @!p0 s11, $0x4  }
0x49: {  	s9 =	simm.s32 @!p0 $0x0;
	[sflag:s17] =	ssyncset.done $0x0;
	s11 =	smov.u32 s18  }
0x4a: {  	s18 =	smov.u32 s24;
	s1 =	smov.u32 s28;
	s13 =	sshll.u32 @!p0 s10, $0x7  }
0x4b: {  	s12 =	sand.u32 @!p0 $0x1FFFFFF0, s12;
	[sflag:s17] =	ssyncadd.s32 $0xFFFFE000;
	s13 =	sadd.s32 @!p0 $0x13880, s13  }
0x4c: {  	s17 =	sshll.u32 @!p0 s30, $0xA;
	s30 =	simm.s32 $0x1;
	s12 =	sadd.s32 @!p0 s2, s12  }
0x4d: {  	s10 =	sadd.s32 @!p0 $0x1, s10;
	s30 =	simm.s32 @!p2 $0x0;
	_ =	strace $0x9000004D  }
0x4e: {  	s17 =	sand.u32 @!p0 $0x1FFFFC00, s17;
	s25 =	sadd.s32 s30, s25;
	_ =	strace @!p0 $0x80000049  }
0x4f: {  	[tilespmem:s13], [sflag:s10] =	stream.linear.gather @!p0 [hbm4b:s12+s9], $0x80, $0x200038;
	[tilespmem:$0x17980] =	vst v63  }
0x50: {  	s7 =	sadd.s32 s30, s7;
	s10 =	sadd.s32 @!p0 s5, s17;
	_ =	strace @!p0 $0x90000049  }
0x51: {  	s29 =	sadd.s32 s30, s29;
	s12 =	sand.u32 $0x1, s26;
	_ =	strace $0x8000004A  }
0x52: {  	s13 =	sand.u32 $0x1, s29;
	s17 =	sshll.u32 s29, $0x7;
	_ =	swait.ge [sflag:s31], $0x80  }
0x53: {  	s17 =	sand.u32 $0x80, s17;
	s26 =	sshll.u32 s12, $0xD;
	[sflag:s31] =	ssyncset.done $0x0  }
0x54: {  	s30 =	sadd.s32 $0x13880, s0;
	[sflag:s31] =	ssyncadd.s32 $0xFFFFFF80;
	s31 =	sadd.s32 $0x13980, s26  }
0x55: {  	s24 =	sadd.s32 $0x1, s24;
	s26 =	smov.u32 s7;
	_ =	strace $0x9000004A  }
0x56: {  	p3 =	sne.s32 s15, s24;
	s0 =	smov.u32 s17;
	_ =	strace $0x8000004B  }
0x57: {  	[tilespmem:s31], [sflag:$0x5] =	stream.indirect.gather [spmem:s3], $0x40, s30, s19, $0x2000b8;
	[tilespmem:$0x17980] =	vst v63  }
0x58: {  	_ =	swait.ge [sflag:s21], $0x2000  }
0x59: {  	s11 =	sand.u32 $0x1, s11;
	[sflag:s21] =	ssyncset.done $0x0  }
0x5a: {  	s12 =	sadd.s32 @!p0 $0x3, s12;
	s30 =	sadd.s32 s6, s28;
	[sflag:s21] =	ssyncadd.s32 $0xFFFFE000  }
0x5b: {  	s17 =	sadd.s32 $0x3, s11;
	s28 =	sadd.s32 $0x1, s28;
	_ =	strace $0x9000004B  }
.Ltmp2:
0x5c: {  	p2 =	seq.s32 s28, s8;
	_ =	strace @!p0 $0x8000004C;
	(pc) =	sbr.rel @p3 .LBB2_5-.Ltmp2, $4  }
0x5d: {  	[hbm4b:s10+s9] =	stream.linear.scatter @!p0 [tilespmem:s31], [sflag:s12], $0x2000, $0x200038;
	[tilespmem:$0x17980] =	vst v63  }
0x5e: {  	s28 =	simm.s32 @p2 $0x0;
	s31 =	sadd.s32 $0x1, s13;
	_ =	strace @!p0 $0x9000004C  }
0x5f: {  	p2 =	sne.s32 s1, s28;
	p0 =	seq.s32 s1, s28;
	_ =	strace $0x8000004D  }
0x60: {  	s10 =	sand.u32 @!p0 $0x1, s25;
	s11 =	sadd.s32 @!p0 s6, s28;
	_ =	swait.ge [sflag:s17], $0x2000  }
0x61: {  	s9 =	smov.u32 s18;
	s18 =	smov.u32 s24;
	s1 =	smov.u32 s28  }
.LBB2_7:
0x62: {  	s11 =	sshll.u32 @!p0 s11, $0x4;
	[sflag:s17] =	ssyncset.done @p1 $0x0  }
0x63: {  	s12 =	sshll.u32 @!p0 s10, $0x7;
	s13 =	simm.s32 @!p0 $0x0;
	[sflag:s17] =	ssyncadd.s32 @p1 $0xFFFFE000  }
0x64: {  	s10 =	sadd.s32 @!p0 $0x1, s10;
	s11 =	sand.u32 @!p0 $0x1FFFFFF0, s11;
	_ =	strace @p1 $0x9000004D  }
0x65: {  	s12 =	sadd.s32 @!p0 $0x13880, s12;
	s11 =	sadd.s32 @!p0 s2, s11;
	_ =	strace @!p0 $0x80000049  }
0x66: {  	[tilespmem:s12], [sflag:s10] =	stream.linear.gather @!p0 [hbm4b:s11+s13], $0x80, $0x200038;
	[tilespmem:$0x17980] =	vst v63  }
0x67: {  	_ =	strace @!p0 $0x90000049  }
0x68: {  	_ =	strace $0x8000004A  }
0x69: {  	_ =	swait.ge [sflag:s31], $0x80  }
0x6a: {  	[sflag:s31] =	ssyncset.done $0x0  }
0x6b: {  	s10 =	sand.u32 $0x1, s26;
	[sflag:s31] =	ssyncadd.s32 $0xFFFFFF80  }
0x6c: {  	s26 =	sshll.u32 s10, $0xD;
	_ =	strace $0x9000004A  }
0x6d: {  	s0 =	sadd.s32 $0x13880, s0;
	s11 =	sadd.s32 $0x13980, s26;
	_ =	strace $0x8000004B  }
0x6e: {  	[tilespmem:s11], [sflag:$0x5] =	stream.indirect.gather [spmem:s3], $0x40, s0, s19, $0x2000b8;
	[tilespmem:$0x17980] =	vst v63  }
0x6f: {  	_ =	swait.ge [sflag:s21], $0x2000  }
0x70: {  	[sflag:s21] =	ssyncset.done $0x0  }
0x71: {  	s0 =	sshll.u32 @!p0 s30, $0xA;
	[sflag:s21] =	ssyncadd.s32 $0xFFFFE000  }
0x72: {  	s0 =	sand.u32 @!p0 $0x1FFFFC00, s0;
	_ =	strace $0x9000004B  }
0x73: {  	s10 =	sadd.s32 @!p0 $0x3, s10;
	s0 =	sadd.s32 @!p0 s5, s0;
	_ =	strace @!p0 $0x8000004C  }
0x74: {  	[hbm4b:s0+s13] =	stream.linear.scatter @!p0 [tilespmem:s11], [sflag:s10], $0x2000, $0x200038;
	[tilespmem:$0x17980] =	vst v63  }
0x75: {  	s9 =	sand.u32 $0x1, s9;
	_ =	strace @!p0 $0x9000004C  }
0x76: {  	s0 =	sadd.s32 $0x3, s9;
	_ =	strace $0x8000004D  }
0x77: {  	s10 =	sadd.s32 $0x1, s1;
	_ =	swait.ge [sflag:s0], $0x2000  }
0x78: {  	s28 =	sadd.s32 $0x1, s18;
	p0 =	seq.s32 s10, s8;
	s30 =	rddreg [dreg:$0x7]  }
0x79: {  	s12 =	simm.s32 $0x1;
	s10 =	simm.s32 @p0 $0x0;
	p0 =	sge.u32 s28, s30  }
0x7a: {  	s12 =	simm.s32 @!p2 $0x0;
	[sflag:s0] =	ssyncset.done $0x0;
	p1 =	seq.s32 @!p0 s1, s10  }
0x7b: {  	s31 =	sadd.s32 s12, s29;
	[sflag:s0] =	ssyncadd.s32 $0xFFFFE000;
	p0 =	por p1, p0  }
0x7c: {  	s9 =	sadd.s32 s12, s25;
	_ =	strace $0x9000004D;
	s11 =	sadd.s32 @!p0 s6, s10  }
0x7d: {  	s9 =	sand.u32 @!p0 $0x1, s9;
	_ =	strace @!p0 $0x80000049;
	s11 =	sshll.u32 @!p0 s11, $0x4  }
0x7e: {  	s24 =	simm.s32 @!p0 $0x0;
	s13 =	sshll.u32 @!p0 s9, $0x7;
	s11 =	sand.u32 @!p0 $0x1FFFFFF0, s11  }
0x7f: {  	s9 =	sadd.s32 @!p0 $0x1, s9;
	s13 =	sadd.s32 @!p0 $0x13880, s13;
	s11 =	sadd.s32 @!p0 s2, s11  }
0x80: {  	[tilespmem:s13], [sflag:s9] =	stream.linear.gather @!p0 [hbm4b:s11+s24], $0x80, $0x200038;
	[tilespmem:$0x17980] =	vst v63  }
0x81: {  	s24 =	sand.u32 $0x1, s31;
	_ =	strace @!p0 $0x90000049  }
0x82: {  	s9 =	sadd.s32 $0x1, s24;
	_ =	strace $0x8000004A  }
0x83: {  	s7 =	sadd.s32 s12, s7;
	_ =	swait.ge [sflag:s9], $0x80  }
0x84: {  	s7 =	sand.u32 $0x1, s7;
	s25 =	sshll.u32 s31, $0x7;
	[sflag:s9] =	ssyncset.done $0x0  }
0x85: {  	s26 =	sshll.u32 s7, $0xD;
	s28 =	sand.u32 $0x80, s25;
	[sflag:s9] =	ssyncadd.s32 $0xFFFFFF80  }
0x86: {  	s29 =	sadd.s32 $0x13880, s28;
	p0 =	seq.s32 s15, s18;
	_ =	strace $0x9000004A  }
0x87: {  	p1 =	seq.s32 @!p0 s1, s10;
	s9 =	sadd.s32 $0x13980, s26;
	_ =	strace $0x8000004B  }
0x88: {  	[tilespmem:s9], [sflag:$0x5] =	stream.indirect.gather [spmem:s3], $0x40, s29, s19, $0x2000b8;
	[tilespmem:$0x17980] =	vst v63  }
0x89: {  	p0 =	por p0, !p1;
	_ =	swait.ge [sflag:s21], $0x2000  }
0x8a: {  	s1 =	sadd.s32 @p0 s6, s1;
	[sflag:s21] =	ssyncset.done $0x0  }
0x8b: {  	s1 =	sshll.u32 @p0 s1, $0xA;
	[sflag:s21] =	ssyncadd.s32 $0xFFFFE000  }
0x8c: {  	s1 =	sand.u32 @p0 $0x1FFFFC00, s1;
	_ =	strace $0x9000004B  }
0x8d: {  	s7 =	sadd.s32 @p0 $0x3, s7;
	s1 =	sadd.s32 @p0 s5, s1;
	_ =	strace @p0 $0x8000004C  }
0x8e: {  	[hbm4b:s1+s4] =	stream.linear.scatter @p0 [tilespmem:s9], [sflag:s7], $0x2000, $0x200038;
	[tilespmem:$0x17980] =	vst v63  }
0x8f: {  	s30 =	sand.u32 $0x1, s18;
	_ =	strace @p0 $0x9000004C  }
0x90: {  	s1 =	sadd.s32 $0x3, s30;
	_ =	strace $0x8000004D  }
0x91: {  	_ =	swait.ge [sflag:s1], $0x2000  }
0x92: {  	[sflag:s1] =	ssyncset.done $0x0  }
0x93: {  	[sflag:s1] =	ssyncadd.s32 $0xFFFFE000  }
0x94: {  	_ =	strace $0x9000004D  }
0x95: {  	_ =	strace $0x8000004E  }
0x96: {  	_ =	swait.ge [sflag:s0], $0x2000  }
0x97: {  	s23 =	sadd.s32 $0x1, s23;
	s31 =	rddreg [dreg:$0x8]  }
0x98: {  	p0 =	sne.s32 s23, s31  }
.Ltmp3:
0x99: {  	_ = 	snop;
	(pc) =	sbr.rel @p0 .LBB2_1-.Ltmp3, $4  }
.Ltmp4:
0x9a: {  	_ = 	snop;
	(pc) =	sbr.rel @!p0 .LBB2_8-.Ltmp4, $4  }
0x9b: {  	[sflag:s0] =	ssyncset.done $0x0  }
0x9c: {  	[sflag:s0] =	ssyncadd.s32 $0xFFFFE000  }
0x9d: {  	_ =	strace $0x9000004E  }
0x9e: {  	_ = 	snop  }
.LBB2_2:
.Ltmp5:
0x9f: {  	(pc) =	sbr.rel .LBB2_7-.Ltmp5, $3  }
0xa0: {  	_ =	sdelay $0x1  }
0xa1: {  	s9 =	simm.s32 $0x0  }
0xa2: {  	s7 =	simm.s32 $0x1;
	s26 =	simm.s32 $0x1;
	s29 =	simm.s32 $0x1  }
.LBB2_4:
.Ltmp6:
0xa3: {  	(pc) =	sbr.rel .LBB2_7-.Ltmp6, $3  }
0xa4: {  	_ =	sdelay $0x1  }
0xa5: {  	s9 =	simm.s32 $0x1;
	s18 =	simm.s32 $0x2  }
0xa6: {  	s1 =	smov.u32 s28;
	s26 =	smov.u32 s7;
	s29 =	smov.u32 s7  }
.LBB2_8:
0xa7: {  	_ =	sfence.sel $0x180000  }
0xa8: {  	[bflag:$0x0] =	sbarrier.arrive $0xFFFF  }
0xa9: {  	_ =	strace $0x90000047  }
0xaa: {  	s0 =	stileid.u32;
	[bflag:$0x2] =	sbarrier.arrive $0xFFFF  }
0xab: {  	p0 =	sne.s32 s0, $0x0;
	s0 =	rddreg [dreg:$0x3]  }
0xac: {  	s0 =	sadd.s32 @!p0 $0x100000, s0  }
0xad: {  	[sflag:s0] =	ssyncadd.tile.s32 @!p0 $0x1;
	_ =	shalt  }
.Lfunc_end2:
_tile_overlayer_lowered:
.L_overlay_start_2:
0xae: {  	(tag) =	ssettag $0x2  }
0xaf: {  	s0 =	rddreg [dreg:$0x0];
	s2 =	stileid.u32  }
0xb0: {  	s1 =	rddreg [dreg:$0x1];
	p0 =	sne.s32 s2, $0x0  }
0xb1: {  	s3 =	rddreg [dreg:$0x2];
	[bflag:$0x3] =	sbarrier.arrive $0xFFFF;
	s2 =	simm.s32 @!p0 $0x1C01  }
0xb2: {  	[timem:s3], [sflag:s2] =	dma.local @!p0 [hbm:s0], s1  }
0xb3: {  	s0 =	simm.s32 @!p0 $0x1  }
0xb4: {  	_ =	swait.ge @!p0 [sflag:s0], s1  }
0xb5: {  	s1 =	ssub.s32 @!p0 $0x0, s1;
	[sflag:s0] =	ssyncset.done @!p0 $0x0  }
0xb6: {  	[sflag:s0] =	ssyncadd.s32 @!p0 s1  }
0xb7: {  	[bflag:$0x3] =	sbarrier.arrive $0xFFFF  }
0xb8: {  	_ =	shalt  }

</sc_bundles>
